<compile_context>
chip_gen: v7x
topology: tpu7x:2x2x1
jax: 0.10.2.dev20260603
libtpu: 0.0.44.dev20260713+nightly
codegen_flags: <defaults>
</compile_context>

<pallas_src>
import functools

import jax
import jax.numpy as jnp
from jax import lax
from jax.experimental import pallas as pl
from jax.experimental.pallas import tpu as pltpu
from jax.experimental.pallas import tpu_sc as plsc

NC = 2
NS = 16
NW = NC * NS
LANES = 16
CHUNK = 128


def _deg_kernel(n_groups, group, n_pad, d):
    mesh = plsc.VectorSubcoreMesh(
        core_axis_name="c", subcore_axis_name="s",
        num_cores=NC, num_subcores=NS)
    rpt = n_pad // NS
    n_zero = rpt // CHUNK

    @functools.partial(
        pl.kernel,
        out_type=jax.ShapeDtypeStruct((NC * n_pad, d), jnp.float32),
        mesh=mesh,
        scratch_types=[
            pltpu.VMEM((group, CHUNK), jnp.int32),
            pltpu.VMEM((CHUNK, d), jnp.float32),
            pltpu.VMEM_SHARED((n_pad, d), jnp.float32),
            pltpu.SemaphoreType.DMA,
        ],
    )
    def k(dst4, ones_h, zero_h, degp, dst_idx, buf_v, acc, sem):
        c = lax.axis_index("c")
        s = lax.axis_index("s")
        wid = s * NC + c

        pltpu.sync_copy(zero_h, buf_v)
        for m in range(n_zero):
            pltpu.sync_copy(buf_v, acc.at[pl.ds(s * rpt + m * CHUNK, CHUNK)])
        plsc.subcore_barrier()
        pltpu.sync_copy(ones_h, buf_v)

        def body(t, _):
            pltpu.sync_copy(dst4.at[wid, t], dst_idx)
            descs = [
                pltpu.async_copy(buf_v, acc.at[dst_idx.at[u]], sem, add=True)
                for u in range(group)]
            for dsc in descs:
                dsc.wait()
            return 0
        lax.fori_loop(0, n_groups, body, 0)
        plsc.subcore_barrier()
        off = pl.multiple_of(c * n_pad + s * rpt, CHUNK)
        pltpu.sync_copy(acc.at[pl.ds(s * rpt, rpt)],
                        degp.at[pl.ds(off, rpt)])

    return k


def _agg_kernel(n_groups, group, n_pad, d):
    mesh = plsc.VectorSubcoreMesh(
        core_axis_name="c", subcore_axis_name="s",
        num_cores=NC, num_subcores=NS)
    rpt = n_pad // NS
    n_zero = rpt // CHUNK
    assert group % 2 == 0

    @functools.partial(
        pl.kernel,
        out_type=jax.ShapeDtypeStruct((NC * n_pad, d), jnp.float32),
        mesh=mesh,
        scratch_types=[
            pltpu.VMEM((group, CHUNK), jnp.int32),
            pltpu.VMEM((group, CHUNK), jnp.int32),
            pltpu.VMEM((CHUNK, d), jnp.float32),
            pltpu.VMEM((CHUNK, d), jnp.float32),
            pltpu.VMEM_SHARED((n_pad, d), jnp.float32),
            pltpu.SemaphoreType.DMA,
            pltpu.SemaphoreType.DMA,
        ],
    )
    def k(src4, dst4, g, q, src_idx, dst_idx, rows0, rows1, acc, sem0, sem1):
        c = lax.axis_index("c")
        s = lax.axis_index("s")
        wid = s * NC + c

        def zfill(i, _):
            for t in range(d // LANES):
                rows0[i, pl.ds(t * LANES, LANES)] = jnp.zeros(
                    (LANES,), jnp.float32)
            return 0
        lax.fori_loop(0, CHUNK, zfill, 0)
        for m in range(n_zero):
            pltpu.sync_copy(rows0, acc.at[pl.ds(s * rpt + m * CHUNK, CHUNK)])
        plsc.subcore_barrier()

        def body(t, _):
            pltpu.sync_copy(src4.at[wid, t], src_idx)
            pltpu.sync_copy(dst4.at[wid, t], dst_idx)
            for u in range(0, group, 2):
                d0 = pltpu.async_copy(g.at[src_idx.at[u]], rows0, sem0)
                d1 = pltpu.async_copy(g.at[src_idx.at[u + 1]], rows1, sem1)
                d0.wait()
                pltpu.sync_copy(rows0, acc.at[dst_idx.at[u]], add=True)
                d1.wait()
                pltpu.sync_copy(rows1, acc.at[dst_idx.at[u + 1]], add=True)
            return 0
        lax.fori_loop(0, n_groups, body, 0)
        plsc.subcore_barrier()
        off = pl.multiple_of(c * n_pad + s * rpt, CHUNK)
        pltpu.sync_copy(acc.at[pl.ds(s * rpt, rpt)],
                        q.at[pl.ds(off, rpt)])

    return k


def _agg_kernel2(n_groups, group, n_pad, d, ce):
    mesh = plsc.VectorSubcoreMesh(
        core_axis_name="c", subcore_axis_name="s",
        num_cores=NC, num_subcores=NS)
    rpt = n_pad // NS
    n_zero = rpt // ce
    nbuf = 5
    assert group > nbuf

    @functools.partial(
        pl.kernel,
        out_type=jax.ShapeDtypeStruct((NC * n_pad, d), jnp.float32),
        mesh=mesh,
        scratch_types=[
            pltpu.VMEM((group, ce), jnp.int32),
            pltpu.VMEM((group, ce), jnp.int32),
            pltpu.VMEM((ce, d), jnp.float32),
            pltpu.VMEM((ce, d), jnp.float32),
            pltpu.VMEM((ce, d), jnp.float32),
            pltpu.VMEM((ce, d), jnp.float32),
            pltpu.VMEM((ce, d), jnp.float32),
            pltpu.VMEM_SHARED((n_pad, d), jnp.float32),
            pltpu.SemaphoreType.DMA, pltpu.SemaphoreType.DMA,
            pltpu.SemaphoreType.DMA, pltpu.SemaphoreType.DMA,
            pltpu.SemaphoreType.DMA, pltpu.SemaphoreType.DMA,
            pltpu.SemaphoreType.DMA, pltpu.SemaphoreType.DMA,
            pltpu.SemaphoreType.DMA, pltpu.SemaphoreType.DMA,
        ],
    )
    def k(src4, dst4, g, q, src_idx, dst_idx, r0, r1, r2, r3, r4, acc,
          g0, g1, g2, g3, g4, s0, s1, s2, s3, s4):
        rows = [r0, r1, r2, r3, r4]
        gsem = [g0, g1, g2, g3, g4]
        ssem = [s0, s1, s2, s3, s4]
        c = lax.axis_index("c")
        s = lax.axis_index("s")
        wid = s * NC + c

        def zfill(i, _):
            for t in range(d // LANES):
                r0[i, pl.ds(t * LANES, LANES)] = jnp.zeros(
                    (LANES,), jnp.float32)
            return 0
        lax.fori_loop(0, ce, zfill, 0)
        for m in range(n_zero):
            pltpu.sync_copy(r0, acc.at[pl.ds(s * rpt + m * ce, ce)])
        plsc.subcore_barrier()

        def body(t, _):
            pltpu.sync_copy(src4.at[wid, t], src_idx)
            pltpu.sync_copy(dst4.at[wid, t], dst_idx)
            gd = [None] * group
            sd = [None] * group
            for u in range(nbuf):
                gd[u] = pltpu.async_copy(
                    g.at[src_idx.at[u]], rows[u], gsem[u])
            for u in range(group):
                gd[u].wait()
                sd[u] = pltpu.async_copy(
                    rows[u % nbuf], acc.at[dst_idx.at[u]], ssem[u % nbuf],
                    add=True)
                v = u - 2
                if v >= 0 and v + nbuf < group:
                    sd[v].wait()
                    gd[v + nbuf] = pltpu.async_copy(
                        g.at[src_idx.at[v + nbuf]], rows[v % nbuf],
                        gsem[v % nbuf])
            for u in range(max(0, group - nbuf), group):
                sd[u].wait()
            return 0
        lax.fori_loop(0, n_groups, body, 0)
        plsc.subcore_barrier()
        off = pl.multiple_of(c * n_pad + s * rpt, CHUNK)
        pltpu.sync_copy(acc.at[pl.ds(s * rpt, rpt)],
                        q.at[pl.ds(off, rpt)])

    return k


def _dense_body(x_ref, w_ref, degp_ref, g_ref):
    deg = degp_ref[0] + degp_ref[1]
    dis = lax.rsqrt(jnp.maximum(deg, 1e-12))
    h = jnp.dot(x_ref[...], w_ref[...], preferred_element_type=jnp.float32)
    g_ref[...] = h * dis


def _finish_body(q_ref, degp_ref, b_ref, o_ref):
    deg = degp_ref[0] + degp_ref[1]
    dis = lax.rsqrt(jnp.maximum(deg, 1e-12))
    o_ref[...] = (q_ref[0] + q_ref[1]) * dis + b_ref[...]


def kernel(x, edge_index, W, b):
    n, d_in = x.shape
    d_out = W.shape[1]
    e = edge_index.shape[1]

    src = edge_index[0].astype(jnp.int32)
    dst = edge_index[1].astype(jnp.int32)
    loop = jnp.arange(n, dtype=jnp.int32)
    src = jnp.concatenate([src, loop])
    dst = jnp.concatenate([dst, loop])

    stripe = NS * CHUNK
    n_pad = -(-(n + 1) // stripe) * stripe

    t = e + n
    group = 6
    ce = 64
    group_a = 24
    unit = NW * ce * group_a
    n_ga = -(-t // unit)
    t_pad = n_ga * unit
    n_gd = t_pad // (NW * CHUNK * group)
    fill = n + jnp.arange(t_pad - t, dtype=jnp.int32) % (n_pad - n)
    src = jnp.concatenate([src, fill])
    dst = jnp.concatenate([dst, fill])
    dst4d = dst.reshape(NW, n_gd, group, CHUNK)
    src4a = src.reshape(NW, n_ga, group_a, ce)
    dst4a = dst.reshape(NW, n_ga, group_a, ce)

    degw = 128
    degp = _deg_kernel(n_gd, group, n_pad, degw)(
        dst4d, jnp.ones((CHUNK, degw), jnp.float32),
        jnp.zeros((CHUNK, degw), jnp.float32))
    degp3 = degp.reshape(NC, n_pad, degw)

    blk = 1024
    grid = (n_pad // blk,)
    xp = jnp.pad(x, ((0, n_pad - n), (0, 0)))
    g = pl.pallas_call(
        _dense_body,
        grid=grid,
        in_specs=[
            pl.BlockSpec((blk, d_in), lambda i: (i, 0)),
            pl.BlockSpec((d_in, d_out), lambda i: (0, 0)),
            pl.BlockSpec((NC, blk, 128), lambda i: (0, i, 0)),
        ],
        out_specs=pl.BlockSpec((blk, d_out), lambda i: (i, 0)),
        out_shape=jax.ShapeDtypeStruct((n_pad, d_out), jnp.float32),
    )(xp, W, degp3)

    q = _agg_kernel2(n_ga, group_a, n_pad, d_out, ce)(src4a, dst4a, g)
    q3 = q.reshape(NC, n_pad, d_out)

    out = pl.pallas_call(
        _finish_body,
        grid=grid,
        in_specs=[
            pl.BlockSpec((NC, blk, d_out), lambda i: (0, i, 0)),
            pl.BlockSpec((NC, blk, 128), lambda i: (0, i, 0)),
            pl.BlockSpec((1, d_out), lambda i: (0, 0)),
        ],
        out_specs=pl.BlockSpec((blk, d_out), lambda i: (i, 0)),
        out_shape=jax.ShapeDtypeStruct((n_pad, d_out), jnp.float32),
    )(q3, degp3, b.reshape(1, d_out))

    return out[:n]

# --- scband reference (transcript-rebuilt; emitter-appended) ---
"""Pipeline reference for scband-graph-conv-layer-3607772529056 (READ-ONLY COPY).

The authoritative reference and input builder live on the scoring server;
editing this copy changes nothing except your own understanding.
"""

import jax, jax.numpy as jnp
import numpy as np

N = 10000
E = 320000
D_IN = 128
D_OUT = 128

def setup_inputs(seed: int = 0) -> dict:
    key = jax.random.key(seed)
    k1, k2, k3 = jax.random.split(key, 3)
    x = jax.random.normal(k1, (N, D_IN), dtype=jnp.float32)
    edge_index = jax.random.randint(k2, (2, E), 0, N, dtype=jnp.int64)
    # GCNConv learned parameters: weight [in, out] (glorot-ish) and bias [out]
    W = jax.random.normal(k3, (D_IN, D_OUT), dtype=jnp.float32) * (1.0 / np.sqrt(D_IN))
    b = jnp.zeros((D_OUT,), dtype=jnp.float32)
    return {"x": x, "edge_index": edge_index, "W": W, "b": b}

def reference(x, edge_index, W, b):
    # Faithful GCNConv (PyG defaults): add self-loops, symmetric deg^{-1/2} normalization,
    # out = D^{-1/2} (A + I) D^{-1/2} X W + b
    n = x.shape[0]
    src = edge_index[0]
    dst = edge_index[1]
    loop = jnp.arange(n, dtype=src.dtype)
    src = jnp.concatenate([src, loop])
    dst = jnp.concatenate([dst, loop])
    ones = jnp.ones(src.shape[0], dtype=jnp.float32)
    deg = jax.ops.segment_sum(ones, dst, num_segments=n)
    deg_inv_sqrt = jnp.where(deg > 0, jax.lax.rsqrt(jnp.maximum(deg, 1e-12)), 0.0)
    norm = deg_inv_sqrt[src] * deg_inv_sqrt[dst]
    h = x @ W
    msg = h[src] * norm[:, None]
    out = jax.ops.segment_sum(msg, dst, num_segments=n) + b
    return out

if __name__ == "__main__":
    import jax
    _d = setup_inputs()
    print(jax.jit(kernel)(*tuple(_d.values())))

</pallas_src>

<mosaic_0001>
#map = affine_map<(d0, d1) -> (0, 0, 0, 0)>
#map1 = affine_map<(d0, d1) -> (0, 0)>
module attributes {stable_mosaic.version = 14 : i64} {
  func.func @k(%arg0: i32, %arg1: i32, %arg2: memref<32x14x6x128xi32, #tpu.memory_space<hbm>>, %arg3: memref<128x128xf32, #tpu.memory_space<hbm>>, %arg4: memref<128x128xf32, #tpu.memory_space<hbm>>, %arg5: memref<20480x128xf32, #tpu.memory_space<hbm>>, %arg6: memref<6x128xi32, #tpu.memory_space<vmem>>, %arg7: memref<128x128xf32, #tpu.memory_space<vmem>>, %arg8: memref<10240x128xf32, #tpu.memory_space<vmem_shared>>, %arg9: memref<!tpu.dma_semaphore, #tpu.memory_space<semaphore_mem>>) attributes {dimension_semantics = [#tpu.dimension_semantics<core_parallel>, #tpu.dimension_semantics<subcore_parallel>], iteration_bounds = array<i64: 2, 16>, scalar_prefetch = 0 : i64, scratch_operands = 4 : i64, tpu.core_type = #tpu.core_type<sc_vector_subcore>, window_params = [{transform_indices = #map}, {transform_indices = #map1}, {transform_indices = #map1}, {transform_indices = #map1}]} {
    %mul3A = arith.constant 2 : i32
    %mul3A_0 = arith.muli %arg1, %mul3A : i32
    %add3A = arith.addi %mul3A_0, %arg0 : i32
    "tpu.region"() ({
      %run_scoped3A = tpu.sem_alloc : memref<!tpu.dma_semaphore, #tpu.memory_space<semaphore_mem>>
      tpu.enqueue_dma source(%arg4 : memref<128x128xf32, #tpu.memory_space<hbm>>) target(%arg7 : memref<128x128xf32, #tpu.memory_space<vmem>>) target_semaphore(%run_scoped3A : memref<!tpu.dma_semaphore, #tpu.memory_space<semaphore_mem>>)
      tpu.wait_dma2 semaphore(%run_scoped3A : memref<!tpu.dma_semaphore, #tpu.memory_space<semaphore_mem>>) src(%arg4 : memref<128x128xf32, #tpu.memory_space<hbm>>) dst(%arg7 : memref<128x128xf32, #tpu.memory_space<vmem>>)
      tpu.yield
    }) : () -> ()
    %mul3A_1 = arith.constant 640 : i32
    %mul3A_2 = arith.muli %arg1, %mul3A_1 : i32
    %add3A_3 = arith.constant 0 : i32
    %add3A_4 = arith.addi %mul3A_2, %add3A_3 : i32
    "tpu.region"() ({
      %run_scoped3A = tpu.sem_alloc : memref<!tpu.dma_semaphore, #tpu.memory_space<semaphore_mem>>
      %dma_start3A = arith.constant 0 : i32
      %dma_start3A_35 = tpu.memref_slice %arg8[%add3A_4, %dma_start3A] : memref<10240x128xf32, #tpu.memory_space<vmem_shared>> -> memref<128x128xf32, #tpu.memory_space<vmem_shared>>
      %dma_start3A_36 = arith.constant 0 : i32
      %dma_start3A_37 = tpu.memref_slice %arg8[%add3A_4, %dma_start3A_36] : memref<10240x128xf32, #tpu.memory_space<vmem_shared>> -> memref<128x128xf32, #tpu.memory_space<vmem_shared>>
      tpu.enqueue_dma source(%arg7 : memref<128x128xf32, #tpu.memory_space<vmem>>) target(%dma_start3A_37 : memref<128x128xf32, #tpu.memory_space<vmem_shared>>) target_semaphore(%run_scoped3A : memref<!tpu.dma_semaphore, #tpu.memory_space<semaphore_mem>>)
      %dma_wait3A = arith.constant 0 : i32
      %dma_wait3A_38 = tpu.memref_slice %arg8[%add3A_4, %dma_wait3A] : memref<10240x128xf32, #tpu.memory_space<vmem_shared>> -> memref<128x128xf32, #tpu.memory_space<vmem_shared>>
      %dma_wait3A_39 = arith.constant 0 : i32
      %dma_wait3A_40 = tpu.memref_slice %arg8[%add3A_4, %dma_wait3A_39] : memref<10240x128xf32, #tpu.memory_space<vmem_shared>> -> memref<128x128xf32, #tpu.memory_space<vmem_shared>>
      tpu.wait_dma2 semaphore(%run_scoped3A : memref<!tpu.dma_semaphore, #tpu.memory_space<semaphore_mem>>) src(%arg7 : memref<128x128xf32, #tpu.memory_space<vmem>>) dst(%dma_wait3A_40 : memref<128x128xf32, #tpu.memory_space<vmem_shared>>)
      tpu.yield
    }) : () -> ()
    %mul3A_5 = arith.constant 640 : i32
    %mul3A_6 = arith.muli %arg1, %mul3A_5 : i32
    %add3A_7 = arith.constant 128 : i32
    %add3A_8 = arith.addi %mul3A_6, %add3A_7 : i32
    "tpu.region"() ({
      %run_scoped3A = tpu.sem_alloc : memref<!tpu.dma_semaphore, #tpu.memory_space<semaphore_mem>>
      %dma_start3A = arith.constant 0 : i32
      %dma_start3A_35 = tpu.memref_slice %arg8[%add3A_8, %dma_start3A] : memref<10240x128xf32, #tpu.memory_space<vmem_shared>> -> memref<128x128xf32, #tpu.memory_space<vmem_shared>>
      %dma_start3A_36 = arith.constant 0 : i32
      %dma_start3A_37 = tpu.memref_slice %arg8[%add3A_8, %dma_start3A_36] : memref<10240x128xf32, #tpu.memory_space<vmem_shared>> -> memref<128x128xf32, #tpu.memory_space<vmem_shared>>
      tpu.enqueue_dma source(%arg7 : memref<128x128xf32, #tpu.memory_space<vmem>>) target(%dma_start3A_37 : memref<128x128xf32, #tpu.memory_space<vmem_shared>>) target_semaphore(%run_scoped3A : memref<!tpu.dma_semaphore, #tpu.memory_space<semaphore_mem>>)
      %dma_wait3A = arith.constant 0 : i32
      %dma_wait3A_38 = tpu.memref_slice %arg8[%add3A_8, %dma_wait3A] : memref<10240x128xf32, #tpu.memory_space<vmem_shared>> -> memref<128x128xf32, #tpu.memory_space<vmem_shared>>
      %dma_wait3A_39 = arith.constant 0 : i32
      %dma_wait3A_40 = tpu.memref_slice %arg8[%add3A_8, %dma_wait3A_39] : memref<10240x128xf32, #tpu.memory_space<vmem_shared>> -> memref<128x128xf32, #tpu.memory_space<vmem_shared>>
      tpu.wait_dma2 semaphore(%run_scoped3A : memref<!tpu.dma_semaphore, #tpu.memory_space<semaphore_mem>>) src(%arg7 : memref<128x128xf32, #tpu.memory_space<vmem>>) dst(%dma_wait3A_40 : memref<128x128xf32, #tpu.memory_space<vmem_shared>>)
      tpu.yield
    }) : () -> ()
    %mul3A_9 = arith.constant 640 : i32
    %mul3A_10 = arith.muli %arg1, %mul3A_9 : i32
    %add3A_11 = arith.constant 256 : i32
    %add3A_12 = arith.addi %mul3A_10, %add3A_11 : i32
    "tpu.region"() ({
      %run_scoped3A = tpu.sem_alloc : memref<!tpu.dma_semaphore, #tpu.memory_space<semaphore_mem>>
      %dma_start3A = arith.constant 0 : i32
      %dma_start3A_35 = tpu.memref_slice %arg8[%add3A_12, %dma_start3A] : memref<10240x128xf32, #tpu.memory_space<vmem_shared>> -> memref<128x128xf32, #tpu.memory_space<vmem_shared>>
      %dma_start3A_36 = arith.constant 0 : i32
      %dma_start3A_37 = tpu.memref_slice %arg8[%add3A_12, %dma_start3A_36] : memref<10240x128xf32, #tpu.memory_space<vmem_shared>> -> memref<128x128xf32, #tpu.memory_space<vmem_shared>>
      tpu.enqueue_dma source(%arg7 : memref<128x128xf32, #tpu.memory_space<vmem>>) target(%dma_start3A_37 : memref<128x128xf32, #tpu.memory_space<vmem_shared>>) target_semaphore(%run_scoped3A : memref<!tpu.dma_semaphore, #tpu.memory_space<semaphore_mem>>)
      %dma_wait3A = arith.constant 0 : i32
      %dma_wait3A_38 = tpu.memref_slice %arg8[%add3A_12, %dma_wait3A] : memref<10240x128xf32, #tpu.memory_space<vmem_shared>> -> memref<128x128xf32, #tpu.memory_space<vmem_shared>>
      %dma_wait3A_39 = arith.constant 0 : i32
      %dma_wait3A_40 = tpu.memref_slice %arg8[%add3A_12, %dma_wait3A_39] : memref<10240x128xf32, #tpu.memory_space<vmem_shared>> -> memref<128x128xf32, #tpu.memory_space<vmem_shared>>
      tpu.wait_dma2 semaphore(%run_scoped3A : memref<!tpu.dma_semaphore, #tpu.memory_space<semaphore_mem>>) src(%arg7 : memref<128x128xf32, #tpu.memory_space<vmem>>) dst(%dma_wait3A_40 : memref<128x128xf32, #tpu.memory_space<vmem_shared>>)
      tpu.yield
    }) : () -> ()
    %mul3A_13 = arith.constant 640 : i32
    %mul3A_14 = arith.muli %arg1, %mul3A_13 : i32
    %add3A_15 = arith.constant 384 : i32
    %add3A_16 = arith.addi %mul3A_14, %add3A_15 : i32
    "tpu.region"() ({
      %run_scoped3A = tpu.sem_alloc : memref<!tpu.dma_semaphore, #tpu.memory_space<semaphore_mem>>
      %dma_start3A = arith.constant 0 : i32
      %dma_start3A_35 = tpu.memref_slice %arg8[%add3A_16, %dma_start3A] : memref<10240x128xf32, #tpu.memory_space<vmem_shared>> -> memref<128x128xf32, #tpu.memory_space<vmem_shared>>
      %dma_start3A_36 = arith.constant 0 : i32
      %dma_start3A_37 = tpu.memref_slice %arg8[%add3A_16, %dma_start3A_36] : memref<10240x128xf32, #tpu.memory_space<vmem_shared>> -> memref<128x128xf32, #tpu.memory_space<vmem_shared>>
      tpu.enqueue_dma source(%arg7 : memref<128x128xf32, #tpu.memory_space<vmem>>) target(%dma_start3A_37 : memref<128x128xf32, #tpu.memory_space<vmem_shared>>) target_semaphore(%run_scoped3A : memref<!tpu.dma_semaphore, #tpu.memory_space<semaphore_mem>>)
      %dma_wait3A = arith.constant 0 : i32
      %dma_wait3A_38 = tpu.memref_slice %arg8[%add3A_16, %dma_wait3A] : memref<10240x128xf32, #tpu.memory_space<vmem_shared>> -> memref<128x128xf32, #tpu.memory_space<vmem_shared>>
      %dma_wait3A_39 = arith.constant 0 : i32
      %dma_wait3A_40 = tpu.memref_slice %arg8[%add3A_16, %dma_wait3A_39] : memref<10240x128xf32, #tpu.memory_space<vmem_shared>> -> memref<128x128xf32, #tpu.memory_space<vmem_shared>>
      tpu.wait_dma2 semaphore(%run_scoped3A : memref<!tpu.dma_semaphore, #tpu.memory_space<semaphore_mem>>) src(%arg7 : memref<128x128xf32, #tpu.memory_space<vmem>>) dst(%dma_wait3A_40 : memref<128x128xf32, #tpu.memory_space<vmem_shared>>)
      tpu.yield
    }) : () -> ()
    %mul3A_17 = arith.constant 640 : i32
    %mul3A_18 = arith.muli %arg1, %mul3A_17 : i32
    %add3A_19 = arith.constant 512 : i32
    %add3A_20 = arith.addi %mul3A_18, %add3A_19 : i32
    "tpu.region"() ({
      %run_scoped3A = tpu.sem_alloc : memref<!tpu.dma_semaphore, #tpu.memory_space<semaphore_mem>>
      %dma_start3A = arith.constant 0 : i32
      %dma_start3A_35 = tpu.memref_slice %arg8[%add3A_20, %dma_start3A] : memref<10240x128xf32, #tpu.memory_space<vmem_shared>> -> memref<128x128xf32, #tpu.memory_space<vmem_shared>>
      %dma_start3A_36 = arith.constant 0 : i32
      %dma_start3A_37 = tpu.memref_slice %arg8[%add3A_20, %dma_start3A_36] : memref<10240x128xf32, #tpu.memory_space<vmem_shared>> -> memref<128x128xf32, #tpu.memory_space<vmem_shared>>
      tpu.enqueue_dma source(%arg7 : memref<128x128xf32, #tpu.memory_space<vmem>>) target(%dma_start3A_37 : memref<128x128xf32, #tpu.memory_space<vmem_shared>>) target_semaphore(%run_scoped3A : memref<!tpu.dma_semaphore, #tpu.memory_space<semaphore_mem>>)
      %dma_wait3A = arith.constant 0 : i32
      %dma_wait3A_38 = tpu.memref_slice %arg8[%add3A_20, %dma_wait3A] : memref<10240x128xf32, #tpu.memory_space<vmem_shared>> -> memref<128x128xf32, #tpu.memory_space<vmem_shared>>
      %dma_wait3A_39 = arith.constant 0 : i32
      %dma_wait3A_40 = tpu.memref_slice %arg8[%add3A_20, %dma_wait3A_39] : memref<10240x128xf32, #tpu.memory_space<vmem_shared>> -> memref<128x128xf32, #tpu.memory_space<vmem_shared>>
      tpu.wait_dma2 semaphore(%run_scoped3A : memref<!tpu.dma_semaphore, #tpu.memory_space<semaphore_mem>>) src(%arg7 : memref<128x128xf32, #tpu.memory_space<vmem>>) dst(%dma_wait3A_40 : memref<128x128xf32, #tpu.memory_space<vmem_shared>>)
      tpu.yield
    }) : () -> ()
    %barrier3A = arith.constant 0 : index
    tpu.barrier barrier_id(%barrier3A)
    "tpu.region"() ({
      %run_scoped3A = tpu.sem_alloc : memref<!tpu.dma_semaphore, #tpu.memory_space<semaphore_mem>>
      tpu.enqueue_dma source(%arg3 : memref<128x128xf32, #tpu.memory_space<hbm>>) target(%arg7 : memref<128x128xf32, #tpu.memory_space<vmem>>) target_semaphore(%run_scoped3A : memref<!tpu.dma_semaphore, #tpu.memory_space<semaphore_mem>>)
      tpu.wait_dma2 semaphore(%run_scoped3A : memref<!tpu.dma_semaphore, #tpu.memory_space<semaphore_mem>>) src(%arg3 : memref<128x128xf32, #tpu.memory_space<hbm>>) dst(%arg7 : memref<128x128xf32, #tpu.memory_space<vmem>>)
      tpu.yield
    }) : () -> ()
    %scan3A = arith.constant 0 : i32
    %scan3A_21 = arith.constant 0 : i32
    %scan3A_22 = arith.constant 14 : i32
    %scan3A_23 = arith.addi %scan3A_21, %scan3A_22 : i32
    %scan3A_24 = arith.constant 1 : i32
    %scan3A_25 = scf.for %scan3A_35 = %scan3A_21 to %scan3A_23 step %scan3A_24 iter_args(%scan3A_36 = %scan3A) -> (i32)  : i32 {
      "tpu.region"() ({
        %run_scoped3A = tpu.sem_alloc : memref<!tpu.dma_semaphore, #tpu.memory_space<semaphore_mem>>
        %dma_start3A_120 = arith.constant 0 : i32
        %dma_start3A_121 = arith.constant 0 : i32
        %dma_start3A_122 = tpu.memref_slice %arg2[%add3A, %scan3A_35, %dma_start3A_120, %dma_start3A_121] : memref<32x14x6x128xi32, #tpu.memory_space<hbm>> -> memref<1x1x6x128xi32, #tpu.memory_space<hbm>>
        %dma_start3A_123 = tpu.memref_squeeze %dma_start3A_122 : memref<1x1x6x128xi32, #tpu.memory_space<hbm>> -> memref<6x128xi32, #tpu.memory_space<hbm>>
        %dma_start3A_124 = arith.constant 0 : i32
        %dma_start3A_125 = arith.constant 0 : i32
        %dma_start3A_126 = tpu.memref_slice %arg2[%add3A, %scan3A_35, %dma_start3A_124, %dma_start3A_125] : memref<32x14x6x128xi32, #tpu.memory_space<hbm>> -> memref<1x1x6x128xi32, #tpu.memory_space<hbm>>
        %dma_start3A_127 = tpu.memref_squeeze %dma_start3A_126 : memref<1x1x6x128xi32, #tpu.memory_space<hbm>> -> memref<6x128xi32, #tpu.memory_space<hbm>>
        tpu.enqueue_dma source(%dma_start3A_127 : memref<6x128xi32, #tpu.memory_space<hbm>>) target(%arg6 : memref<6x128xi32, #tpu.memory_space<vmem>>) target_semaphore(%run_scoped3A : memref<!tpu.dma_semaphore, #tpu.memory_space<semaphore_mem>>)
        %dma_wait3A_128 = arith.constant 0 : i32
        %dma_wait3A_129 = arith.constant 0 : i32
        %dma_wait3A_130 = tpu.memref_slice %arg2[%add3A, %scan3A_35, %dma_wait3A_128, %dma_wait3A_129] : memref<32x14x6x128xi32, #tpu.memory_space<hbm>> -> memref<1x1x6x128xi32, #tpu.memory_space<hbm>>
        %dma_wait3A_131 = tpu.memref_squeeze %dma_wait3A_130 : memref<1x1x6x128xi32, #tpu.memory_space<hbm>> -> memref<6x128xi32, #tpu.memory_space<hbm>>
        %dma_wait3A_132 = arith.constant 0 : i32
        %dma_wait3A_133 = arith.constant 0 : i32
        %dma_wait3A_134 = tpu.memref_slice %arg2[%add3A, %scan3A_35, %dma_wait3A_132, %dma_wait3A_133] : memref<32x14x6x128xi32, #tpu.memory_space<hbm>> -> memref<1x1x6x128xi32, #tpu.memory_space<hbm>>
        %dma_wait3A_135 = tpu.memref_squeeze %dma_wait3A_134 : memref<1x1x6x128xi32, #tpu.memory_space<hbm>> -> memref<6x128xi32, #tpu.memory_space<hbm>>
        tpu.wait_dma2 semaphore(%run_scoped3A : memref<!tpu.dma_semaphore, #tpu.memory_space<semaphore_mem>>) src(%dma_wait3A_135 : memref<6x128xi32, #tpu.memory_space<hbm>>) dst(%arg6 : memref<6x128xi32, #tpu.memory_space<vmem>>)
        tpu.yield
      }) : () -> ()
      %dma_start3A = arith.constant 0 : i32
      %dma_start3A_37 = arith.constant 0 : i32
      %dma_start3A_38 = tpu.memref_slice %arg6[%dma_start3A, %dma_start3A_37] : memref<6x128xi32, #tpu.memory_space<vmem>> -> memref<1x128xi32, #tpu.memory_space<vmem>>
      %dma_start3A_39 = tpu.memref_squeeze %dma_start3A_38 : memref<1x128xi32, #tpu.memory_space<vmem>> -> memref<128xi32, #tpu.memory_space<vmem>>
      %dma_start3A_40 = arith.constant 0 : i32
      %dma_start3A_41 = arith.constant 0 : i32
      %dma_start3A_42 = tpu.memref_slice %arg8[%dma_start3A_40, %dma_start3A_41] : memref<10240x128xf32, #tpu.memory_space<vmem_shared>> -> memref<10240x128xf32, #tpu.memory_space<vmem_shared>>
      tpu.enqueue_indirect_dma source(%arg7 : memref<128x128xf32, #tpu.memory_space<vmem>>) target(%dma_start3A_42 : memref<10240x128xf32, #tpu.memory_space<vmem_shared>>) offsets(%dma_start3A_39 : memref<128xi32, #tpu.memory_space<vmem>>) semaphore(%arg9 : memref<!tpu.dma_semaphore, #tpu.memory_space<semaphore_mem>>) {add = true}
      %dma_start3A_43 = arith.constant 1 : i32
      %dma_start3A_44 = arith.constant 0 : i32
      %dma_start3A_45 = tpu.memref_slice %arg6[%dma_start3A_43, %dma_start3A_44] : memref<6x128xi32, #tpu.memory_space<vmem>> -> memref<1x128xi32, #tpu.memory_space<vmem>>
      %dma_start3A_46 = tpu.memref_squeeze %dma_start3A_45 : memref<1x128xi32, #tpu.memory_space<vmem>> -> memref<128xi32, #tpu.memory_space<vmem>>
      %dma_start3A_47 = arith.constant 0 : i32
      %dma_start3A_48 = arith.constant 0 : i32
      %dma_start3A_49 = tpu.memref_slice %arg8[%dma_start3A_47, %dma_start3A_48] : memref<10240x128xf32, #tpu.memory_space<vmem_shared>> -> memref<10240x128xf32, #tpu.memory_space<vmem_shared>>
      tpu.enqueue_indirect_dma source(%arg7 : memref<128x128xf32, #tpu.memory_space<vmem>>) target(%dma_start3A_49 : memref<10240x128xf32, #tpu.memory_space<vmem_shared>>) offsets(%dma_start3A_46 : memref<128xi32, #tpu.memory_space<vmem>>) semaphore(%arg9 : memref<!tpu.dma_semaphore, #tpu.memory_space<semaphore_mem>>) {add = true}
      %dma_start3A_50 = arith.constant 2 : i32
      %dma_start3A_51 = arith.constant 0 : i32
      %dma_start3A_52 = tpu.memref_slice %arg6[%dma_start3A_50, %dma_start3A_51] : memref<6x128xi32, #tpu.memory_space<vmem>> -> memref<1x128xi32, #tpu.memory_space<vmem>>
      %dma_start3A_53 = tpu.memref_squeeze %dma_start3A_52 : memref<1x128xi32, #tpu.memory_space<vmem>> -> memref<128xi32, #tpu.memory_space<vmem>>
      %dma_start3A_54 = arith.constant 0 : i32
      %dma_start3A_55 = arith.constant 0 : i32
      %dma_start3A_56 = tpu.memref_slice %arg8[%dma_start3A_54, %dma_start3A_55] : memref<10240x128xf32, #tpu.memory_space<vmem_shared>> -> memref<10240x128xf32, #tpu.memory_space<vmem_shared>>
      tpu.enqueue_indirect_dma source(%arg7 : memref<128x128xf32, #tpu.memory_space<vmem>>) target(%dma_start3A_56 : memref<10240x128xf32, #tpu.memory_space<vmem_shared>>) offsets(%dma_start3A_53 : memref<128xi32, #tpu.memory_space<vmem>>) semaphore(%arg9 : memref<!tpu.dma_semaphore, #tpu.memory_space<semaphore_mem>>) {add = true}
      %dma_start3A_57 = arith.constant 3 : i32
      %dma_start3A_58 = arith.constant 0 : i32
      %dma_start3A_59 = tpu.memref_slice %arg6[%dma_start3A_57, %dma_start3A_58] : memref<6x128xi32, #tpu.memory_space<vmem>> -> memref<1x128xi32, #tpu.memory_space<vmem>>
      %dma_start3A_60 = tpu.memref_squeeze %dma_start3A_59 : memref<1x128xi32, #tpu.memory_space<vmem>> -> memref<128xi32, #tpu.memory_space<vmem>>
      %dma_start3A_61 = arith.constant 0 : i32
      %dma_start3A_62 = arith.constant 0 : i32
      %dma_start3A_63 = tpu.memref_slice %arg8[%dma_start3A_61, %dma_start3A_62] : memref<10240x128xf32, #tpu.memory_space<vmem_shared>> -> memref<10240x128xf32, #tpu.memory_space<vmem_shared>>
      tpu.enqueue_indirect_dma source(%arg7 : memref<128x128xf32, #tpu.memory_space<vmem>>) target(%dma_start3A_63 : memref<10240x128xf32, #tpu.memory_space<vmem_shared>>) offsets(%dma_start3A_60 : memref<128xi32, #tpu.memory_space<vmem>>) semaphore(%arg9 : memref<!tpu.dma_semaphore, #tpu.memory_space<semaphore_mem>>) {add = true}
      %dma_start3A_64 = arith.constant 4 : i32
      %dma_start3A_65 = arith.constant 0 : i32
      %dma_start3A_66 = tpu.memref_slice %arg6[%dma_start3A_64, %dma_start3A_65] : memref<6x128xi32, #tpu.memory_space<vmem>> -> memref<1x128xi32, #tpu.memory_space<vmem>>
      %dma_start3A_67 = tpu.memref_squeeze %dma_start3A_66 : memref<1x128xi32, #tpu.memory_space<vmem>> -> memref<128xi32, #tpu.memory_space<vmem>>
      %dma_start3A_68 = arith.constant 0 : i32
      %dma_start3A_69 = arith.constant 0 : i32
      %dma_start3A_70 = tpu.memref_slice %arg8[%dma_start3A_68, %dma_start3A_69] : memref<10240x128xf32, #tpu.memory_space<vmem_shared>> -> memref<10240x128xf32, #tpu.memory_space<vmem_shared>>
      tpu.enqueue_indirect_dma source(%arg7 : memref<128x128xf32, #tpu.memory_space<vmem>>) target(%dma_start3A_70 : memref<10240x128xf32, #tpu.memory_space<vmem_shared>>) offsets(%dma_start3A_67 : memref<128xi32, #tpu.memory_space<vmem>>) semaphore(%arg9 : memref<!tpu.dma_semaphore, #tpu.memory_space<semaphore_mem>>) {add = true}
      %dma_start3A_71 = arith.constant 5 : i32
      %dma_start3A_72 = arith.constant 0 : i32
      %dma_start3A_73 = tpu.memref_slice %arg6[%dma_start3A_71, %dma_start3A_72] : memref<6x128xi32, #tpu.memory_space<vmem>> -> memref<1x128xi32, #tpu.memory_space<vmem>>
      %dma_start3A_74 = tpu.memref_squeeze %dma_start3A_73 : memref<1x128xi32, #tpu.memory_space<vmem>> -> memref<128xi32, #tpu.memory_space<vmem>>
      %dma_start3A_75 = arith.constant 0 : i32
      %dma_start3A_76 = arith.constant 0 : i32
      %dma_start3A_77 = tpu.memref_slice %arg8[%dma_start3A_75, %dma_start3A_76] : memref<10240x128xf32, #tpu.memory_space<vmem_shared>> -> memref<10240x128xf32, #tpu.memory_space<vmem_shared>>
      tpu.enqueue_indirect_dma source(%arg7 : memref<128x128xf32, #tpu.memory_space<vmem>>) target(%dma_start3A_77 : memref<10240x128xf32, #tpu.memory_space<vmem_shared>>) offsets(%dma_start3A_74 : memref<128xi32, #tpu.memory_space<vmem>>) semaphore(%arg9 : memref<!tpu.dma_semaphore, #tpu.memory_space<semaphore_mem>>) {add = true}
      %dma_wait3A = arith.constant 0 : i32
      %dma_wait3A_78 = arith.constant 0 : i32
      %dma_wait3A_79 = tpu.memref_slice %arg6[%dma_wait3A, %dma_wait3A_78] : memref<6x128xi32, #tpu.memory_space<vmem>> -> memref<1x128xi32, #tpu.memory_space<vmem>>
      %dma_wait3A_80 = tpu.memref_squeeze %dma_wait3A_79 : memref<1x128xi32, #tpu.memory_space<vmem>> -> memref<128xi32, #tpu.memory_space<vmem>>
      %dma_wait3A_81 = arith.constant 0 : i32
      %dma_wait3A_82 = arith.constant 0 : i32
      %dma_wait3A_83 = tpu.memref_slice %arg8[%dma_wait3A_81, %dma_wait3A_82] : memref<10240x128xf32, #tpu.memory_space<vmem_shared>> -> memref<10240x128xf32, #tpu.memory_space<vmem_shared>>
      tpu.wait_indirect_dma semaphore(%arg9 : memref<!tpu.dma_semaphore, #tpu.memory_space<semaphore_mem>>) src(%arg7 : memref<128x128xf32, #tpu.memory_space<vmem>>) dst(%dma_wait3A_83 : memref<10240x128xf32, #tpu.memory_space<vmem_shared>>)
      %dma_wait3A_84 = arith.constant 1 : i32
      %dma_wait3A_85 = arith.constant 0 : i32
      %dma_wait3A_86 = tpu.memref_slice %arg6[%dma_wait3A_84, %dma_wait3A_85] : memref<6x128xi32, #tpu.memory_space<vmem>> -> memref<1x128xi32, #tpu.memory_space<vmem>>
      %dma_wait3A_87 = tpu.memref_squeeze %dma_wait3A_86 : memref<1x128xi32, #tpu.memory_space<vmem>> -> memref<128xi32, #tpu.memory_space<vmem>>
      %dma_wait3A_88 = arith.constant 0 : i32
      %dma_wait3A_89 = arith.constant 0 : i32
      %dma_wait3A_90 = tpu.memref_slice %arg8[%dma_wait3A_88, %dma_wait3A_89] : memref<10240x128xf32, #tpu.memory_space<vmem_shared>> -> memref<10240x128xf32, #tpu.memory_space<vmem_shared>>
      tpu.wait_indirect_dma semaphore(%arg9 : memref<!tpu.dma_semaphore, #tpu.memory_space<semaphore_mem>>) src(%arg7 : memref<128x128xf32, #tpu.memory_space<vmem>>) dst(%dma_wait3A_90 : memref<10240x128xf32, #tpu.memory_space<vmem_shared>>)
      %dma_wait3A_91 = arith.constant 2 : i32
      %dma_wait3A_92 = arith.constant 0 : i32
      %dma_wait3A_93 = tpu.memref_slice %arg6[%dma_wait3A_91, %dma_wait3A_92] : memref<6x128xi32, #tpu.memory_space<vmem>> -> memref<1x128xi32, #tpu.memory_space<vmem>>
      %dma_wait3A_94 = tpu.memref_squeeze %dma_wait3A_93 : memref<1x128xi32, #tpu.memory_space<vmem>> -> memref<128xi32, #tpu.memory_space<vmem>>
      %dma_wait3A_95 = arith.constant 0 : i32
      %dma_wait3A_96 = arith.constant 0 : i32
      %dma_wait3A_97 = tpu.memref_slice %arg8[%dma_wait3A_95, %dma_wait3A_96] : memref<10240x128xf32, #tpu.memory_space<vmem_shared>> -> memref<10240x128xf32, #tpu.memory_space<vmem_shared>>
      tpu.wait_indirect_dma semaphore(%arg9 : memref<!tpu.dma_semaphore, #tpu.memory_space<semaphore_mem>>) src(%arg7 : memref<128x128xf32, #tpu.memory_space<vmem>>) dst(%dma_wait3A_97 : memref<10240x128xf32, #tpu.memory_space<vmem_shared>>)
      %dma_wait3A_98 = arith.constant 3 : i32
      %dma_wait3A_99 = arith.constant 0 : i32
      %dma_wait3A_100 = tpu.memref_slice %arg6[%dma_wait3A_98, %dma_wait3A_99] : memref<6x128xi32, #tpu.memory_space<vmem>> -> memref<1x128xi32, #tpu.memory_space<vmem>>
      %dma_wait3A_101 = tpu.memref_squeeze %dma_wait3A_100 : memref<1x128xi32, #tpu.memory_space<vmem>> -> memref<128xi32, #tpu.memory_space<vmem>>
      %dma_wait3A_102 = arith.constant 0 : i32
      %dma_wait3A_103 = arith.constant 0 : i32
      %dma_wait3A_104 = tpu.memref_slice %arg8[%dma_wait3A_102, %dma_wait3A_103] : memref<10240x128xf32, #tpu.memory_space<vmem_shared>> -> memref<10240x128xf32, #tpu.memory_space<vmem_shared>>
      tpu.wait_indirect_dma semaphore(%arg9 : memref<!tpu.dma_semaphore, #tpu.memory_space<semaphore_mem>>) src(%arg7 : memref<128x128xf32, #tpu.memory_space<vmem>>) dst(%dma_wait3A_104 : memref<10240x128xf32, #tpu.memory_space<vmem_shared>>)
      %dma_wait3A_105 = arith.constant 4 : i32
      %dma_wait3A_106 = arith.constant 0 : i32
      %dma_wait3A_107 = tpu.memref_slice %arg6[%dma_wait3A_105, %dma_wait3A_106] : memref<6x128xi32, #tpu.memory_space<vmem>> -> memref<1x128xi32, #tpu.memory_space<vmem>>
      %dma_wait3A_108 = tpu.memref_squeeze %dma_wait3A_107 : memref<1x128xi32, #tpu.memory_space<vmem>> -> memref<128xi32, #tpu.memory_space<vmem>>
      %dma_wait3A_109 = arith.constant 0 : i32
      %dma_wait3A_110 = arith.constant 0 : i32
      %dma_wait3A_111 = tpu.memref_slice %arg8[%dma_wait3A_109, %dma_wait3A_110] : memref<10240x128xf32, #tpu.memory_space<vmem_shared>> -> memref<10240x128xf32, #tpu.memory_space<vmem_shared>>
      tpu.wait_indirect_dma semaphore(%arg9 : memref<!tpu.dma_semaphore, #tpu.memory_space<semaphore_mem>>) src(%arg7 : memref<128x128xf32, #tpu.memory_space<vmem>>) dst(%dma_wait3A_111 : memref<10240x128xf32, #tpu.memory_space<vmem_shared>>)
      %dma_wait3A_112 = arith.constant 5 : i32
      %dma_wait3A_113 = arith.constant 0 : i32
      %dma_wait3A_114 = tpu.memref_slice %arg6[%dma_wait3A_112, %dma_wait3A_113] : memref<6x128xi32, #tpu.memory_space<vmem>> -> memref<1x128xi32, #tpu.memory_space<vmem>>
      %dma_wait3A_115 = tpu.memref_squeeze %dma_wait3A_114 : memref<1x128xi32, #tpu.memory_space<vmem>> -> memref<128xi32, #tpu.memory_space<vmem>>
      %dma_wait3A_116 = arith.constant 0 : i32
      %dma_wait3A_117 = arith.constant 0 : i32
      %dma_wait3A_118 = tpu.memref_slice %arg8[%dma_wait3A_116, %dma_wait3A_117] : memref<10240x128xf32, #tpu.memory_space<vmem_shared>> -> memref<10240x128xf32, #tpu.memory_space<vmem_shared>>
      tpu.wait_indirect_dma semaphore(%arg9 : memref<!tpu.dma_semaphore, #tpu.memory_space<semaphore_mem>>) src(%arg7 : memref<128x128xf32, #tpu.memory_space<vmem>>) dst(%dma_wait3A_118 : memref<10240x128xf32, #tpu.memory_space<vmem_shared>>)
      %scan3A_119 = arith.constant 0 : i32
      scf.yield %scan3A_119 : i32
    }
    %scan3A_26 = arith.constant 14 : i32
    %barrier3A_27 = arith.constant 0 : index
    tpu.barrier barrier_id(%barrier3A_27)
    %mul3A_28 = arith.constant 10240 : i32
    %mul3A_29 = arith.muli %arg0, %mul3A_28 : i32
    %mul3A_30 = arith.constant 640 : i32
    %mul3A_31 = arith.muli %arg1, %mul3A_30 : i32
    %add3A_32 = arith.addi %mul3A_29, %mul3A_31 : i32
    %multiple_of3A = tpu.assume_multiple %add3A_32, 128 : i32
    %mul3A_33 = arith.constant 640 : i32
    %mul3A_34 = arith.muli %arg1, %mul3A_33 : i32
    "tpu.region"() ({
      %run_scoped3A = tpu.sem_alloc : memref<!tpu.dma_semaphore, #tpu.memory_space<semaphore_mem>>
      %dma_start3A = arith.constant 0 : i32
      %dma_start3A_35 = tpu.memref_slice %arg5[%multiple_of3A, %dma_start3A] : memref<20480x128xf32, #tpu.memory_space<hbm>> -> memref<640x128xf32, #tpu.memory_space<hbm>>
      %dma_start3A_36 = arith.constant 0 : i32
      %dma_start3A_37 = tpu.memref_slice %arg8[%mul3A_34, %dma_start3A_36] : memref<10240x128xf32, #tpu.memory_space<vmem_shared>> -> memref<640x128xf32, #tpu.memory_space<vmem_shared>>
      tpu.enqueue_dma source(%dma_start3A_37 : memref<640x128xf32, #tpu.memory_space<vmem_shared>>) target(%dma_start3A_35 : memref<640x128xf32, #tpu.memory_space<hbm>>) target_semaphore(%run_scoped3A : memref<!tpu.dma_semaphore, #tpu.memory_space<semaphore_mem>>)
      %dma_wait3A = arith.constant 0 : i32
      %dma_wait3A_38 = tpu.memref_slice %arg5[%multiple_of3A, %dma_wait3A] : memref<20480x128xf32, #tpu.memory_space<hbm>> -> memref<640x128xf32, #tpu.memory_space<hbm>>
      %dma_wait3A_39 = arith.constant 0 : i32
      %dma_wait3A_40 = tpu.memref_slice %arg8[%mul3A_34, %dma_wait3A_39] : memref<10240x128xf32, #tpu.memory_space<vmem_shared>> -> memref<640x128xf32, #tpu.memory_space<vmem_shared>>
      tpu.wait_dma2 semaphore(%run_scoped3A : memref<!tpu.dma_semaphore, #tpu.memory_space<semaphore_mem>>) src(%dma_wait3A_40 : memref<640x128xf32, #tpu.memory_space<vmem_shared>>) dst(%dma_wait3A_38 : memref<640x128xf32, #tpu.memory_space<hbm>>)
      tpu.yield
    }) : () -> ()
    return
  }
}

#map = affine_map<(d0, d1) -> (0, 0, 0, 0)>
#map1 = affine_map<(d0, d1) -> (0, 0)>
module attributes {stable_mosaic.version = 14 : i64} {
  func.func @k(%arg0: i32, %arg1: i32, %arg2: memref<32x7x24x64xi32, #tpu.memory_space<hbm>>, %arg3: memref<32x7x24x64xi32, #tpu.memory_space<hbm>>, %arg4: memref<10240x128xf32, #tpu.memory_space<hbm>>, %arg5: memref<20480x128xf32, #tpu.memory_space<hbm>>, %arg6: memref<24x64xi32, #tpu.memory_space<vmem>>, %arg7: memref<24x64xi32, #tpu.memory_space<vmem>>, %arg8: memref<64x128xf32, #tpu.memory_space<vmem>>, %arg9: memref<64x128xf32, #tpu.memory_space<vmem>>, %arg10: memref<64x128xf32, #tpu.memory_space<vmem>>, %arg11: memref<64x128xf32, #tpu.memory_space<vmem>>, %arg12: memref<64x128xf32, #tpu.memory_space<vmem>>, %arg13: memref<10240x128xf32, #tpu.memory_space<vmem_shared>>, %arg14: memref<!tpu.dma_semaphore, #tpu.memory_space<semaphore_mem>>, %arg15: memref<!tpu.dma_semaphore, #tpu.memory_space<semaphore_mem>>, %arg16: memref<!tpu.dma_semaphore, #tpu.memory_space<semaphore_mem>>, %arg17: memref<!tpu.dma_semaphore, #tpu.memory_space<semaphore_mem>>, %arg18: memref<!tpu.dma_semaphore, #tpu.memory_space<semaphore_mem>>, %arg19: memref<!tpu.dma_semaphore, #tpu.memory_space<semaphore_mem>>, %arg20: memref<!tpu.dma_semaphore, #tpu.memory_space<semaphore_mem>>, %arg21: memref<!tpu.dma_semaphore, #tpu.memory_space<semaphore_mem>>, %arg22: memref<!tpu.dma_semaphore, #tpu.memory_space<semaphore_mem>>, %arg23: memref<!tpu.dma_semaphore, #tpu.memory_space<semaphore_mem>>) attributes {dimension_semantics = [#tpu.dimension_semantics<core_parallel>, #tpu.dimension_semantics<subcore_parallel>], iteration_bounds = array<i64: 2, 16>, scalar_prefetch = 0 : i64, scratch_operands = 18 : i64, tpu.core_type = #tpu.core_type<sc_vector_subcore>, window_params = [{transform_indices = #map}, {transform_indices = #map}, {transform_indices = #map1}, {transform_indices = #map1}]} {
    %mul3A = arith.constant 2 : i32
    %mul3A_0 = arith.muli %arg1, %mul3A : i32
    %add3A = arith.addi %mul3A_0, %arg0 : i32
    %scan3A = arith.constant 0 : i32
    %scan3A_1 = arith.constant 0 : i32
    %scan3A_2 = arith.constant 64 : i32
    %scan3A_3 = arith.addi %scan3A_1, %scan3A_2 : i32
    %scan3A_4 = arith.constant 1 : i32
    %scan3A_5 = scf.for %scan3A_62 = %scan3A_1 to %scan3A_3 step %scan3A_4 iter_args(%scan3A_63 = %scan3A) -> (i32)  : i32 {
      %broadcast_in_dim3A = arith.constant 0.000000e+00 : f32
      %broadcast_in_dim3A_64 = vector.broadcast %broadcast_in_dim3A : f32 to vector<16xf32>
      %swap3A = arith.index_cast %scan3A_62 : i32 to index
      %swap3A_65 = arith.constant 0 : index
      %swap3A_66 = tpu.vector_load %arg8[%swap3A, %swap3A_65] {strides = array<i32>} : memref<64x128xf32, #tpu.memory_space<vmem>>, vector<1x16xf32>,
      %swap3A_67 = vector.shape_cast %swap3A_66 : vector<1x16xf32> to vector<16xf32>
      %swap3A_68 = vector.shape_cast %broadcast_in_dim3A_64 : vector<16xf32> to vector<1x16xf32>
      tpu.vector_store %arg8[%swap3A, %swap3A_65], %swap3A_68 {strides = array<i32>} : memref<64x128xf32, #tpu.memory_space<vmem>>, vector<1x16xf32>,
      %broadcast_in_dim3A_69 = arith.constant 0.000000e+00 : f32
      %broadcast_in_dim3A_70 = vector.broadcast %broadcast_in_dim3A_69 : f32 to vector<16xf32>
      %swap3A_71 = arith.index_cast %scan3A_62 : i32 to index
      %swap3A_72 = arith.constant 16 : index
      %swap3A_73 = tpu.vector_load %arg8[%swap3A_71, %swap3A_72] {strides = array<i32>} : memref<64x128xf32, #tpu.memory_space<vmem>>, vector<1x16xf32>,
      %swap3A_74 = vector.shape_cast %swap3A_73 : vector<1x16xf32> to vector<16xf32>
      %swap3A_75 = vector.shape_cast %broadcast_in_dim3A_70 : vector<16xf32> to vector<1x16xf32>
      tpu.vector_store %arg8[%swap3A_71, %swap3A_72], %swap3A_75 {strides = array<i32>} : memref<64x128xf32, #tpu.memory_space<vmem>>, vector<1x16xf32>,
      %broadcast_in_dim3A_76 = arith.constant 0.000000e+00 : f32
      %broadcast_in_dim3A_77 = vector.broadcast %broadcast_in_dim3A_76 : f32 to vector<16xf32>
      %swap3A_78 = arith.index_cast %scan3A_62 : i32 to index
      %swap3A_79 = arith.constant 32 : index
      %swap3A_80 = tpu.vector_load %arg8[%swap3A_78, %swap3A_79] {strides = array<i32>} : memref<64x128xf32, #tpu.memory_space<vmem>>, vector<1x16xf32>,
      %swap3A_81 = vector.shape_cast %swap3A_80 : vector<1x16xf32> to vector<16xf32>
      %swap3A_82 = vector.shape_cast %broadcast_in_dim3A_77 : vector<16xf32> to vector<1x16xf32>
      tpu.vector_store %arg8[%swap3A_78, %swap3A_79], %swap3A_82 {strides = array<i32>} : memref<64x128xf32, #tpu.memory_space<vmem>>, vector<1x16xf32>,
      %broadcast_in_dim3A_83 = arith.constant 0.000000e+00 : f32
      %broadcast_in_dim3A_84 = vector.broadcast %broadcast_in_dim3A_83 : f32 to vector<16xf32>
      %swap3A_85 = arith.index_cast %scan3A_62 : i32 to index
      %swap3A_86 = arith.constant 48 : index
      %swap3A_87 = tpu.vector_load %arg8[%swap3A_85, %swap3A_86] {strides = array<i32>} : memref<64x128xf32, #tpu.memory_space<vmem>>, vector<1x16xf32>,
      %swap3A_88 = vector.shape_cast %swap3A_87 : vector<1x16xf32> to vector<16xf32>
      %swap3A_89 = vector.shape_cast %broadcast_in_dim3A_84 : vector<16xf32> to vector<1x16xf32>
      tpu.vector_store %arg8[%swap3A_85, %swap3A_86], %swap3A_89 {strides = array<i32>} : memref<64x128xf32, #tpu.memory_space<vmem>>, vector<1x16xf32>,
      %broadcast_in_dim3A_90 = arith.constant 0.000000e+00 : f32
      %broadcast_in_dim3A_91 = vector.broadcast %broadcast_in_dim3A_90 : f32 to vector<16xf32>
      %swap3A_92 = arith.index_cast %scan3A_62 : i32 to index
      %swap3A_93 = arith.constant 64 : index
      %swap3A_94 = tpu.vector_load %arg8[%swap3A_92, %swap3A_93] {strides = array<i32>} : memref<64x128xf32, #tpu.memory_space<vmem>>, vector<1x16xf32>,
      %swap3A_95 = vector.shape_cast %swap3A_94 : vector<1x16xf32> to vector<16xf32>
      %swap3A_96 = vector.shape_cast %broadcast_in_dim3A_91 : vector<16xf32> to vector<1x16xf32>
      tpu.vector_store %arg8[%swap3A_92, %swap3A_93], %swap3A_96 {strides = array<i32>} : memref<64x128xf32, #tpu.memory_space<vmem>>, vector<1x16xf32>,
      %broadcast_in_dim3A_97 = arith.constant 0.000000e+00 : f32
      %broadcast_in_dim3A_98 = vector.broadcast %broadcast_in_dim3A_97 : f32 to vector<16xf32>
      %swap3A_99 = arith.index_cast %scan3A_62 : i32 to index
      %swap3A_100 = arith.constant 80 : index
      %swap3A_101 = tpu.vector_load %arg8[%swap3A_99, %swap3A_100] {strides = array<i32>} : memref<64x128xf32, #tpu.memory_space<vmem>>, vector<1x16xf32>,
      %swap3A_102 = vector.shape_cast %swap3A_101 : vector<1x16xf32> to vector<16xf32>
      %swap3A_103 = vector.shape_cast %broadcast_in_dim3A_98 : vector<16xf32> to vector<1x16xf32>
      tpu.vector_store %arg8[%swap3A_99, %swap3A_100], %swap3A_103 {strides = array<i32>} : memref<64x128xf32, #tpu.memory_space<vmem>>, vector<1x16xf32>,
      %broadcast_in_dim3A_104 = arith.constant 0.000000e+00 : f32
      %broadcast_in_dim3A_105 = vector.broadcast %broadcast_in_dim3A_104 : f32 to vector<16xf32>
      %swap3A_106 = arith.index_cast %scan3A_62 : i32 to index
      %swap3A_107 = arith.constant 96 : index
      %swap3A_108 = tpu.vector_load %arg8[%swap3A_106, %swap3A_107] {strides = array<i32>} : memref<64x128xf32, #tpu.memory_space<vmem>>, vector<1x16xf32>,
      %swap3A_109 = vector.shape_cast %swap3A_108 : vector<1x16xf32> to vector<16xf32>
      %swap3A_110 = vector.shape_cast %broadcast_in_dim3A_105 : vector<16xf32> to vector<1x16xf32>
      tpu.vector_store %arg8[%swap3A_106, %swap3A_107], %swap3A_110 {strides = array<i32>} : memref<64x128xf32, #tpu.memory_space<vmem>>, vector<1x16xf32>,
      %broadcast_in_dim3A_111 = arith.constant 0.000000e+00 : f32
      %broadcast_in_dim3A_112 = vector.broadcast %broadcast_in_dim3A_111 : f32 to vector<16xf32>
      %swap3A_113 = arith.index_cast %scan3A_62 : i32 to index
      %swap3A_114 = arith.constant 112 : index
      %swap3A_115 = tpu.vector_load %arg8[%swap3A_113, %swap3A_114] {strides = array<i32>} : memref<64x128xf32, #tpu.memory_space<vmem>>, vector<1x16xf32>,
      %swap3A_116 = vector.shape_cast %swap3A_115 : vector<1x16xf32> to vector<16xf32>
      %swap3A_117 = vector.shape_cast %broadcast_in_dim3A_112 : vector<16xf32> to vector<1x16xf32>
      tpu.vector_store %arg8[%swap3A_113, %swap3A_114], %swap3A_117 {strides = array<i32>} : memref<64x128xf32, #tpu.memory_space<vmem>>, vector<1x16xf32>,
      %scan3A_118 = arith.constant 0 : i32
      scf.yield %scan3A_118 : i32
    }
    %scan3A_6 = arith.constant 64 : i32
    %mul3A_7 = arith.constant 640 : i32
    %mul3A_8 = arith.muli %arg1, %mul3A_7 : i32
    %add3A_9 = arith.constant 0 : i32
    %add3A_10 = arith.addi %mul3A_8, %add3A_9 : i32
    "tpu.region"() ({
      %run_scoped3A = tpu.sem_alloc : memref<!tpu.dma_semaphore, #tpu.memory_space<semaphore_mem>>
      %dma_start3A = arith.constant 0 : i32
      %dma_start3A_62 = tpu.memref_slice %arg13[%add3A_10, %dma_start3A] : memref<10240x128xf32, #tpu.memory_space<vmem_shared>> -> memref<64x128xf32, #tpu.memory_space<vmem_shared>>
      %dma_start3A_63 = arith.constant 0 : i32
      %dma_start3A_64 = tpu.memref_slice %arg13[%add3A_10, %dma_start3A_63] : memref<10240x128xf32, #tpu.memory_space<vmem_shared>> -> memref<64x128xf32, #tpu.memory_space<vmem_shared>>
      tpu.enqueue_dma source(%arg8 : memref<64x128xf32, #tpu.memory_space<vmem>>) target(%dma_start3A_64 : memref<64x128xf32, #tpu.memory_space<vmem_shared>>) target_semaphore(%run_scoped3A : memref<!tpu.dma_semaphore, #tpu.memory_space<semaphore_mem>>)
      %dma_wait3A = arith.constant 0 : i32
      %dma_wait3A_65 = tpu.memref_slice %arg13[%add3A_10, %dma_wait3A] : memref<10240x128xf32, #tpu.memory_space<vmem_shared>> -> memref<64x128xf32, #tpu.memory_space<vmem_shared>>
      %dma_wait3A_66 = arith.constant 0 : i32
      %dma_wait3A_67 = tpu.memref_slice %arg13[%add3A_10, %dma_wait3A_66] : memref<10240x128xf32, #tpu.memory_space<vmem_shared>> -> memref<64x128xf32, #tpu.memory_space<vmem_shared>>
      tpu.wait_dma2 semaphore(%run_scoped3A : memref<!tpu.dma_semaphore, #tpu.memory_space<semaphore_mem>>) src(%arg8 : memref<64x128xf32, #tpu.memory_space<vmem>>) dst(%dma_wait3A_67 : memref<64x128xf32, #tpu.memory_space<vmem_shared>>)
      tpu.yield
    }) : () -> ()
    %mul3A_11 = arith.constant 640 : i32
    %mul3A_12 = arith.muli %arg1, %mul3A_11 : i32
    %add3A_13 = arith.constant 64 : i32
    %add3A_14 = arith.addi %mul3A_12, %add3A_13 : i32
    "tpu.region"() ({
      %run_scoped3A = tpu.sem_alloc : memref<!tpu.dma_semaphore, #tpu.memory_space<semaphore_mem>>
      %dma_start3A = arith.constant 0 : i32
      %dma_start3A_62 = tpu.memref_slice %arg13[%add3A_14, %dma_start3A] : memref<10240x128xf32, #tpu.memory_space<vmem_shared>> -> memref<64x128xf32, #tpu.memory_space<vmem_shared>>
      %dma_start3A_63 = arith.constant 0 : i32
      %dma_start3A_64 = tpu.memref_slice %arg13[%add3A_14, %dma_start3A_63] : memref<10240x128xf32, #tpu.memory_space<vmem_shared>> -> memref<64x128xf32, #tpu.memory_space<vmem_shared>>
      tpu.enqueue_dma source(%arg8 : memref<64x128xf32, #tpu.memory_space<vmem>>) target(%dma_start3A_64 : memref<64x128xf32, #tpu.memory_space<vmem_shared>>) target_semaphore(%run_scoped3A : memref<!tpu.dma_semaphore, #tpu.memory_space<semaphore_mem>>)
      %dma_wait3A = arith.constant 0 : i32
      %dma_wait3A_65 = tpu.memref_slice %arg13[%add3A_14, %dma_wait3A] : memref<10240x128xf32, #tpu.memory_space<vmem_shared>> -> memref<64x128xf32, #tpu.memory_space<vmem_shared>>
      %dma_wait3A_66 = arith.constant 0 : i32
      %dma_wait3A_67 = tpu.memref_slice %arg13[%add3A_14, %dma_wait3A_66] : memref<10240x128xf32, #tpu.memory_space<vmem_shared>> -> memref<64x128xf32, #tpu.memory_space<vmem_shared>>
      tpu.wait_dma2 semaphore(%run_scoped3A : memref<!tpu.dma_semaphore, #tpu.memory_space<semaphore_mem>>) src(%arg8 : memref<64x128xf32, #tpu.memory_space<vmem>>) dst(%dma_wait3A_67 : memref<64x128xf32, #tpu.memory_space<vmem_shared>>)
      tpu.yield
    }) : () -> ()
    %mul3A_15 = arith.constant 640 : i32
    %mul3A_16 = arith.muli %arg1, %mul3A_15 : i32
    %add3A_17 = arith.constant 128 : i32
    %add3A_18 = arith.addi %mul3A_16, %add3A_17 : i32
    "tpu.region"() ({
      %run_scoped3A = tpu.sem_alloc : memref<!tpu.dma_semaphore, #tpu.memory_space<semaphore_mem>>
      %dma_start3A = arith.constant 0 : i32
      %dma_start3A_62 = tpu.memref_slice %arg13[%add3A_18, %dma_start3A] : memref<10240x128xf32, #tpu.memory_space<vmem_shared>> -> memref<64x128xf32, #tpu.memory_space<vmem_shared>>
      %dma_start3A_63 = arith.constant 0 : i32
      %dma_start3A_64 = tpu.memref_slice %arg13[%add3A_18, %dma_start3A_63] : memref<10240x128xf32, #tpu.memory_space<vmem_shared>> -> memref<64x128xf32, #tpu.memory_space<vmem_shared>>
      tpu.enqueue_dma source(%arg8 : memref<64x128xf32, #tpu.memory_space<vmem>>) target(%dma_start3A_64 : memref<64x128xf32, #tpu.memory_space<vmem_shared>>) target_semaphore(%run_scoped3A : memref<!tpu.dma_semaphore, #tpu.memory_space<semaphore_mem>>)
      %dma_wait3A = arith.constant 0 : i32
      %dma_wait3A_65 = tpu.memref_slice %arg13[%add3A_18, %dma_wait3A] : memref<10240x128xf32, #tpu.memory_space<vmem_shared>> -> memref<64x128xf32, #tpu.memory_space<vmem_shared>>
      %dma_wait3A_66 = arith.constant 0 : i32
      %dma_wait3A_67 = tpu.memref_slice %arg13[%add3A_18, %dma_wait3A_66] : memref<10240x128xf32, #tpu.memory_space<vmem_shared>> -> memref<64x128xf32, #tpu.memory_space<vmem_shared>>
      tpu.wait_dma2 semaphore(%run_scoped3A : memref<!tpu.dma_semaphore, #tpu.memory_space<semaphore_mem>>) src(%arg8 : memref<64x128xf32, #tpu.memory_space<vmem>>) dst(%dma_wait3A_67 : memref<64x128xf32, #tpu.memory_space<vmem_shared>>)
      tpu.yield
    }) : () -> ()
    %mul3A_19 = arith.constant 640 : i32
    %mul3A_20 = arith.muli %arg1, %mul3A_19 : i32
    %add3A_21 = arith.constant 192 : i32
    %add3A_22 = arith.addi %mul3A_20, %add3A_21 : i32
    "tpu.region"() ({
      %run_scoped3A = tpu.sem_alloc : memref<!tpu.dma_semaphore, #tpu.memory_space<semaphore_mem>>
      %dma_start3A = arith.constant 0 : i32
      %dma_start3A_62 = tpu.memref_slice %arg13[%add3A_22, %dma_start3A] : memref<10240x128xf32, #tpu.memory_space<vmem_shared>> -> memref<64x128xf32, #tpu.memory_space<vmem_shared>>
      %dma_start3A_63 = arith.constant 0 : i32
      %dma_start3A_64 = tpu.memref_slice %arg13[%add3A_22, %dma_start3A_63] : memref<10240x128xf32, #tpu.memory_space<vmem_shared>> -> memref<64x128xf32, #tpu.memory_space<vmem_shared>>
      tpu.enqueue_dma source(%arg8 : memref<64x128xf32, #tpu.memory_space<vmem>>) target(%dma_start3A_64 : memref<64x128xf32, #tpu.memory_space<vmem_shared>>) target_semaphore(%run_scoped3A : memref<!tpu.dma_semaphore, #tpu.memory_space<semaphore_mem>>)
      %dma_wait3A = arith.constant 0 : i32
      %dma_wait3A_65 = tpu.memref_slice %arg13[%add3A_22, %dma_wait3A] : memref<10240x128xf32, #tpu.memory_space<vmem_shared>> -> memref<64x128xf32, #tpu.memory_space<vmem_shared>>
      %dma_wait3A_66 = arith.constant 0 : i32
      %dma_wait3A_67 = tpu.memref_slice %arg13[%add3A_22, %dma_wait3A_66] : memref<10240x128xf32, #tpu.memory_space<vmem_shared>> -> memref<64x128xf32, #tpu.memory_space<vmem_shared>>
      tpu.wait_dma2 semaphore(%run_scoped3A : memref<!tpu.dma_semaphore, #tpu.memory_space<semaphore_mem>>) src(%arg8 : memref<64x128xf32, #tpu.memory_space<vmem>>) dst(%dma_wait3A_67 : memref<64x128xf32, #tpu.memory_space<vmem_shared>>)
      tpu.yield
    }) : () -> ()
    %mul3A_23 = arith.constant 640 : i32
    %mul3A_24 = arith.muli %arg1, %mul3A_23 : i32
    %add3A_25 = arith.constant 256 : i32
    %add3A_26 = arith.addi %mul3A_24, %add3A_25 : i32
    "tpu.region"() ({
      %run_scoped3A = tpu.sem_alloc : memref<!tpu.dma_semaphore, #tpu.memory_space<semaphore_mem>>
      %dma_start3A = arith.constant 0 : i32
      %dma_start3A_62 = tpu.memref_slice %arg13[%add3A_26, %dma_start3A] : memref<10240x128xf32, #tpu.memory_space<vmem_shared>> -> memref<64x128xf32, #tpu.memory_space<vmem_shared>>
      %dma_start3A_63 = arith.constant 0 : i32
      %dma_start3A_64 = tpu.memref_slice %arg13[%add3A_26, %dma_start3A_63] : memref<10240x128xf32, #tpu.memory_space<vmem_shared>> -> memref<64x128xf32, #tpu.memory_space<vmem_shared>>
      tpu.enqueue_dma source(%arg8 : memref<64x128xf32, #tpu.memory_space<vmem>>) target(%dma_start3A_64 : memref<64x128xf32, #tpu.memory_space<vmem_shared>>) target_semaphore(%run_scoped3A : memref<!tpu.dma_semaphore, #tpu.memory_space<semaphore_mem>>)
      %dma_wait3A = arith.constant 0 : i32
      %dma_wait3A_65 = tpu.memref_slice %arg13[%add3A_26, %dma_wait3A] : memref<10240x128xf32, #tpu.memory_space<vmem_shared>> -> memref<64x128xf32, #tpu.memory_space<vmem_shared>>
      %dma_wait3A_66 = arith.constant 0 : i32
      %dma_wait3A_67 = tpu.memref_slice %arg13[%add3A_26, %dma_wait3A_66] : memref<10240x128xf32, #tpu.memory_space<vmem_shared>> -> memref<64x128xf32, #tpu.memory_space<vmem_shared>>
      tpu.wait_dma2 semaphore(%run_scoped3A : memref<!tpu.dma_semaphore, #tpu.memory_space<semaphore_mem>>) src(%arg8 : memref<64x128xf32, #tpu.memory_space<vmem>>) dst(%dma_wait3A_67 : memref<64x128xf32, #tpu.memory_space<vmem_shared>>)
      tpu.yield
    }) : () -> ()
    %mul3A_27 = arith.constant 640 : i32
    %mul3A_28 = arith.muli %arg1, %mul3A_27 : i32
    %add3A_29 = arith.constant 320 : i32
    %add3A_30 = arith.addi %mul3A_28, %add3A_29 : i32
    "tpu.region"() ({
      %run_scoped3A = tpu.sem_alloc : memref<!tpu.dma_semaphore, #tpu.memory_space<semaphore_mem>>
      %dma_start3A = arith.constant 0 : i32
      %dma_start3A_62 = tpu.memref_slice %arg13[%add3A_30, %dma_start3A] : memref<10240x128xf32, #tpu.memory_space<vmem_shared>> -> memref<64x128xf32, #tpu.memory_space<vmem_shared>>
      %dma_start3A_63 = arith.constant 0 : i32
      %dma_start3A_64 = tpu.memref_slice %arg13[%add3A_30, %dma_start3A_63] : memref<10240x128xf32, #tpu.memory_space<vmem_shared>> -> memref<64x128xf32, #tpu.memory_space<vmem_shared>>
      tpu.enqueue_dma source(%arg8 : memref<64x128xf32, #tpu.memory_space<vmem>>) target(%dma_start3A_64 : memref<64x128xf32, #tpu.memory_space<vmem_shared>>) target_semaphore(%run_scoped3A : memref<!tpu.dma_semaphore, #tpu.memory_space<semaphore_mem>>)
      %dma_wait3A = arith.constant 0 : i32
      %dma_wait3A_65 = tpu.memref_slice %arg13[%add3A_30, %dma_wait3A] : memref<10240x128xf32, #tpu.memory_space<vmem_shared>> -> memref<64x128xf32, #tpu.memory_space<vmem_shared>>
      %dma_wait3A_66 = arith.constant 0 : i32
      %dma_wait3A_67 = tpu.memref_slice %arg13[%add3A_30, %dma_wait3A_66] : memref<10240x128xf32, #tpu.memory_space<vmem_shared>> -> memref<64x128xf32, #tpu.memory_space<vmem_shared>>
      tpu.wait_dma2 semaphore(%run_scoped3A : memref<!tpu.dma_semaphore, #tpu.memory_space<semaphore_mem>>) src(%arg8 : memref<64x128xf32, #tpu.memory_space<vmem>>) dst(%dma_wait3A_67 : memref<64x128xf32, #tpu.memory_space<vmem_shared>>)
      tpu.yield
    }) : () -> ()
    %mul3A_31 = arith.constant 640 : i32
    %mul3A_32 = arith.muli %arg1, %mul3A_31 : i32
    %add3A_33 = arith.constant 384 : i32
    %add3A_34 = arith.addi %mul3A_32, %add3A_33 : i32
    "tpu.region"() ({
      %run_scoped3A = tpu.sem_alloc : memref<!tpu.dma_semaphore, #tpu.memory_space<semaphore_mem>>
      %dma_start3A = arith.constant 0 : i32
      %dma_start3A_62 = tpu.memref_slice %arg13[%add3A_34, %dma_start3A] : memref<10240x128xf32, #tpu.memory_space<vmem_shared>> -> memref<64x128xf32, #tpu.memory_space<vmem_shared>>
      %dma_start3A_63 = arith.constant 0 : i32
      %dma_start3A_64 = tpu.memref_slice %arg13[%add3A_34, %dma_start3A_63] : memref<10240x128xf32, #tpu.memory_space<vmem_shared>> -> memref<64x128xf32, #tpu.memory_space<vmem_shared>>
      tpu.enqueue_dma source(%arg8 : memref<64x128xf32, #tpu.memory_space<vmem>>) target(%dma_start3A_64 : memref<64x128xf32, #tpu.memory_space<vmem_shared>>) target_semaphore(%run_scoped3A : memref<!tpu.dma_semaphore, #tpu.memory_space<semaphore_mem>>)
      %dma_wait3A = arith.constant 0 : i32
      %dma_wait3A_65 = tpu.memref_slice %arg13[%add3A_34, %dma_wait3A] : memref<10240x128xf32, #tpu.memory_space<vmem_shared>> -> memref<64x128xf32, #tpu.memory_space<vmem_shared>>
      %dma_wait3A_66 = arith.constant 0 : i32
      %dma_wait3A_67 = tpu.memref_slice %arg13[%add3A_34, %dma_wait3A_66] : memref<10240x128xf32, #tpu.memory_space<vmem_shared>> -> memref<64x128xf32, #tpu.memory_space<vmem_shared>>
      tpu.wait_dma2 semaphore(%run_scoped3A : memref<!tpu.dma_semaphore, #tpu.memory_space<semaphore_mem>>) src(%arg8 : memref<64x128xf32, #tpu.memory_space<vmem>>) dst(%dma_wait3A_67 : memref<64x128xf32, #tpu.memory_space<vmem_shared>>)
      tpu.yield
    }) : () -> ()
    %mul3A_35 = arith.constant 640 : i32
    %mul3A_36 = arith.muli %arg1, %mul3A_35 : i32
    %add3A_37 = arith.constant 448 : i32
    %add3A_38 = arith.addi %mul3A_36, %add3A_37 : i32
    "tpu.region"() ({
      %run_scoped3A = tpu.sem_alloc : memref<!tpu.dma_semaphore, #tpu.memory_space<semaphore_mem>>
      %dma_start3A = arith.constant 0 : i32
      %dma_start3A_62 = tpu.memref_slice %arg13[%add3A_38, %dma_start3A] : memref<10240x128xf32, #tpu.memory_space<vmem_shared>> -> memref<64x128xf32, #tpu.memory_space<vmem_shared>>
      %dma_start3A_63 = arith.constant 0 : i32
      %dma_start3A_64 = tpu.memref_slice %arg13[%add3A_38, %dma_start3A_63] : memref<10240x128xf32, #tpu.memory_space<vmem_shared>> -> memref<64x128xf32, #tpu.memory_space<vmem_shared>>
      tpu.enqueue_dma source(%arg8 : memref<64x128xf32, #tpu.memory_space<vmem>>) target(%dma_start3A_64 : memref<64x128xf32, #tpu.memory_space<vmem_shared>>) target_semaphore(%run_scoped3A : memref<!tpu.dma_semaphore, #tpu.memory_space<semaphore_mem>>)
      %dma_wait3A = arith.constant 0 : i32
      %dma_wait3A_65 = tpu.memref_slice %arg13[%add3A_38, %dma_wait3A] : memref<10240x128xf32, #tpu.memory_space<vmem_shared>> -> memref<64x128xf32, #tpu.memory_space<vmem_shared>>
      %dma_wait3A_66 = arith.constant 0 : i32
      %dma_wait3A_67 = tpu.memref_slice %arg13[%add3A_38, %dma_wait3A_66] : memref<10240x128xf32, #tpu.memory_space<vmem_shared>> -> memref<64x128xf32, #tpu.memory_space<vmem_shared>>
      tpu.wait_dma2 semaphore(%run_scoped3A : memref<!tpu.dma_semaphore, #tpu.memory_space<semaphore_mem>>) src(%arg8 : memref<64x128xf32, #tpu.memory_space<vmem>>) dst(%dma_wait3A_67 : memref<64x128xf32, #tpu.memory_space<vmem_shared>>)
      tpu.yield
    }) : () -> ()
    %mul3A_39 = arith.constant 640 : i32
    %mul3A_40 = arith.muli %arg1, %mul3A_39 : i32
    %add3A_41 = arith.constant 512 : i32
    %add3A_42 = arith.addi %mul3A_40, %add3A_41 : i32
    "tpu.region"() ({
      %run_scoped3A = tpu.sem_alloc : memref<!tpu.dma_semaphore, #tpu.memory_space<semaphore_mem>>
      %dma_start3A = arith.constant 0 : i32
      %dma_start3A_62 = tpu.memref_slice %arg13[%add3A_42, %dma_start3A] : memref<10240x128xf32, #tpu.memory_space<vmem_shared>> -> memref<64x128xf32, #tpu.memory_space<vmem_shared>>
      %dma_start3A_63 = arith.constant 0 : i32
      %dma_start3A_64 = tpu.memref_slice %arg13[%add3A_42, %dma_start3A_63] : memref<10240x128xf32, #tpu.memory_space<vmem_shared>> -> memref<64x128xf32, #tpu.memory_space<vmem_shared>>
      tpu.enqueue_dma source(%arg8 : memref<64x128xf32, #tpu.memory_space<vmem>>) target(%dma_start3A_64 : memref<64x128xf32, #tpu.memory_space<vmem_shared>>) target_semaphore(%run_scoped3A : memref<!tpu.dma_semaphore, #tpu.memory_space<semaphore_mem>>)
      %dma_wait3A = arith.constant 0 : i32
      %dma_wait3A_65 = tpu.memref_slice %arg13[%add3A_42, %dma_wait3A] : memref<10240x128xf32, #tpu.memory_space<vmem_shared>> -> memref<64x128xf32, #tpu.memory_space<vmem_shared>>
      %dma_wait3A_66 = arith.constant 0 : i32
      %dma_wait3A_67 = tpu.memref_slice %arg13[%add3A_42, %dma_wait3A_66] : memref<10240x128xf32, #tpu.memory_space<vmem_shared>> -> memref<64x128xf32, #tpu.memory_space<vmem_shared>>
      tpu.wait_dma2 semaphore(%run_scoped3A : memref<!tpu.dma_semaphore, #tpu.memory_space<semaphore_mem>>) src(%arg8 : memref<64x128xf32, #tpu.memory_space<vmem>>) dst(%dma_wait3A_67 : memref<64x128xf32, #tpu.memory_space<vmem_shared>>)
      tpu.yield
    }) : () -> ()
    %mul3A_43 = arith.constant 640 : i32
    %mul3A_44 = arith.muli %arg1, %mul3A_43 : i32
    %add3A_45 = arith.constant 576 : i32
    %add3A_46 = arith.addi %mul3A_44, %add3A_45 : i32
    "tpu.region"() ({
      %run_scoped3A = tpu.sem_alloc : memref<!tpu.dma_semaphore, #tpu.memory_space<semaphore_mem>>
      %dma_start3A = arith.constant 0 : i32
      %dma_start3A_62 = tpu.memref_slice %arg13[%add3A_46, %dma_start3A] : memref<10240x128xf32, #tpu.memory_space<vmem_shared>> -> memref<64x128xf32, #tpu.memory_space<vmem_shared>>
      %dma_start3A_63 = arith.constant 0 : i32
      %dma_start3A_64 = tpu.memref_slice %arg13[%add3A_46, %dma_start3A_63] : memref<10240x128xf32, #tpu.memory_space<vmem_shared>> -> memref<64x128xf32, #tpu.memory_space<vmem_shared>>
      tpu.enqueue_dma source(%arg8 : memref<64x128xf32, #tpu.memory_space<vmem>>) target(%dma_start3A_64 : memref<64x128xf32, #tpu.memory_space<vmem_shared>>) target_semaphore(%run_scoped3A : memref<!tpu.dma_semaphore, #tpu.memory_space<semaphore_mem>>)
      %dma_wait3A = arith.constant 0 : i32
      %dma_wait3A_65 = tpu.memref_slice %arg13[%add3A_46, %dma_wait3A] : memref<10240x128xf32, #tpu.memory_space<vmem_shared>> -> memref<64x128xf32, #tpu.memory_space<vmem_shared>>
      %dma_wait3A_66 = arith.constant 0 : i32
      %dma_wait3A_67 = tpu.memref_slice %arg13[%add3A_46, %dma_wait3A_66] : memref<10240x128xf32, #tpu.memory_space<vmem_shared>> -> memref<64x128xf32, #tpu.memory_space<vmem_shared>>
      tpu.wait_dma2 semaphore(%run_scoped3A : memref<!tpu.dma_semaphore, #tpu.memory_space<semaphore_mem>>) src(%arg8 : memref<64x128xf32, #tpu.memory_space<vmem>>) dst(%dma_wait3A_67 : memref<64x128xf32, #tpu.memory_space<vmem_shared>>)
      tpu.yield
    }) : () -> ()
    %barrier3A = arith.constant 0 : index
    tpu.barrier barrier_id(%barrier3A)
    %scan3A_47 = arith.constant 0 : i32
    %scan3A_48 = arith.constant 0 : i32
    %scan3A_49 = arith.constant 7 : i32
    %scan3A_50 = arith.addi %scan3A_48, %scan3A_49 : i32
    %scan3A_51 = arith.constant 1 : i32
    %scan3A_52 = scf.for %scan3A_62 = %scan3A_48 to %scan3A_50 step %scan3A_51 iter_args(%scan3A_63 = %scan3A_47) -> (i32)  : i32 {
      "tpu.region"() ({
        %run_scoped3A = tpu.sem_alloc : memref<!tpu.dma_semaphore, #tpu.memory_space<semaphore_mem>>
        %dma_start3A_735 = arith.constant 0 : i32
        %dma_start3A_736 = arith.constant 0 : i32
        %dma_start3A_737 = tpu.memref_slice %arg2[%add3A, %scan3A_62, %dma_start3A_735, %dma_start3A_736] : memref<32x7x24x64xi32, #tpu.memory_space<hbm>> -> memref<1x1x24x64xi32, #tpu.memory_space<hbm>>
        %dma_start3A_738 = tpu.memref_squeeze %dma_start3A_737 : memref<1x1x24x64xi32, #tpu.memory_space<hbm>> -> memref<24x64xi32, #tpu.memory_space<hbm>>
        %dma_start3A_739 = arith.constant 0 : i32
        %dma_start3A_740 = arith.constant 0 : i32
        %dma_start3A_741 = tpu.memref_slice %arg2[%add3A, %scan3A_62, %dma_start3A_739, %dma_start3A_740] : memref<32x7x24x64xi32, #tpu.memory_space<hbm>> -> memref<1x1x24x64xi32, #tpu.memory_space<hbm>>
        %dma_start3A_742 = tpu.memref_squeeze %dma_start3A_741 : memref<1x1x24x64xi32, #tpu.memory_space<hbm>> -> memref<24x64xi32, #tpu.memory_space<hbm>>
        tpu.enqueue_dma source(%dma_start3A_742 : memref<24x64xi32, #tpu.memory_space<hbm>>) target(%arg6 : memref<24x64xi32, #tpu.memory_space<vmem>>) target_semaphore(%run_scoped3A : memref<!tpu.dma_semaphore, #tpu.memory_space<semaphore_mem>>)
        %dma_wait3A_743 = arith.constant 0 : i32
        %dma_wait3A_744 = arith.constant 0 : i32
        %dma_wait3A_745 = tpu.memref_slice %arg2[%add3A, %scan3A_62, %dma_wait3A_743, %dma_wait3A_744] : memref<32x7x24x64xi32, #tpu.memory_space<hbm>> -> memref<1x1x24x64xi32, #tpu.memory_space<hbm>>
        %dma_wait3A_746 = tpu.memref_squeeze %dma_wait3A_745 : memref<1x1x24x64xi32, #tpu.memory_space<hbm>> -> memref<24x64xi32, #tpu.memory_space<hbm>>
        %dma_wait3A_747 = arith.constant 0 : i32
        %dma_wait3A_748 = arith.constant 0 : i32
        %dma_wait3A_749 = tpu.memref_slice %arg2[%add3A, %scan3A_62, %dma_wait3A_747, %dma_wait3A_748] : memref<32x7x24x64xi32, #tpu.memory_space<hbm>> -> memref<1x1x24x64xi32, #tpu.memory_space<hbm>>
        %dma_wait3A_750 = tpu.memref_squeeze %dma_wait3A_749 : memref<1x1x24x64xi32, #tpu.memory_space<hbm>> -> memref<24x64xi32, #tpu.memory_space<hbm>>
        tpu.wait_dma2 semaphore(%run_scoped3A : memref<!tpu.dma_semaphore, #tpu.memory_space<semaphore_mem>>) src(%dma_wait3A_750 : memref<24x64xi32, #tpu.memory_space<hbm>>) dst(%arg6 : memref<24x64xi32, #tpu.memory_space<vmem>>)
        tpu.yield
      }) : () -> ()
      "tpu.region"() ({
        %run_scoped3A = tpu.sem_alloc : memref<!tpu.dma_semaphore, #tpu.memory_space<semaphore_mem>>
        %dma_start3A_735 = arith.constant 0 : i32
        %dma_start3A_736 = arith.constant 0 : i32
        %dma_start3A_737 = tpu.memref_slice %arg3[%add3A, %scan3A_62, %dma_start3A_735, %dma_start3A_736] : memref<32x7x24x64xi32, #tpu.memory_space<hbm>> -> memref<1x1x24x64xi32, #tpu.memory_space<hbm>>
        %dma_start3A_738 = tpu.memref_squeeze %dma_start3A_737 : memref<1x1x24x64xi32, #tpu.memory_space<hbm>> -> memref<24x64xi32, #tpu.memory_space<hbm>>
        %dma_start3A_739 = arith.constant 0 : i32
        %dma_start3A_740 = arith.constant 0 : i32
        %dma_start3A_741 = tpu.memref_slice %arg3[%add3A, %scan3A_62, %dma_start3A_739, %dma_start3A_740] : memref<32x7x24x64xi32, #tpu.memory_space<hbm>> -> memref<1x1x24x64xi32, #tpu.memory_space<hbm>>
        %dma_start3A_742 = tpu.memref_squeeze %dma_start3A_741 : memref<1x1x24x64xi32, #tpu.memory_space<hbm>> -> memref<24x64xi32, #tpu.memory_space<hbm>>
        tpu.enqueue_dma source(%dma_start3A_742 : memref<24x64xi32, #tpu.memory_space<hbm>>) target(%arg7 : memref<24x64xi32, #tpu.memory_space<vmem>>) target_semaphore(%run_scoped3A : memref<!tpu.dma_semaphore, #tpu.memory_space<semaphore_mem>>)
        %dma_wait3A_743 = arith.constant 0 : i32
        %dma_wait3A_744 = arith.constant 0 : i32
        %dma_wait3A_745 = tpu.memref_slice %arg3[%add3A, %scan3A_62, %dma_wait3A_743, %dma_wait3A_744] : memref<32x7x24x64xi32, #tpu.memory_space<hbm>> -> memref<1x1x24x64xi32, #tpu.memory_space<hbm>>
        %dma_wait3A_746 = tpu.memref_squeeze %dma_wait3A_745 : memref<1x1x24x64xi32, #tpu.memory_space<hbm>> -> memref<24x64xi32, #tpu.memory_space<hbm>>
        %dma_wait3A_747 = arith.constant 0 : i32
        %dma_wait3A_748 = arith.constant 0 : i32
        %dma_wait3A_749 = tpu.memref_slice %arg3[%add3A, %scan3A_62, %dma_wait3A_747, %dma_wait3A_748] : memref<32x7x24x64xi32, #tpu.memory_space<hbm>> -> memref<1x1x24x64xi32, #tpu.memory_space<hbm>>
        %dma_wait3A_750 = tpu.memref_squeeze %dma_wait3A_749 : memref<1x1x24x64xi32, #tpu.memory_space<hbm>> -> memref<24x64xi32, #tpu.memory_space<hbm>>
        tpu.wait_dma2 semaphore(%run_scoped3A : memref<!tpu.dma_semaphore, #tpu.memory_space<semaphore_mem>>) src(%dma_wait3A_750 : memref<24x64xi32, #tpu.memory_space<hbm>>) dst(%arg7 : memref<24x64xi32, #tpu.memory_space<vmem>>)
        tpu.yield
      }) : () -> ()
      %dma_start3A = arith.constant 0 : i32
      %dma_start3A_64 = arith.constant 0 : i32
      %dma_start3A_65 = tpu.memref_slice %arg6[%dma_start3A, %dma_start3A_64] : memref<24x64xi32, #tpu.memory_space<vmem>> -> memref<1x64xi32, #tpu.memory_space<vmem>>
      %dma_start3A_66 = tpu.memref_squeeze %dma_start3A_65 : memref<1x64xi32, #tpu.memory_space<vmem>> -> memref<64xi32, #tpu.memory_space<vmem>>
      %dma_start3A_67 = arith.constant 0 : i32
      %dma_start3A_68 = arith.constant 0 : i32
      %dma_start3A_69 = tpu.memref_slice %arg4[%dma_start3A_67, %dma_start3A_68] : memref<10240x128xf32, #tpu.memory_space<hbm>> -> memref<10240x128xf32, #tpu.memory_space<hbm>>
      tpu.enqueue_indirect_dma source(%dma_start3A_69 : memref<10240x128xf32, #tpu.memory_space<hbm>>) target(%arg8 : memref<64x128xf32, #tpu.memory_space<vmem>>) offsets(%dma_start3A_66 : memref<64xi32, #tpu.memory_space<vmem>>) semaphore(%arg14 : memref<!tpu.dma_semaphore, #tpu.memory_space<semaphore_mem>>)
      %dma_start3A_70 = arith.constant 1 : i32
      %dma_start3A_71 = arith.constant 0 : i32
      %dma_start3A_72 = tpu.memref_slice %arg6[%dma_start3A_70, %dma_start3A_71] : memref<24x64xi32, #tpu.memory_space<vmem>> -> memref<1x64xi32, #tpu.memory_space<vmem>>
      %dma_start3A_73 = tpu.memref_squeeze %dma_start3A_72 : memref<1x64xi32, #tpu.memory_space<vmem>> -> memref<64xi32, #tpu.memory_space<vmem>>
      %dma_start3A_74 = arith.constant 0 : i32
      %dma_start3A_75 = arith.constant 0 : i32
      %dma_start3A_76 = tpu.memref_slice %arg4[%dma_start3A_74, %dma_start3A_75] : memref<10240x128xf32, #tpu.memory_space<hbm>> -> memref<10240x128xf32, #tpu.memory_space<hbm>>
      tpu.enqueue_indirect_dma source(%dma_start3A_76 : memref<10240x128xf32, #tpu.memory_space<hbm>>) target(%arg9 : memref<64x128xf32, #tpu.memory_space<vmem>>) offsets(%dma_start3A_73 : memref<64xi32, #tpu.memory_space<vmem>>) semaphore(%arg15 : memref<!tpu.dma_semaphore, #tpu.memory_space<semaphore_mem>>)
      %dma_start3A_77 = arith.constant 2 : i32
      %dma_start3A_78 = arith.constant 0 : i32
      %dma_start3A_79 = tpu.memref_slice %arg6[%dma_start3A_77, %dma_start3A_78] : memref<24x64xi32, #tpu.memory_space<vmem>> -> memref<1x64xi32, #tpu.memory_space<vmem>>
      %dma_start3A_80 = tpu.memref_squeeze %dma_start3A_79 : memref<1x64xi32, #tpu.memory_space<vmem>> -> memref<64xi32, #tpu.memory_space<vmem>>
      %dma_start3A_81 = arith.constant 0 : i32
      %dma_start3A_82 = arith.constant 0 : i32
      %dma_start3A_83 = tpu.memref_slice %arg4[%dma_start3A_81, %dma_start3A_82] : memref<10240x128xf32, #tpu.memory_space<hbm>> -> memref<10240x128xf32, #tpu.memory_space<hbm>>
      tpu.enqueue_indirect_dma source(%dma_start3A_83 : memref<10240x128xf32, #tpu.memory_space<hbm>>) target(%arg10 : memref<64x128xf32, #tpu.memory_space<vmem>>) offsets(%dma_start3A_80 : memref<64xi32, #tpu.memory_space<vmem>>) semaphore(%arg16 : memref<!tpu.dma_semaphore, #tpu.memory_space<semaphore_mem>>)
      %dma_start3A_84 = arith.constant 3 : i32
      %dma_start3A_85 = arith.constant 0 : i32
      %dma_start3A_86 = tpu.memref_slice %arg6[%dma_start3A_84, %dma_start3A_85] : memref<24x64xi32, #tpu.memory_space<vmem>> -> memref<1x64xi32, #tpu.memory_space<vmem>>
      %dma_start3A_87 = tpu.memref_squeeze %dma_start3A_86 : memref<1x64xi32, #tpu.memory_space<vmem>> -> memref<64xi32, #tpu.memory_space<vmem>>
      %dma_start3A_88 = arith.constant 0 : i32
      %dma_start3A_89 = arith.constant 0 : i32
      %dma_start3A_90 = tpu.memref_slice %arg4[%dma_start3A_88, %dma_start3A_89] : memref<10240x128xf32, #tpu.memory_space<hbm>> -> memref<10240x128xf32, #tpu.memory_space<hbm>>
      tpu.enqueue_indirect_dma source(%dma_start3A_90 : memref<10240x128xf32, #tpu.memory_space<hbm>>) target(%arg11 : memref<64x128xf32, #tpu.memory_space<vmem>>) offsets(%dma_start3A_87 : memref<64xi32, #tpu.memory_space<vmem>>) semaphore(%arg17 : memref<!tpu.dma_semaphore, #tpu.memory_space<semaphore_mem>>)
      %dma_start3A_91 = arith.constant 4 : i32
      %dma_start3A_92 = arith.constant 0 : i32
      %dma_start3A_93 = tpu.memref_slice %arg6[%dma_start3A_91, %dma_start3A_92] : memref<24x64xi32, #tpu.memory_space<vmem>> -> memref<1x64xi32, #tpu.memory_space<vmem>>
      %dma_start3A_94 = tpu.memref_squeeze %dma_start3A_93 : memref<1x64xi32, #tpu.memory_space<vmem>> -> memref<64xi32, #tpu.memory_space<vmem>>
      %dma_start3A_95 = arith.constant 0 : i32
      %dma_start3A_96 = arith.constant 0 : i32
      %dma_start3A_97 = tpu.memref_slice %arg4[%dma_start3A_95, %dma_start3A_96] : memref<10240x128xf32, #tpu.memory_space<hbm>> -> memref<10240x128xf32, #tpu.memory_space<hbm>>
      tpu.enqueue_indirect_dma source(%dma_start3A_97 : memref<10240x128xf32, #tpu.memory_space<hbm>>) target(%arg12 : memref<64x128xf32, #tpu.memory_space<vmem>>) offsets(%dma_start3A_94 : memref<64xi32, #tpu.memory_space<vmem>>) semaphore(%arg18 : memref<!tpu.dma_semaphore, #tpu.memory_space<semaphore_mem>>)
      %dma_wait3A = arith.constant 0 : i32
      %dma_wait3A_98 = arith.constant 0 : i32
      %dma_wait3A_99 = tpu.memref_slice %arg6[%dma_wait3A, %dma_wait3A_98] : memref<24x64xi32, #tpu.memory_space<vmem>> -> memref<1x64xi32, #tpu.memory_space<vmem>>
      %dma_wait3A_100 = tpu.memref_squeeze %dma_wait3A_99 : memref<1x64xi32, #tpu.memory_space<vmem>> -> memref<64xi32, #tpu.memory_space<vmem>>
      %dma_wait3A_101 = arith.constant 0 : i32
      %dma_wait3A_102 = arith.constant 0 : i32
      %dma_wait3A_103 = tpu.memref_slice %arg4[%dma_wait3A_101, %dma_wait3A_102] : memref<10240x128xf32, #tpu.memory_space<hbm>> -> memref<10240x128xf32, #tpu.memory_space<hbm>>
      tpu.wait_indirect_dma semaphore(%arg14 : memref<!tpu.dma_semaphore, #tpu.memory_space<semaphore_mem>>) src(%dma_wait3A_103 : memref<10240x128xf32, #tpu.memory_space<hbm>>) dst(%arg8 : memref<64x128xf32, #tpu.memory_space<vmem>>)
      %dma_start3A_104 = arith.constant 0 : i32
      %dma_start3A_105 = arith.constant 0 : i32
      %dma_start3A_106 = tpu.memref_slice %arg7[%dma_start3A_104, %dma_start3A_105] : memref<24x64xi32, #tpu.memory_space<vmem>> -> memref<1x64xi32, #tpu.memory_space<vmem>>
      %dma_start3A_107 = tpu.memref_squeeze %dma_start3A_106 : memref<1x64xi32, #tpu.memory_space<vmem>> -> memref<64xi32, #tpu.memory_space<vmem>>
      %dma_start3A_108 = arith.constant 0 : i32
      %dma_start3A_109 = arith.constant 0 : i32
      %dma_start3A_110 = tpu.memref_slice %arg13[%dma_start3A_108, %dma_start3A_109] : memref<10240x128xf32, #tpu.memory_space<vmem_shared>> -> memref<10240x128xf32, #tpu.memory_space<vmem_shared>>
      tpu.enqueue_indirect_dma source(%arg8 : memref<64x128xf32, #tpu.memory_space<vmem>>) target(%dma_start3A_110 : memref<10240x128xf32, #tpu.memory_space<vmem_shared>>) offsets(%dma_start3A_107 : memref<64xi32, #tpu.memory_space<vmem>>) semaphore(%arg19 : memref<!tpu.dma_semaphore, #tpu.memory_space<semaphore_mem>>) {add = true}
      %dma_wait3A_111 = arith.constant 1 : i32
      %dma_wait3A_112 = arith.constant 0 : i32
      %dma_wait3A_113 = tpu.memref_slice %arg6[%dma_wait3A_111, %dma_wait3A_112] : memref<24x64xi32, #tpu.memory_space<vmem>> -> memref<1x64xi32, #tpu.memory_space<vmem>>
      %dma_wait3A_114 = tpu.memref_squeeze %dma_wait3A_113 : memref<1x64xi32, #tpu.memory_space<vmem>> -> memref<64xi32, #tpu.memory_space<vmem>>
      %dma_wait3A_115 = arith.constant 0 : i32
      %dma_wait3A_116 = arith.constant 0 : i32
      %dma_wait3A_117 = tpu.memref_slice %arg4[%dma_wait3A_115, %dma_wait3A_116] : memref<10240x128xf32, #tpu.memory_space<hbm>> -> memref<10240x128xf32, #tpu.memory_space<hbm>>
      tpu.wait_indirect_dma semaphore(%arg15 : memref<!tpu.dma_semaphore, #tpu.memory_space<semaphore_mem>>) src(%dma_wait3A_117 : memref<10240x128xf32, #tpu.memory_space<hbm>>) dst(%arg9 : memref<64x128xf32, #tpu.memory_space<vmem>>)
      %dma_start3A_118 = arith.constant 1 : i32
      %dma_start3A_119 = arith.constant 0 : i32
      %dma_start3A_120 = tpu.memref_slice %arg7[%dma_start3A_118, %dma_start3A_119] : memref<24x64xi32, #tpu.memory_space<vmem>> -> memref<1x64xi32, #tpu.memory_space<vmem>>
      %dma_start3A_121 = tpu.memref_squeeze %dma_start3A_120 : memref<1x64xi32, #tpu.memory_space<vmem>> -> memref<64xi32, #tpu.memory_space<vmem>>
      %dma_start3A_122 = arith.constant 0 : i32
      %dma_start3A_123 = arith.constant 0 : i32
      %dma_start3A_124 = tpu.memref_slice %arg13[%dma_start3A_122, %dma_start3A_123] : memref<10240x128xf32, #tpu.memory_space<vmem_shared>> -> memref<10240x128xf32, #tpu.memory_space<vmem_shared>>
      tpu.enqueue_indirect_dma source(%arg9 : memref<64x128xf32, #tpu.memory_space<vmem>>) target(%dma_start3A_124 : memref<10240x128xf32, #tpu.memory_space<vmem_shared>>) offsets(%dma_start3A_121 : memref<64xi32, #tpu.memory_space<vmem>>) semaphore(%arg20 : memref<!tpu.dma_semaphore, #tpu.memory_space<semaphore_mem>>) {add = true}
      %dma_wait3A_125 = arith.constant 2 : i32
      %dma_wait3A_126 = arith.constant 0 : i32
      %dma_wait3A_127 = tpu.memref_slice %arg6[%dma_wait3A_125, %dma_wait3A_126] : memref<24x64xi32, #tpu.memory_space<vmem>> -> memref<1x64xi32, #tpu.memory_space<vmem>>
      %dma_wait3A_128 = tpu.memref_squeeze %dma_wait3A_127 : memref<1x64xi32, #tpu.memory_space<vmem>> -> memref<64xi32, #tpu.memory_space<vmem>>
      %dma_wait3A_129 = arith.constant 0 : i32
      %dma_wait3A_130 = arith.constant 0 : i32
      %dma_wait3A_131 = tpu.memref_slice %arg4[%dma_wait3A_129, %dma_wait3A_130] : memref<10240x128xf32, #tpu.memory_space<hbm>> -> memref<10240x128xf32, #tpu.memory_space<hbm>>
      tpu.wait_indirect_dma semaphore(%arg16 : memref<!tpu.dma_semaphore, #tpu.memory_space<semaphore_mem>>) src(%dma_wait3A_131 : memref<10240x128xf32, #tpu.memory_space<hbm>>) dst(%arg10 : memref<64x128xf32, #tpu.memory_space<vmem>>)
      %dma_start3A_132 = arith.constant 2 : i32
      %dma_start3A_133 = arith.constant 0 : i32
      %dma_start3A_134 = tpu.memref_slice %arg7[%dma_start3A_132, %dma_start3A_133] : memref<24x64xi32, #tpu.memory_space<vmem>> -> memref<1x64xi32, #tpu.memory_space<vmem>>
      %dma_start3A_135 = tpu.memref_squeeze %dma_start3A_134 : memref<1x64xi32, #tpu.memory_space<vmem>> -> memref<64xi32, #tpu.memory_space<vmem>>
      %dma_start3A_136 = arith.constant 0 : i32
      %dma_start3A_137 = arith.constant 0 : i32
      %dma_start3A_138 = tpu.memref_slice %arg13[%dma_start3A_136, %dma_start3A_137] : memref<10240x128xf32, #tpu.memory_space<vmem_shared>> -> memref<10240x128xf32, #tpu.memory_space<vmem_shared>>
      tpu.enqueue_indirect_dma source(%arg10 : memref<64x128xf32, #tpu.memory_space<vmem>>) target(%dma_start3A_138 : memref<10240x128xf32, #tpu.memory_space<vmem_shared>>) offsets(%dma_start3A_135 : memref<64xi32, #tpu.memory_space<vmem>>) semaphore(%arg21 : memref<!tpu.dma_semaphore, #tpu.memory_space<semaphore_mem>>) {add = true}
      %dma_wait3A_139 = arith.constant 0 : i32
      %dma_wait3A_140 = arith.constant 0 : i32
      %dma_wait3A_141 = tpu.memref_slice %arg7[%dma_wait3A_139, %dma_wait3A_140] : memref<24x64xi32, #tpu.memory_space<vmem>> -> memref<1x64xi32, #tpu.memory_space<vmem>>
      %dma_wait3A_142 = tpu.memref_squeeze %dma_wait3A_141 : memref<1x64xi32, #tpu.memory_space<vmem>> -> memref<64xi32, #tpu.memory_space<vmem>>
      %dma_wait3A_143 = arith.constant 0 : i32
      %dma_wait3A_144 = arith.constant 0 : i32
      %dma_wait3A_145 = tpu.memref_slice %arg13[%dma_wait3A_143, %dma_wait3A_144] : memref<10240x128xf32, #tpu.memory_space<vmem_shared>> -> memref<10240x128xf32, #tpu.memory_space<vmem_shared>>
      tpu.wait_indirect_dma semaphore(%arg19 : memref<!tpu.dma_semaphore, #tpu.memory_space<semaphore_mem>>) src(%arg8 : memref<64x128xf32, #tpu.memory_space<vmem>>) dst(%dma_wait3A_145 : memref<10240x128xf32, #tpu.memory_space<vmem_shared>>)
      %dma_start3A_146 = arith.constant 5 : i32
      %dma_start3A_147 = arith.constant 0 : i32
      %dma_start3A_148 = tpu.memref_slice %arg6[%dma_start3A_146, %dma_start3A_147] : memref<24x64xi32, #tpu.memory_space<vmem>> -> memref<1x64xi32, #tpu.memory_space<vmem>>
      %dma_start3A_149 = tpu.memref_squeeze %dma_start3A_148 : memref<1x64xi32, #tpu.memory_space<vmem>> -> memref<64xi32, #tpu.memory_space<vmem>>
      %dma_start3A_150 = arith.constant 0 : i32
      %dma_start3A_151 = arith.constant 0 : i32
      %dma_start3A_152 = tpu.memref_slice %arg4[%dma_start3A_150, %dma_start3A_151] : memref<10240x128xf32, #tpu.memory_space<hbm>> -> memref<10240x128xf32, #tpu.memory_space<hbm>>
      tpu.enqueue_indirect_dma source(%dma_start3A_152 : memref<10240x128xf32, #tpu.memory_space<hbm>>) target(%arg8 : memref<64x128xf32, #tpu.memory_space<vmem>>) offsets(%dma_start3A_149 : memref<64xi32, #tpu.memory_space<vmem>>) semaphore(%arg14 : memref<!tpu.dma_semaphore, #tpu.memory_space<semaphore_mem>>)
      %dma_wait3A_153 = arith.constant 3 : i32
      %dma_wait3A_154 = arith.constant 0 : i32
      %dma_wait3A_155 = tpu.memref_slice %arg6[%dma_wait3A_153, %dma_wait3A_154] : memref<24x64xi32, #tpu.memory_space<vmem>> -> memref<1x64xi32, #tpu.memory_space<vmem>>
      %dma_wait3A_156 = tpu.memref_squeeze %dma_wait3A_155 : memref<1x64xi32, #tpu.memory_space<vmem>> -> memref<64xi32, #tpu.memory_space<vmem>>
      %dma_wait3A_157 = arith.constant 0 : i32
      %dma_wait3A_158 = arith.constant 0 : i32
      %dma_wait3A_159 = tpu.memref_slice %arg4[%dma_wait3A_157, %dma_wait3A_158] : memref<10240x128xf32, #tpu.memory_space<hbm>> -> memref<10240x128xf32, #tpu.memory_space<hbm>>
      tpu.wait_indirect_dma semaphore(%arg17 : memref<!tpu.dma_semaphore, #tpu.memory_space<semaphore_mem>>) src(%dma_wait3A_159 : memref<10240x128xf32, #tpu.memory_space<hbm>>) dst(%arg11 : memref<64x128xf32, #tpu.memory_space<vmem>>)
      %dma_start3A_160 = arith.constant 3 : i32
      %dma_start3A_161 = arith.constant 0 : i32
      %dma_start3A_162 = tpu.memref_slice %arg7[%dma_start3A_160, %dma_start3A_161] : memref<24x64xi32, #tpu.memory_space<vmem>> -> memref<1x64xi32, #tpu.memory_space<vmem>>
      %dma_start3A_163 = tpu.memref_squeeze %dma_start3A_162 : memref<1x64xi32, #tpu.memory_space<vmem>> -> memref<64xi32, #tpu.memory_space<vmem>>
      %dma_start3A_164 = arith.constant 0 : i32
      %dma_start3A_165 = arith.constant 0 : i32
      %dma_start3A_166 = tpu.memref_slice %arg13[%dma_start3A_164, %dma_start3A_165] : memref<10240x128xf32, #tpu.memory_space<vmem_shared>> -> memref<10240x128xf32, #tpu.memory_space<vmem_shared>>
      tpu.enqueue_indirect_dma source(%arg11 : memref<64x128xf32, #tpu.memory_space<vmem>>) target(%dma_start3A_166 : memref<10240x128xf32, #tpu.memory_space<vmem_shared>>) offsets(%dma_start3A_163 : memref<64xi32, #tpu.memory_space<vmem>>) semaphore(%arg22 : memref<!tpu.dma_semaphore, #tpu.memory_space<semaphore_mem>>) {add = true}
      %dma_wait3A_167 = arith.constant 1 : i32
      %dma_wait3A_168 = arith.constant 0 : i32
      %dma_wait3A_169 = tpu.memref_slice %arg7[%dma_wait3A_167, %dma_wait3A_168] : memref<24x64xi32, #tpu.memory_space<vmem>> -> memref<1x64xi32, #tpu.memory_space<vmem>>
      %dma_wait3A_170 = tpu.memref_squeeze %dma_wait3A_169 : memref<1x64xi32, #tpu.memory_space<vmem>> -> memref<64xi32, #tpu.memory_space<vmem>>
      %dma_wait3A_171 = arith.constant 0 : i32
      %dma_wait3A_172 = arith.constant 0 : i32
      %dma_wait3A_173 = tpu.memref_slice %arg13[%dma_wait3A_171, %dma_wait3A_172] : memref<10240x128xf32, #tpu.memory_space<vmem_shared>> -> memref<10240x128xf32, #tpu.memory_space<vmem_shared>>
      tpu.wait_indirect_dma semaphore(%arg20 : memref<!tpu.dma_semaphore, #tpu.memory_space<semaphore_mem>>) src(%arg9 : memref<64x128xf32, #tpu.memory_space<vmem>>) dst(%dma_wait3A_173 : memref<10240x128xf32, #tpu.memory_space<vmem_shared>>)
      %dma_start3A_174 = arith.constant 6 : i32
      %dma_start3A_175 = arith.constant 0 : i32
      %dma_start3A_176 = tpu.memref_slice %arg6[%dma_start3A_174, %dma_start3A_175] : memref<24x64xi32, #tpu.memory_space<vmem>> -> memref<1x64xi32, #tpu.memory_space<vmem>>
      %dma_start3A_177 = tpu.memref_squeeze %dma_start3A_176 : memref<1x64xi32, #tpu.memory_space<vmem>> -> memref<64xi32, #tpu.memory_space<vmem>>
      %dma_start3A_178 = arith.constant 0 : i32
      %dma_start3A_179 = arith.constant 0 : i32
      %dma_start3A_180 = tpu.memref_slice %arg4[%dma_start3A_178, %dma_start3A_179] : memref<10240x128xf32, #tpu.memory_space<hbm>> -> memref<10240x128xf32, #tpu.memory_space<hbm>>
      tpu.enqueue_indirect_dma source(%dma_start3A_180 : memref<10240x128xf32, #tpu.memory_space<hbm>>) target(%arg9 : memref<64x128xf32, #tpu.memory_space<vmem>>) offsets(%dma_start3A_177 : memref<64xi32, #tpu.memory_space<vmem>>) semaphore(%arg15 : memref<!tpu.dma_semaphore, #tpu.memory_space<semaphore_mem>>)
      %dma_wait3A_181 = arith.constant 4 : i32
      %dma_wait3A_182 = arith.constant 0 : i32
      %dma_wait3A_183 = tpu.memref_slice %arg6[%dma_wait3A_181, %dma_wait3A_182] : memref<24x64xi32, #tpu.memory_space<vmem>> -> memref<1x64xi32, #tpu.memory_space<vmem>>
      %dma_wait3A_184 = tpu.memref_squeeze %dma_wait3A_183 : memref<1x64xi32, #tpu.memory_space<vmem>> -> memref<64xi32, #tpu.memory_space<vmem>>
      %dma_wait3A_185 = arith.constant 0 : i32
      %dma_wait3A_186 = arith.constant 0 : i32
      %dma_wait3A_187 = tpu.memref_slice %arg4[%dma_wait3A_185, %dma_wait3A_186] : memref<10240x128xf32, #tpu.memory_space<hbm>> -> memref<10240x128xf32, #tpu.memory_space<hbm>>
      tpu.wait_indirect_dma semaphore(%arg18 : memref<!tpu.dma_semaphore, #tpu.memory_space<semaphore_mem>>) src(%dma_wait3A_187 : memref<10240x128xf32, #tpu.memory_space<hbm>>) dst(%arg12 : memref<64x128xf32, #tpu.memory_space<vmem>>)
      %dma_start3A_188 = arith.constant 4 : i32
      %dma_start3A_189 = arith.constant 0 : i32
      %dma_start3A_190 = tpu.memref_slice %arg7[%dma_start3A_188, %dma_start3A_189] : memref<24x64xi32, #tpu.memory_space<vmem>> -> memref<1x64xi32, #tpu.memory_space<vmem>>
      %dma_start3A_191 = tpu.memref_squeeze %dma_start3A_190 : memref<1x64xi32, #tpu.memory_space<vmem>> -> memref<64xi32, #tpu.memory_space<vmem>>
      %dma_start3A_192 = arith.constant 0 : i32
      %dma_start3A_193 = arith.constant 0 : i32
      %dma_start3A_194 = tpu.memref_slice %arg13[%dma_start3A_192, %dma_start3A_193] : memref<10240x128xf32, #tpu.memory_space<vmem_shared>> -> memref<10240x128xf32, #tpu.memory_space<vmem_shared>>
      tpu.enqueue_indirect_dma source(%arg12 : memref<64x128xf32, #tpu.memory_space<vmem>>) target(%dma_start3A_194 : memref<10240x128xf32, #tpu.memory_space<vmem_shared>>) offsets(%dma_start3A_191 : memref<64xi32, #tpu.memory_space<vmem>>) semaphore(%arg23 : memref<!tpu.dma_semaphore, #tpu.memory_space<semaphore_mem>>) {add = true}
      %dma_wait3A_195 = arith.constant 2 : i32
      %dma_wait3A_196 = arith.constant 0 : i32
      %dma_wait3A_197 = tpu.memref_slice %arg7[%dma_wait3A_195, %dma_wait3A_196] : memref<24x64xi32, #tpu.memory_space<vmem>> -> memref<1x64xi32, #tpu.memory_space<vmem>>
      %dma_wait3A_198 = tpu.memref_squeeze %dma_wait3A_197 : memref<1x64xi32, #tpu.memory_space<vmem>> -> memref<64xi32, #tpu.memory_space<vmem>>
      %dma_wait3A_199 = arith.constant 0 : i32
      %dma_wait3A_200 = arith.constant 0 : i32
      %dma_wait3A_201 = tpu.memref_slice %arg13[%dma_wait3A_199, %dma_wait3A_200] : memref<10240x128xf32, #tpu.memory_space<vmem_shared>> -> memref<10240x128xf32, #tpu.memory_space<vmem_shared>>
      tpu.wait_indirect_dma semaphore(%arg21 : memref<!tpu.dma_semaphore, #tpu.memory_space<semaphore_mem>>) src(%arg10 : memref<64x128xf32, #tpu.memory_space<vmem>>) dst(%dma_wait3A_201 : memref<10240x128xf32, #tpu.memory_space<vmem_shared>>)
      %dma_start3A_202 = arith.constant 7 : i32
      %dma_start3A_203 = arith.constant 0 : i32
      %dma_start3A_204 = tpu.memref_slice %arg6[%dma_start3A_202, %dma_start3A_203] : memref<24x64xi32, #tpu.memory_space<vmem>> -> memref<1x64xi32, #tpu.memory_space<vmem>>
      %dma_start3A_205 = tpu.memref_squeeze %dma_start3A_204 : memref<1x64xi32, #tpu.memory_space<vmem>> -> memref<64xi32, #tpu.memory_space<vmem>>
      %dma_start3A_206 = arith.constant 0 : i32
      %dma_start3A_207 = arith.constant 0 : i32
      %dma_start3A_208 = tpu.memref_slice %arg4[%dma_start3A_206, %dma_start3A_207] : memref<10240x128xf32, #tpu.memory_space<hbm>> -> memref<10240x128xf32, #tpu.memory_space<hbm>>
      tpu.enqueue_indirect_dma source(%dma_start3A_208 : memref<10240x128xf32, #tpu.memory_space<hbm>>) target(%arg10 : memref<64x128xf32, #tpu.memory_space<vmem>>) offsets(%dma_start3A_205 : memref<64xi32, #tpu.memory_space<vmem>>) semaphore(%arg16 : memref<!tpu.dma_semaphore, #tpu.memory_space<semaphore_mem>>)
      %dma_wait3A_209 = arith.constant 5 : i32
      %dma_wait3A_210 = arith.constant 0 : i32
      %dma_wait3A_211 = tpu.memref_slice %arg6[%dma_wait3A_209, %dma_wait3A_210] : memref<24x64xi32, #tpu.memory_space<vmem>> -> memref<1x64xi32, #tpu.memory_space<vmem>>
      %dma_wait3A_212 = tpu.memref_squeeze %dma_wait3A_211 : memref<1x64xi32, #tpu.memory_space<vmem>> -> memref<64xi32, #tpu.memory_space<vmem>>
      %dma_wait3A_213 = arith.constant 0 : i32
      %dma_wait3A_214 = arith.constant 0 : i32
      %dma_wait3A_215 = tpu.memref_slice %arg4[%dma_wait3A_213, %dma_wait3A_214] : memref<10240x128xf32, #tpu.memory_space<hbm>> -> memref<10240x128xf32, #tpu.memory_space<hbm>>
      tpu.wait_indirect_dma semaphore(%arg14 : memref<!tpu.dma_semaphore, #tpu.memory_space<semaphore_mem>>) src(%dma_wait3A_215 : memref<10240x128xf32, #tpu.memory_space<hbm>>) dst(%arg8 : memref<64x128xf32, #tpu.memory_space<vmem>>)
      %dma_start3A_216 = arith.constant 5 : i32
      %dma_start3A_217 = arith.constant 0 : i32
      %dma_start3A_218 = tpu.memref_slice %arg7[%dma_start3A_216, %dma_start3A_217] : memref<24x64xi32, #tpu.memory_space<vmem>> -> memref<1x64xi32, #tpu.memory_space<vmem>>
      %dma_start3A_219 = tpu.memref_squeeze %dma_start3A_218 : memref<1x64xi32, #tpu.memory_space<vmem>> -> memref<64xi32, #tpu.memory_space<vmem>>
      %dma_start3A_220 = arith.constant 0 : i32
      %dma_start3A_221 = arith.constant 0 : i32
      %dma_start3A_222 = tpu.memref_slice %arg13[%dma_start3A_220, %dma_start3A_221] : memref<10240x128xf32, #tpu.memory_space<vmem_shared>> -> memref<10240x128xf32, #tpu.memory_space<vmem_shared>>
      tpu.enqueue_indirect_dma source(%arg8 : memref<64x128xf32, #tpu.memory_space<vmem>>) target(%dma_start3A_222 : memref<10240x128xf32, #tpu.memory_space<vmem_shared>>) offsets(%dma_start3A_219 : memref<64xi32, #tpu.memory_space<vmem>>) semaphore(%arg19 : memref<!tpu.dma_semaphore, #tpu.memory_space<semaphore_mem>>) {add = true}
      %dma_wait3A_223 = arith.constant 3 : i32
      %dma_wait3A_224 = arith.constant 0 : i32
      %dma_wait3A_225 = tpu.memref_slice %arg7[%dma_wait3A_223, %dma_wait3A_224] : memref<24x64xi32, #tpu.memory_space<vmem>> -> memref<1x64xi32, #tpu.memory_space<vmem>>
      %dma_wait3A_226 = tpu.memref_squeeze %dma_wait3A_225 : memref<1x64xi32, #tpu.memory_space<vmem>> -> memref<64xi32, #tpu.memory_space<vmem>>
      %dma_wait3A_227 = arith.constant 0 : i32
      %dma_wait3A_228 = arith.constant 0 : i32
      %dma_wait3A_229 = tpu.memref_slice %arg13[%dma_wait3A_227, %dma_wait3A_228] : memref<10240x128xf32, #tpu.memory_space<vmem_shared>> -> memref<10240x128xf32, #tpu.memory_space<vmem_shared>>
      tpu.wait_indirect_dma semaphore(%arg22 : memref<!tpu.dma_semaphore, #tpu.memory_space<semaphore_mem>>) src(%arg11 : memref<64x128xf32, #tpu.memory_space<vmem>>) dst(%dma_wait3A_229 : memref<10240x128xf32, #tpu.memory_space<vmem_shared>>)
      %dma_start3A_230 = arith.constant 8 : i32
      %dma_start3A_231 = arith.constant 0 : i32
      %dma_start3A_232 = tpu.memref_slice %arg6[%dma_start3A_230, %dma_start3A_231] : memref<24x64xi32, #tpu.memory_space<vmem>> -> memref<1x64xi32, #tpu.memory_space<vmem>>
      %dma_start3A_233 = tpu.memref_squeeze %dma_start3A_232 : memref<1x64xi32, #tpu.memory_space<vmem>> -> memref<64xi32, #tpu.memory_space<vmem>>
      %dma_start3A_234 = arith.constant 0 : i32
      %dma_start3A_235 = arith.constant 0 : i32
      %dma_start3A_236 = tpu.memref_slice %arg4[%dma_start3A_234, %dma_start3A_235] : memref<10240x128xf32, #tpu.memory_space<hbm>> -> memref<10240x128xf32, #tpu.memory_space<hbm>>
      tpu.enqueue_indirect_dma source(%dma_start3A_236 : memref<10240x128xf32, #tpu.memory_space<hbm>>) target(%arg11 : memref<64x128xf32, #tpu.memory_space<vmem>>) offsets(%dma_start3A_233 : memref<64xi32, #tpu.memory_space<vmem>>) semaphore(%arg17 : memref<!tpu.dma_semaphore, #tpu.memory_space<semaphore_mem>>)
      %dma_wait3A_237 = arith.constant 6 : i32
      %dma_wait3A_238 = arith.constant 0 : i32
      %dma_wait3A_239 = tpu.memref_slice %arg6[%dma_wait3A_237, %dma_wait3A_238] : memref<24x64xi32, #tpu.memory_space<vmem>> -> memref<1x64xi32, #tpu.memory_space<vmem>>
      %dma_wait3A_240 = tpu.memref_squeeze %dma_wait3A_239 : memref<1x64xi32, #tpu.memory_space<vmem>> -> memref<64xi32, #tpu.memory_space<vmem>>
      %dma_wait3A_241 = arith.constant 0 : i32
      %dma_wait3A_242 = arith.constant 0 : i32
      %dma_wait3A_243 = tpu.memref_slice %arg4[%dma_wait3A_241, %dma_wait3A_242] : memref<10240x128xf32, #tpu.memory_space<hbm>> -> memref<10240x128xf32, #tpu.memory_space<hbm>>
      tpu.wait_indirect_dma semaphore(%arg15 : memref<!tpu.dma_semaphore, #tpu.memory_space<semaphore_mem>>) src(%dma_wait3A_243 : memref<10240x128xf32, #tpu.memory_space<hbm>>) dst(%arg9 : memref<64x128xf32, #tpu.memory_space<vmem>>)
      %dma_start3A_244 = arith.constant 6 : i32
      %dma_start3A_245 = arith.constant 0 : i32
      %dma_start3A_246 = tpu.memref_slice %arg7[%dma_start3A_244, %dma_start3A_245] : memref<24x64xi32, #tpu.memory_space<vmem>> -> memref<1x64xi32, #tpu.memory_space<vmem>>
      %dma_start3A_247 = tpu.memref_squeeze %dma_start3A_246 : memref<1x64xi32, #tpu.memory_space<vmem>> -> memref<64xi32, #tpu.memory_space<vmem>>
      %dma_start3A_248 = arith.constant 0 : i32
      %dma_start3A_249 = arith.constant 0 : i32
      %dma_start3A_250 = tpu.memref_slice %arg13[%dma_start3A_248, %dma_start3A_249] : memref<10240x128xf32, #tpu.memory_space<vmem_shared>> -> memref<10240x128xf32, #tpu.memory_space<vmem_shared>>
      tpu.enqueue_indirect_dma source(%arg9 : memref<64x128xf32, #tpu.memory_space<vmem>>) target(%dma_start3A_250 : memref<10240x128xf32, #tpu.memory_space<vmem_shared>>) offsets(%dma_start3A_247 : memref<64xi32, #tpu.memory_space<vmem>>) semaphore(%arg20 : memref<!tpu.dma_semaphore, #tpu.memory_space<semaphore_mem>>) {add = true}
      %dma_wait3A_251 = arith.constant 4 : i32
      %dma_wait3A_252 = arith.constant 0 : i32
      %dma_wait3A_253 = tpu.memref_slice %arg7[%dma_wait3A_251, %dma_wait3A_252] : memref<24x64xi32, #tpu.memory_space<vmem>> -> memref<1x64xi32, #tpu.memory_space<vmem>>
      %dma_wait3A_254 = tpu.memref_squeeze %dma_wait3A_253 : memref<1x64xi32, #tpu.memory_space<vmem>> -> memref<64xi32, #tpu.memory_space<vmem>>
      %dma_wait3A_255 = arith.constant 0 : i32
      %dma_wait3A_256 = arith.constant 0 : i32
      %dma_wait3A_257 = tpu.memref_slice %arg13[%dma_wait3A_255, %dma_wait3A_256] : memref<10240x128xf32, #tpu.memory_space<vmem_shared>> -> memref<10240x128xf32, #tpu.memory_space<vmem_shared>>
      tpu.wait_indirect_dma semaphore(%arg23 : memref<!tpu.dma_semaphore, #tpu.memory_space<semaphore_mem>>) src(%arg12 : memref<64x128xf32, #tpu.memory_space<vmem>>) dst(%dma_wait3A_257 : memref<10240x128xf32, #tpu.memory_space<vmem_shared>>)
      %dma_start3A_258 = arith.constant 9 : i32
      %dma_start3A_259 = arith.constant 0 : i32
      %dma_start3A_260 = tpu.memref_slice %arg6[%dma_start3A_258, %dma_start3A_259] : memref<24x64xi32, #tpu.memory_space<vmem>> -> memref<1x64xi32, #tpu.memory_space<vmem>>
      %dma_start3A_261 = tpu.memref_squeeze %dma_start3A_260 : memref<1x64xi32, #tpu.memory_space<vmem>> -> memref<64xi32, #tpu.memory_space<vmem>>
      %dma_start3A_262 = arith.constant 0 : i32
      %dma_start3A_263 = arith.constant 0 : i32
      %dma_start3A_264 = tpu.memref_slice %arg4[%dma_start3A_262, %dma_start3A_263] : memref<10240x128xf32, #tpu.memory_space<hbm>> -> memref<10240x128xf32, #tpu.memory_space<hbm>>
      tpu.enqueue_indirect_dma source(%dma_start3A_264 : memref<10240x128xf32, #tpu.memory_space<hbm>>) target(%arg12 : memref<64x128xf32, #tpu.memory_space<vmem>>) offsets(%dma_start3A_261 : memref<64xi32, #tpu.memory_space<vmem>>) semaphore(%arg18 : memref<!tpu.dma_semaphore, #tpu.memory_space<semaphore_mem>>)
      %dma_wait3A_265 = arith.constant 7 : i32
      %dma_wait3A_266 = arith.constant 0 : i32
      %dma_wait3A_267 = tpu.memref_slice %arg6[%dma_wait3A_265, %dma_wait3A_266] : memref<24x64xi32, #tpu.memory_space<vmem>> -> memref<1x64xi32, #tpu.memory_space<vmem>>
      %dma_wait3A_268 = tpu.memref_squeeze %dma_wait3A_267 : memref<1x64xi32, #tpu.memory_space<vmem>> -> memref<64xi32, #tpu.memory_space<vmem>>
      %dma_wait3A_269 = arith.constant 0 : i32
      %dma_wait3A_270 = arith.constant 0 : i32
      %dma_wait3A_271 = tpu.memref_slice %arg4[%dma_wait3A_269, %dma_wait3A_270] : memref<10240x128xf32, #tpu.memory_space<hbm>> -> memref<10240x128xf32, #tpu.memory_space<hbm>>
      tpu.wait_indirect_dma semaphore(%arg16 : memref<!tpu.dma_semaphore, #tpu.memory_space<semaphore_mem>>) src(%dma_wait3A_271 : memref<10240x128xf32, #tpu.memory_space<hbm>>) dst(%arg10 : memref<64x128xf32, #tpu.memory_space<vmem>>)
      %dma_start3A_272 = arith.constant 7 : i32
      %dma_start3A_273 = arith.constant 0 : i32
      %dma_start3A_274 = tpu.memref_slice %arg7[%dma_start3A_272, %dma_start3A_273] : memref<24x64xi32, #tpu.memory_space<vmem>> -> memref<1x64xi32, #tpu.memory_space<vmem>>
      %dma_start3A_275 = tpu.memref_squeeze %dma_start3A_274 : memref<1x64xi32, #tpu.memory_space<vmem>> -> memref<64xi32, #tpu.memory_space<vmem>>
      %dma_start3A_276 = arith.constant 0 : i32
      %dma_start3A_277 = arith.constant 0 : i32
      %dma_start3A_278 = tpu.memref_slice %arg13[%dma_start3A_276, %dma_start3A_277] : memref<10240x128xf32, #tpu.memory_space<vmem_shared>> -> memref<10240x128xf32, #tpu.memory_space<vmem_shared>>
      tpu.enqueue_indirect_dma source(%arg10 : memref<64x128xf32, #tpu.memory_space<vmem>>) target(%dma_start3A_278 : memref<10240x128xf32, #tpu.memory_space<vmem_shared>>) offsets(%dma_start3A_275 : memref<64xi32, #tpu.memory_space<vmem>>) semaphore(%arg21 : memref<!tpu.dma_semaphore, #tpu.memory_space<semaphore_mem>>) {add = true}
      %dma_wait3A_279 = arith.constant 5 : i32
      %dma_wait3A_280 = arith.constant 0 : i32
      %dma_wait3A_281 = tpu.memref_slice %arg7[%dma_wait3A_279, %dma_wait3A_280] : memref<24x64xi32, #tpu.memory_space<vmem>> -> memref<1x64xi32, #tpu.memory_space<vmem>>
      %dma_wait3A_282 = tpu.memref_squeeze %dma_wait3A_281 : memref<1x64xi32, #tpu.memory_space<vmem>> -> memref<64xi32, #tpu.memory_space<vmem>>
      %dma_wait3A_283 = arith.constant 0 : i32
      %dma_wait3A_284 = arith.constant 0 : i32
      %dma_wait3A_285 = tpu.memref_slice %arg13[%dma_wait3A_283, %dma_wait3A_284] : memref<10240x128xf32, #tpu.memory_space<vmem_shared>> -> memref<10240x128xf32, #tpu.memory_space<vmem_shared>>
      tpu.wait_indirect_dma semaphore(%arg19 : memref<!tpu.dma_semaphore, #tpu.memory_space<semaphore_mem>>) src(%arg8 : memref<64x128xf32, #tpu.memory_space<vmem>>) dst(%dma_wait3A_285 : memref<10240x128xf32, #tpu.memory_space<vmem_shared>>)
      %dma_start3A_286 = arith.constant 10 : i32
      %dma_start3A_287 = arith.constant 0 : i32
      %dma_start3A_288 = tpu.memref_slice %arg6[%dma_start3A_286, %dma_start3A_287] : memref<24x64xi32, #tpu.memory_space<vmem>> -> memref<1x64xi32, #tpu.memory_space<vmem>>
      %dma_start3A_289 = tpu.memref_squeeze %dma_start3A_288 : memref<1x64xi32, #tpu.memory_space<vmem>> -> memref<64xi32, #tpu.memory_space<vmem>>
      %dma_start3A_290 = arith.constant 0 : i32
      %dma_start3A_291 = arith.constant 0 : i32
      %dma_start3A_292 = tpu.memref_slice %arg4[%dma_start3A_290, %dma_start3A_291] : memref<10240x128xf32, #tpu.memory_space<hbm>> -> memref<10240x128xf32, #tpu.memory_space<hbm>>
      tpu.enqueue_indirect_dma source(%dma_start3A_292 : memref<10240x128xf32, #tpu.memory_space<hbm>>) target(%arg8 : memref<64x128xf32, #tpu.memory_space<vmem>>) offsets(%dma_start3A_289 : memref<64xi32, #tpu.memory_space<vmem>>) semaphore(%arg14 : memref<!tpu.dma_semaphore, #tpu.memory_space<semaphore_mem>>)
      %dma_wait3A_293 = arith.constant 8 : i32
      %dma_wait3A_294 = arith.constant 0 : i32
      %dma_wait3A_295 = tpu.memref_slice %arg6[%dma_wait3A_293, %dma_wait3A_294] : memref<24x64xi32, #tpu.memory_space<vmem>> -> memref<1x64xi32, #tpu.memory_space<vmem>>
      %dma_wait3A_296 = tpu.memref_squeeze %dma_wait3A_295 : memref<1x64xi32, #tpu.memory_space<vmem>> -> memref<64xi32, #tpu.memory_space<vmem>>
      %dma_wait3A_297 = arith.constant 0 : i32
      %dma_wait3A_298 = arith.constant 0 : i32
      %dma_wait3A_299 = tpu.memref_slice %arg4[%dma_wait3A_297, %dma_wait3A_298] : memref<10240x128xf32, #tpu.memory_space<hbm>> -> memref<10240x128xf32, #tpu.memory_space<hbm>>
      tpu.wait_indirect_dma semaphore(%arg17 : memref<!tpu.dma_semaphore, #tpu.memory_space<semaphore_mem>>) src(%dma_wait3A_299 : memref<10240x128xf32, #tpu.memory_space<hbm>>) dst(%arg11 : memref<64x128xf32, #tpu.memory_space<vmem>>)
      %dma_start3A_300 = arith.constant 8 : i32
      %dma_start3A_301 = arith.constant 0 : i32
      %dma_start3A_302 = tpu.memref_slice %arg7[%dma_start3A_300, %dma_start3A_301] : memref<24x64xi32, #tpu.memory_space<vmem>> -> memref<1x64xi32, #tpu.memory_space<vmem>>
      %dma_start3A_303 = tpu.memref_squeeze %dma_start3A_302 : memref<1x64xi32, #tpu.memory_space<vmem>> -> memref<64xi32, #tpu.memory_space<vmem>>
      %dma_start3A_304 = arith.constant 0 : i32
      %dma_start3A_305 = arith.constant 0 : i32
      %dma_start3A_306 = tpu.memref_slice %arg13[%dma_start3A_304, %dma_start3A_305] : memref<10240x128xf32, #tpu.memory_space<vmem_shared>> -> memref<10240x128xf32, #tpu.memory_space<vmem_shared>>
      tpu.enqueue_indirect_dma source(%arg11 : memref<64x128xf32, #tpu.memory_space<vmem>>) target(%dma_start3A_306 : memref<10240x128xf32, #tpu.memory_space<vmem_shared>>) offsets(%dma_start3A_303 : memref<64xi32, #tpu.memory_space<vmem>>) semaphore(%arg22 : memref<!tpu.dma_semaphore, #tpu.memory_space<semaphore_mem>>) {add = true}
      %dma_wait3A_307 = arith.constant 6 : i32
      %dma_wait3A_308 = arith.constant 0 : i32
      %dma_wait3A_309 = tpu.memref_slice %arg7[%dma_wait3A_307, %dma_wait3A_308] : memref<24x64xi32, #tpu.memory_space<vmem>> -> memref<1x64xi32, #tpu.memory_space<vmem>>
      %dma_wait3A_310 = tpu.memref_squeeze %dma_wait3A_309 : memref<1x64xi32, #tpu.memory_space<vmem>> -> memref<64xi32, #tpu.memory_space<vmem>>
      %dma_wait3A_311 = arith.constant 0 : i32
      %dma_wait3A_312 = arith.constant 0 : i32
      %dma_wait3A_313 = tpu.memref_slice %arg13[%dma_wait3A_311, %dma_wait3A_312] : memref<10240x128xf32, #tpu.memory_space<vmem_shared>> -> memref<10240x128xf32, #tpu.memory_space<vmem_shared>>
      tpu.wait_indirect_dma semaphore(%arg20 : memref<!tpu.dma_semaphore, #tpu.memory_space<semaphore_mem>>) src(%arg9 : memref<64x128xf32, #tpu.memory_space<vmem>>) dst(%dma_wait3A_313 : memref<10240x128xf32, #tpu.memory_space<vmem_shared>>)
      %dma_start3A_314 = arith.constant 11 : i32
      %dma_start3A_315 = arith.constant 0 : i32
      %dma_start3A_316 = tpu.memref_slice %arg6[%dma_start3A_314, %dma_start3A_315] : memref<24x64xi32, #tpu.memory_space<vmem>> -> memref<1x64xi32, #tpu.memory_space<vmem>>
      %dma_start3A_317 = tpu.memref_squeeze %dma_start3A_316 : memref<1x64xi32, #tpu.memory_space<vmem>> -> memref<64xi32, #tpu.memory_space<vmem>>
      %dma_start3A_318 = arith.constant 0 : i32
      %dma_start3A_319 = arith.constant 0 : i32
      %dma_start3A_320 = tpu.memref_slice %arg4[%dma_start3A_318, %dma_start3A_319] : memref<10240x128xf32, #tpu.memory_space<hbm>> -> memref<10240x128xf32, #tpu.memory_space<hbm>>
      tpu.enqueue_indirect_dma source(%dma_start3A_320 : memref<10240x128xf32, #tpu.memory_space<hbm>>) target(%arg9 : memref<64x128xf32, #tpu.memory_space<vmem>>) offsets(%dma_start3A_317 : memref<64xi32, #tpu.memory_space<vmem>>) semaphore(%arg15 : memref<!tpu.dma_semaphore, #tpu.memory_space<semaphore_mem>>)
      %dma_wait3A_321 = arith.constant 9 : i32
      %dma_wait3A_322 = arith.constant 0 : i32
      %dma_wait3A_323 = tpu.memref_slice %arg6[%dma_wait3A_321, %dma_wait3A_322] : memref<24x64xi32, #tpu.memory_space<vmem>> -> memref<1x64xi32, #tpu.memory_space<vmem>>
      %dma_wait3A_324 = tpu.memref_squeeze %dma_wait3A_323 : memref<1x64xi32, #tpu.memory_space<vmem>> -> memref<64xi32, #tpu.memory_space<vmem>>
      %dma_wait3A_325 = arith.constant 0 : i32
      %dma_wait3A_326 = arith.constant 0 : i32
      %dma_wait3A_327 = tpu.memref_slice %arg4[%dma_wait3A_325, %dma_wait3A_326] : memref<10240x128xf32, #tpu.memory_space<hbm>> -> memref<10240x128xf32, #tpu.memory_space<hbm>>
      tpu.wait_indirect_dma semaphore(%arg18 : memref<!tpu.dma_semaphore, #tpu.memory_space<semaphore_mem>>) src(%dma_wait3A_327 : memref<10240x128xf32, #tpu.memory_space<hbm>>) dst(%arg12 : memref<64x128xf32, #tpu.memory_space<vmem>>)
      %dma_start3A_328 = arith.constant 9 : i32
      %dma_start3A_329 = arith.constant 0 : i32
      %dma_start3A_330 = tpu.memref_slice %arg7[%dma_start3A_328, %dma_start3A_329] : memref<24x64xi32, #tpu.memory_space<vmem>> -> memref<1x64xi32, #tpu.memory_space<vmem>>
      %dma_start3A_331 = tpu.memref_squeeze %dma_start3A_330 : memref<1x64xi32, #tpu.memory_space<vmem>> -> memref<64xi32, #tpu.memory_space<vmem>>
      %dma_start3A_332 = arith.constant 0 : i32
      %dma_start3A_333 = arith.constant 0 : i32
      %dma_start3A_334 = tpu.memref_slice %arg13[%dma_start3A_332, %dma_start3A_333] : memref<10240x128xf32, #tpu.memory_space<vmem_shared>> -> memref<10240x128xf32, #tpu.memory_space<vmem_shared>>
      tpu.enqueue_indirect_dma source(%arg12 : memref<64x128xf32, #tpu.memory_space<vmem>>) target(%dma_start3A_334 : memref<10240x128xf32, #tpu.memory_space<vmem_shared>>) offsets(%dma_start3A_331 : memref<64xi32, #tpu.memory_space<vmem>>) semaphore(%arg23 : memref<!tpu.dma_semaphore, #tpu.memory_space<semaphore_mem>>) {add = true}
      %dma_wait3A_335 = arith.constant 7 : i32
      %dma_wait3A_336 = arith.constant 0 : i32
      %dma_wait3A_337 = tpu.memref_slice %arg7[%dma_wait3A_335, %dma_wait3A_336] : memref<24x64xi32, #tpu.memory_space<vmem>> -> memref<1x64xi32, #tpu.memory_space<vmem>>
      %dma_wait3A_338 = tpu.memref_squeeze %dma_wait3A_337 : memref<1x64xi32, #tpu.memory_space<vmem>> -> memref<64xi32, #tpu.memory_space<vmem>>
      %dma_wait3A_339 = arith.constant 0 : i32
      %dma_wait3A_340 = arith.constant 0 : i32
      %dma_wait3A_341 = tpu.memref_slice %arg13[%dma_wait3A_339, %dma_wait3A_340] : memref<10240x128xf32, #tpu.memory_space<vmem_shared>> -> memref<10240x128xf32, #tpu.memory_space<vmem_shared>>
      tpu.wait_indirect_dma semaphore(%arg21 : memref<!tpu.dma_semaphore, #tpu.memory_space<semaphore_mem>>) src(%arg10 : memref<64x128xf32, #tpu.memory_space<vmem>>) dst(%dma_wait3A_341 : memref<10240x128xf32, #tpu.memory_space<vmem_shared>>)
      %dma_start3A_342 = arith.constant 12 : i32
      %dma_start3A_343 = arith.constant 0 : i32
      %dma_start3A_344 = tpu.memref_slice %arg6[%dma_start3A_342, %dma_start3A_343] : memref<24x64xi32, #tpu.memory_space<vmem>> -> memref<1x64xi32, #tpu.memory_space<vmem>>
      %dma_start3A_345 = tpu.memref_squeeze %dma_start3A_344 : memref<1x64xi32, #tpu.memory_space<vmem>> -> memref<64xi32, #tpu.memory_space<vmem>>
      %dma_start3A_346 = arith.constant 0 : i32
      %dma_start3A_347 = arith.constant 0 : i32
      %dma_start3A_348 = tpu.memref_slice %arg4[%dma_start3A_346, %dma_start3A_347] : memref<10240x128xf32, #tpu.memory_space<hbm>> -> memref<10240x128xf32, #tpu.memory_space<hbm>>
      tpu.enqueue_indirect_dma source(%dma_start3A_348 : memref<10240x128xf32, #tpu.memory_space<hbm>>) target(%arg10 : memref<64x128xf32, #tpu.memory_space<vmem>>) offsets(%dma_start3A_345 : memref<64xi32, #tpu.memory_space<vmem>>) semaphore(%arg16 : memref<!tpu.dma_semaphore, #tpu.memory_space<semaphore_mem>>)
      %dma_wait3A_349 = arith.constant 10 : i32
      %dma_wait3A_350 = arith.constant 0 : i32
      %dma_wait3A_351 = tpu.memref_slice %arg6[%dma_wait3A_349, %dma_wait3A_350] : memref<24x64xi32, #tpu.memory_space<vmem>> -> memref<1x64xi32, #tpu.memory_space<vmem>>
      %dma_wait3A_352 = tpu.memref_squeeze %dma_wait3A_351 : memref<1x64xi32, #tpu.memory_space<vmem>> -> memref<64xi32, #tpu.memory_space<vmem>>
      %dma_wait3A_353 = arith.constant 0 : i32
      %dma_wait3A_354 = arith.constant 0 : i32
      %dma_wait3A_355 = tpu.memref_slice %arg4[%dma_wait3A_353, %dma_wait3A_354] : memref<10240x128xf32, #tpu.memory_space<hbm>> -> memref<10240x128xf32, #tpu.memory_space<hbm>>
      tpu.wait_indirect_dma semaphore(%arg14 : memref<!tpu.dma_semaphore, #tpu.memory_space<semaphore_mem>>) src(%dma_wait3A_355 : memref<10240x128xf32, #tpu.memory_space<hbm>>) dst(%arg8 : memref<64x128xf32, #tpu.memory_space<vmem>>)
      %dma_start3A_356 = arith.constant 10 : i32
      %dma_start3A_357 = arith.constant 0 : i32
      %dma_start3A_358 = tpu.memref_slice %arg7[%dma_start3A_356, %dma_start3A_357] : memref<24x64xi32, #tpu.memory_space<vmem>> -> memref<1x64xi32, #tpu.memory_space<vmem>>
      %dma_start3A_359 = tpu.memref_squeeze %dma_start3A_358 : memref<1x64xi32, #tpu.memory_space<vmem>> -> memref<64xi32, #tpu.memory_space<vmem>>
      %dma_start3A_360 = arith.constant 0 : i32
      %dma_start3A_361 = arith.constant 0 : i32
      %dma_start3A_362 = tpu.memref_slice %arg13[%dma_start3A_360, %dma_start3A_361] : memref<10240x128xf32, #tpu.memory_space<vmem_shared>> -> memref<10240x128xf32, #tpu.memory_space<vmem_shared>>
      tpu.enqueue_indirect_dma source(%arg8 : memref<64x128xf32, #tpu.memory_space<vmem>>) target(%dma_start3A_362 : memref<10240x128xf32, #tpu.memory_space<vmem_shared>>) offsets(%dma_start3A_359 : memref<64xi32, #tpu.memory_space<vmem>>) semaphore(%arg19 : memref<!tpu.dma_semaphore, #tpu.memory_space<semaphore_mem>>) {add = true}
      %dma_wait3A_363 = arith.constant 8 : i32
      %dma_wait3A_364 = arith.constant 0 : i32
      %dma_wait3A_365 = tpu.memref_slice %arg7[%dma_wait3A_363, %dma_wait3A_364] : memref<24x64xi32, #tpu.memory_space<vmem>> -> memref<1x64xi32, #tpu.memory_space<vmem>>
      %dma_wait3A_366 = tpu.memref_squeeze %dma_wait3A_365 : memref<1x64xi32, #tpu.memory_space<vmem>> -> memref<64xi32, #tpu.memory_space<vmem>>
      %dma_wait3A_367 = arith.constant 0 : i32
      %dma_wait3A_368 = arith.constant 0 : i32
      %dma_wait3A_369 = tpu.memref_slice %arg13[%dma_wait3A_367, %dma_wait3A_368] : memref<10240x128xf32, #tpu.memory_space<vmem_shared>> -> memref<10240x128xf32, #tpu.memory_space<vmem_shared>>
      tpu.wait_indirect_dma semaphore(%arg22 : memref<!tpu.dma_semaphore, #tpu.memory_space<semaphore_mem>>) src(%arg11 : memref<64x128xf32, #tpu.memory_space<vmem>>) dst(%dma_wait3A_369 : memref<10240x128xf32, #tpu.memory_space<vmem_shared>>)
      %dma_start3A_370 = arith.constant 13 : i32
      %dma_start3A_371 = arith.constant 0 : i32
      %dma_start3A_372 = tpu.memref_slice %arg6[%dma_start3A_370, %dma_start3A_371] : memref<24x64xi32, #tpu.memory_space<vmem>> -> memref<1x64xi32, #tpu.memory_space<vmem>>
      %dma_start3A_373 = tpu.memref_squeeze %dma_start3A_372 : memref<1x64xi32, #tpu.memory_space<vmem>> -> memref<64xi32, #tpu.memory_space<vmem>>
      %dma_start3A_374 = arith.constant 0 : i32
      %dma_start3A_375 = arith.constant 0 : i32
      %dma_start3A_376 = tpu.memref_slice %arg4[%dma_start3A_374, %dma_start3A_375] : memref<10240x128xf32, #tpu.memory_space<hbm>> -> memref<10240x128xf32, #tpu.memory_space<hbm>>
      tpu.enqueue_indirect_dma source(%dma_start3A_376 : memref<10240x128xf32, #tpu.memory_space<hbm>>) target(%arg11 : memref<64x128xf32, #tpu.memory_space<vmem>>) offsets(%dma_start3A_373 : memref<64xi32, #tpu.memory_space<vmem>>) semaphore(%arg17 : memref<!tpu.dma_semaphore, #tpu.memory_space<semaphore_mem>>)
      %dma_wait3A_377 = arith.constant 11 : i32
      %dma_wait3A_378 = arith.constant 0 : i32
      %dma_wait3A_379 = tpu.memref_slice %arg6[%dma_wait3A_377, %dma_wait3A_378] : memref<24x64xi32, #tpu.memory_space<vmem>> -> memref<1x64xi32, #tpu.memory_space<vmem>>
      %dma_wait3A_380 = tpu.memref_squeeze %dma_wait3A_379 : memref<1x64xi32, #tpu.memory_space<vmem>> -> memref<64xi32, #tpu.memory_space<vmem>>
      %dma_wait3A_381 = arith.constant 0 : i32
      %dma_wait3A_382 = arith.constant 0 : i32
      %dma_wait3A_383 = tpu.memref_slice %arg4[%dma_wait3A_381, %dma_wait3A_382] : memref<10240x128xf32, #tpu.memory_space<hbm>> -> memref<10240x128xf32, #tpu.memory_space<hbm>>
      tpu.wait_indirect_dma semaphore(%arg15 : memref<!tpu.dma_semaphore, #tpu.memory_space<semaphore_mem>>) src(%dma_wait3A_383 : memref<10240x128xf32, #tpu.memory_space<hbm>>) dst(%arg9 : memref<64x128xf32, #tpu.memory_space<vmem>>)
      %dma_start3A_384 = arith.constant 11 : i32
      %dma_start3A_385 = arith.constant 0 : i32
      %dma_start3A_386 = tpu.memref_slice %arg7[%dma_start3A_384, %dma_start3A_385] : memref<24x64xi32, #tpu.memory_space<vmem>> -> memref<1x64xi32, #tpu.memory_space<vmem>>
      %dma_start3A_387 = tpu.memref_squeeze %dma_start3A_386 : memref<1x64xi32, #tpu.memory_space<vmem>> -> memref<64xi32, #tpu.memory_space<vmem>>
      %dma_start3A_388 = arith.constant 0 : i32
      %dma_start3A_389 = arith.constant 0 : i32
      %dma_start3A_390 = tpu.memref_slice %arg13[%dma_start3A_388, %dma_start3A_389] : memref<10240x128xf32, #tpu.memory_space<vmem_shared>> -> memref<10240x128xf32, #tpu.memory_space<vmem_shared>>
      tpu.enqueue_indirect_dma source(%arg9 : memref<64x128xf32, #tpu.memory_space<vmem>>) target(%dma_start3A_390 : memref<10240x128xf32, #tpu.memory_space<vmem_shared>>) offsets(%dma_start3A_387 : memref<64xi32, #tpu.memory_space<vmem>>) semaphore(%arg20 : memref<!tpu.dma_semaphore, #tpu.memory_space<semaphore_mem>>) {add = true}
      %dma_wait3A_391 = arith.constant 9 : i32
      %dma_wait3A_392 = arith.constant 0 : i32
      %dma_wait3A_393 = tpu.memref_slice %arg7[%dma_wait3A_391, %dma_wait3A_392] : memref<24x64xi32, #tpu.memory_space<vmem>> -> memref<1x64xi32, #tpu.memory_space<vmem>>
      %dma_wait3A_394 = tpu.memref_squeeze %dma_wait3A_393 : memref<1x64xi32, #tpu.memory_space<vmem>> -> memref<64xi32, #tpu.memory_space<vmem>>
      %dma_wait3A_395 = arith.constant 0 : i32
      %dma_wait3A_396 = arith.constant 0 : i32
      %dma_wait3A_397 = tpu.memref_slice %arg13[%dma_wait3A_395, %dma_wait3A_396] : memref<10240x128xf32, #tpu.memory_space<vmem_shared>> -> memref<10240x128xf32, #tpu.memory_space<vmem_shared>>
      tpu.wait_indirect_dma semaphore(%arg23 : memref<!tpu.dma_semaphore, #tpu.memory_space<semaphore_mem>>) src(%arg12 : memref<64x128xf32, #tpu.memory_space<vmem>>) dst(%dma_wait3A_397 : memref<10240x128xf32, #tpu.memory_space<vmem_shared>>)
      %dma_start3A_398 = arith.constant 14 : i32
      %dma_start3A_399 = arith.constant 0 : i32
      %dma_start3A_400 = tpu.memref_slice %arg6[%dma_start3A_398, %dma_start3A_399] : memref<24x64xi32, #tpu.memory_space<vmem>> -> memref<1x64xi32, #tpu.memory_space<vmem>>
      %dma_start3A_401 = tpu.memref_squeeze %dma_start3A_400 : memref<1x64xi32, #tpu.memory_space<vmem>> -> memref<64xi32, #tpu.memory_space<vmem>>
      %dma_start3A_402 = arith.constant 0 : i32
      %dma_start3A_403 = arith.constant 0 : i32
      %dma_start3A_404 = tpu.memref_slice %arg4[%dma_start3A_402, %dma_start3A_403] : memref<10240x128xf32, #tpu.memory_space<hbm>> -> memref<10240x128xf32, #tpu.memory_space<hbm>>
      tpu.enqueue_indirect_dma source(%dma_start3A_404 : memref<10240x128xf32, #tpu.memory_space<hbm>>) target(%arg12 : memref<64x128xf32, #tpu.memory_space<vmem>>) offsets(%dma_start3A_401 : memref<64xi32, #tpu.memory_space<vmem>>) semaphore(%arg18 : memref<!tpu.dma_semaphore, #tpu.memory_space<semaphore_mem>>)
      %dma_wait3A_405 = arith.constant 12 : i32
      %dma_wait3A_406 = arith.constant 0 : i32
      %dma_wait3A_407 = tpu.memref_slice %arg6[%dma_wait3A_405, %dma_wait3A_406] : memref<24x64xi32, #tpu.memory_space<vmem>> -> memref<1x64xi32, #tpu.memory_space<vmem>>
      %dma_wait3A_408 = tpu.memref_squeeze %dma_wait3A_407 : memref<1x64xi32, #tpu.memory_space<vmem>> -> memref<64xi32, #tpu.memory_space<vmem>>
      %dma_wait3A_409 = arith.constant 0 : i32
      %dma_wait3A_410 = arith.constant 0 : i32
      %dma_wait3A_411 = tpu.memref_slice %arg4[%dma_wait3A_409, %dma_wait3A_410] : memref<10240x128xf32, #tpu.memory_space<hbm>> -> memref<10240x128xf32, #tpu.memory_space<hbm>>
      tpu.wait_indirect_dma semaphore(%arg16 : memref<!tpu.dma_semaphore, #tpu.memory_space<semaphore_mem>>) src(%dma_wait3A_411 : memref<10240x128xf32, #tpu.memory_space<hbm>>) dst(%arg10 : memref<64x128xf32, #tpu.memory_space<vmem>>)
      %dma_start3A_412 = arith.constant 12 : i32
      %dma_start3A_413 = arith.constant 0 : i32
      %dma_start3A_414 = tpu.memref_slice %arg7[%dma_start3A_412, %dma_start3A_413] : memref<24x64xi32, #tpu.memory_space<vmem>> -> memref<1x64xi32, #tpu.memory_space<vmem>>
      %dma_start3A_415 = tpu.memref_squeeze %dma_start3A_414 : memref<1x64xi32, #tpu.memory_space<vmem>> -> memref<64xi32, #tpu.memory_space<vmem>>
      %dma_start3A_416 = arith.constant 0 : i32
      %dma_start3A_417 = arith.constant 0 : i32
      %dma_start3A_418 = tpu.memref_slice %arg13[%dma_start3A_416, %dma_start3A_417] : memref<10240x128xf32, #tpu.memory_space<vmem_shared>> -> memref<10240x128xf32, #tpu.memory_space<vmem_shared>>
      tpu.enqueue_indirect_dma source(%arg10 : memref<64x128xf32, #tpu.memory_space<vmem>>) target(%dma_start3A_418 : memref<10240x128xf32, #tpu.memory_space<vmem_shared>>) offsets(%dma_start3A_415 : memref<64xi32, #tpu.memory_space<vmem>>) semaphore(%arg21 : memref<!tpu.dma_semaphore, #tpu.memory_space<semaphore_mem>>) {add = true}
      %dma_wait3A_419 = arith.constant 10 : i32
      %dma_wait3A_420 = arith.constant 0 : i32
      %dma_wait3A_421 = tpu.memref_slice %arg7[%dma_wait3A_419, %dma_wait3A_420] : memref<24x64xi32, #tpu.memory_space<vmem>> -> memref<1x64xi32, #tpu.memory_space<vmem>>
      %dma_wait3A_422 = tpu.memref_squeeze %dma_wait3A_421 : memref<1x64xi32, #tpu.memory_space<vmem>> -> memref<64xi32, #tpu.memory_space<vmem>>
      %dma_wait3A_423 = arith.constant 0 : i32
      %dma_wait3A_424 = arith.constant 0 : i32
      %dma_wait3A_425 = tpu.memref_slice %arg13[%dma_wait3A_423, %dma_wait3A_424] : memref<10240x128xf32, #tpu.memory_space<vmem_shared>> -> memref<10240x128xf32, #tpu.memory_space<vmem_shared>>
      tpu.wait_indirect_dma semaphore(%arg19 : memref<!tpu.dma_semaphore, #tpu.memory_space<semaphore_mem>>) src(%arg8 : memref<64x128xf32, #tpu.memory_space<vmem>>) dst(%dma_wait3A_425 : memref<10240x128xf32, #tpu.memory_space<vmem_shared>>)
      %dma_start3A_426 = arith.constant 15 : i32
      %dma_start3A_427 = arith.constant 0 : i32
      %dma_start3A_428 = tpu.memref_slice %arg6[%dma_start3A_426, %dma_start3A_427] : memref<24x64xi32, #tpu.memory_space<vmem>> -> memref<1x64xi32, #tpu.memory_space<vmem>>
      %dma_start3A_429 = tpu.memref_squeeze %dma_start3A_428 : memref<1x64xi32, #tpu.memory_space<vmem>> -> memref<64xi32, #tpu.memory_space<vmem>>
      %dma_start3A_430 = arith.constant 0 : i32
      %dma_start3A_431 = arith.constant 0 : i32
      %dma_start3A_432 = tpu.memref_slice %arg4[%dma_start3A_430, %dma_start3A_431] : memref<10240x128xf32, #tpu.memory_space<hbm>> -> memref<10240x128xf32, #tpu.memory_space<hbm>>
      tpu.enqueue_indirect_dma source(%dma_start3A_432 : memref<10240x128xf32, #tpu.memory_space<hbm>>) target(%arg8 : memref<64x128xf32, #tpu.memory_space<vmem>>) offsets(%dma_start3A_429 : memref<64xi32, #tpu.memory_space<vmem>>) semaphore(%arg14 : memref<!tpu.dma_semaphore, #tpu.memory_space<semaphore_mem>>)
      %dma_wait3A_433 = arith.constant 13 : i32
      %dma_wait3A_434 = arith.constant 0 : i32
      %dma_wait3A_435 = tpu.memref_slice %arg6[%dma_wait3A_433, %dma_wait3A_434] : memref<24x64xi32, #tpu.memory_space<vmem>> -> memref<1x64xi32, #tpu.memory_space<vmem>>
      %dma_wait3A_436 = tpu.memref_squeeze %dma_wait3A_435 : memref<1x64xi32, #tpu.memory_space<vmem>> -> memref<64xi32, #tpu.memory_space<vmem>>
      %dma_wait3A_437 = arith.constant 0 : i32
      %dma_wait3A_438 = arith.constant 0 : i32
      %dma_wait3A_439 = tpu.memref_slice %arg4[%dma_wait3A_437, %dma_wait3A_438] : memref<10240x128xf32, #tpu.memory_space<hbm>> -> memref<10240x128xf32, #tpu.memory_space<hbm>>
      tpu.wait_indirect_dma semaphore(%arg17 : memref<!tpu.dma_semaphore, #tpu.memory_space<semaphore_mem>>) src(%dma_wait3A_439 : memref<10240x128xf32, #tpu.memory_space<hbm>>) dst(%arg11 : memref<64x128xf32, #tpu.memory_space<vmem>>)
      %dma_start3A_440 = arith.constant 13 : i32
      %dma_start3A_441 = arith.constant 0 : i32
      %dma_start3A_442 = tpu.memref_slice %arg7[%dma_start3A_440, %dma_start3A_441] : memref<24x64xi32, #tpu.memory_space<vmem>> -> memref<1x64xi32, #tpu.memory_space<vmem>>
      %dma_start3A_443 = tpu.memref_squeeze %dma_start3A_442 : memref<1x64xi32, #tpu.memory_space<vmem>> -> memref<64xi32, #tpu.memory_space<vmem>>
      %dma_start3A_444 = arith.constant 0 : i32
      %dma_start3A_445 = arith.constant 0 : i32
      %dma_start3A_446 = tpu.memref_slice %arg13[%dma_start3A_444, %dma_start3A_445] : memref<10240x128xf32, #tpu.memory_space<vmem_shared>> -> memref<10240x128xf32, #tpu.memory_space<vmem_shared>>
      tpu.enqueue_indirect_dma source(%arg11 : memref<64x128xf32, #tpu.memory_space<vmem>>) target(%dma_start3A_446 : memref<10240x128xf32, #tpu.memory_space<vmem_shared>>) offsets(%dma_start3A_443 : memref<64xi32, #tpu.memory_space<vmem>>) semaphore(%arg22 : memref<!tpu.dma_semaphore, #tpu.memory_space<semaphore_mem>>) {add = true}
      %dma_wait3A_447 = arith.constant 11 : i32
      %dma_wait3A_448 = arith.constant 0 : i32
      %dma_wait3A_449 = tpu.memref_slice %arg7[%dma_wait3A_447, %dma_wait3A_448] : memref<24x64xi32, #tpu.memory_space<vmem>> -> memref<1x64xi32, #tpu.memory_space<vmem>>
      %dma_wait3A_450 = tpu.memref_squeeze %dma_wait3A_449 : memref<1x64xi32, #tpu.memory_space<vmem>> -> memref<64xi32, #tpu.memory_space<vmem>>
      %dma_wait3A_451 = arith.constant 0 : i32
      %dma_wait3A_452 = arith.constant 0 : i32
      %dma_wait3A_453 = tpu.memref_slice %arg13[%dma_wait3A_451, %dma_wait3A_452] : memref<10240x128xf32, #tpu.memory_space<vmem_shared>> -> memref<10240x128xf32, #tpu.memory_space<vmem_shared>>
      tpu.wait_indirect_dma semaphore(%arg20 : memref<!tpu.dma_semaphore, #tpu.memory_space<semaphore_mem>>) src(%arg9 : memref<64x128xf32, #tpu.memory_space<vmem>>) dst(%dma_wait3A_453 : memref<10240x128xf32, #tpu.memory_space<vmem_shared>>)
      %dma_start3A_454 = arith.constant 16 : i32
      %dma_start3A_455 = arith.constant 0 : i32
      %dma_start3A_456 = tpu.memref_slice %arg6[%dma_start3A_454, %dma_start3A_455] : memref<24x64xi32, #tpu.memory_space<vmem>> -> memref<1x64xi32, #tpu.memory_space<vmem>>
      %dma_start3A_457 = tpu.memref_squeeze %dma_start3A_456 : memref<1x64xi32, #tpu.memory_space<vmem>> -> memref<64xi32, #tpu.memory_space<vmem>>
      %dma_start3A_458 = arith.constant 0 : i32
      %dma_start3A_459 = arith.constant 0 : i32
      %dma_start3A_460 = tpu.memref_slice %arg4[%dma_start3A_458, %dma_start3A_459] : memref<10240x128xf32, #tpu.memory_space<hbm>> -> memref<10240x128xf32, #tpu.memory_space<hbm>>
      tpu.enqueue_indirect_dma source(%dma_start3A_460 : memref<10240x128xf32, #tpu.memory_space<hbm>>) target(%arg9 : memref<64x128xf32, #tpu.memory_space<vmem>>) offsets(%dma_start3A_457 : memref<64xi32, #tpu.memory_space<vmem>>) semaphore(%arg15 : memref<!tpu.dma_semaphore, #tpu.memory_space<semaphore_mem>>)
      %dma_wait3A_461 = arith.constant 14 : i32
      %dma_wait3A_462 = arith.constant 0 : i32
      %dma_wait3A_463 = tpu.memref_slice %arg6[%dma_wait3A_461, %dma_wait3A_462] : memref<24x64xi32, #tpu.memory_space<vmem>> -> memref<1x64xi32, #tpu.memory_space<vmem>>
      %dma_wait3A_464 = tpu.memref_squeeze %dma_wait3A_463 : memref<1x64xi32, #tpu.memory_space<vmem>> -> memref<64xi32, #tpu.memory_space<vmem>>
      %dma_wait3A_465 = arith.constant 0 : i32
      %dma_wait3A_466 = arith.constant 0 : i32
      %dma_wait3A_467 = tpu.memref_slice %arg4[%dma_wait3A_465, %dma_wait3A_466] : memref<10240x128xf32, #tpu.memory_space<hbm>> -> memref<10240x128xf32, #tpu.memory_space<hbm>>
      tpu.wait_indirect_dma semaphore(%arg18 : memref<!tpu.dma_semaphore, #tpu.memory_space<semaphore_mem>>) src(%dma_wait3A_467 : memref<10240x128xf32, #tpu.memory_space<hbm>>) dst(%arg12 : memref<64x128xf32, #tpu.memory_space<vmem>>)
      %dma_start3A_468 = arith.constant 14 : i32
      %dma_start3A_469 = arith.constant 0 : i32
      %dma_start3A_470 = tpu.memref_slice %arg7[%dma_start3A_468, %dma_start3A_469] : memref<24x64xi32, #tpu.memory_space<vmem>> -> memref<1x64xi32, #tpu.memory_space<vmem>>
      %dma_start3A_471 = tpu.memref_squeeze %dma_start3A_470 : memref<1x64xi32, #tpu.memory_space<vmem>> -> memref<64xi32, #tpu.memory_space<vmem>>
      %dma_start3A_472 = arith.constant 0 : i32
      %dma_start3A_473 = arith.constant 0 : i32
      %dma_start3A_474 = tpu.memref_slice %arg13[%dma_start3A_472, %dma_start3A_473] : memref<10240x128xf32, #tpu.memory_space<vmem_shared>> -> memref<10240x128xf32, #tpu.memory_space<vmem_shared>>
      tpu.enqueue_indirect_dma source(%arg12 : memref<64x128xf32, #tpu.memory_space<vmem>>) target(%dma_start3A_474 : memref<10240x128xf32, #tpu.memory_space<vmem_shared>>) offsets(%dma_start3A_471 : memref<64xi32, #tpu.memory_space<vmem>>) semaphore(%arg23 : memref<!tpu.dma_semaphore, #tpu.memory_space<semaphore_mem>>) {add = true}
      %dma_wait3A_475 = arith.constant 12 : i32
      %dma_wait3A_476 = arith.constant 0 : i32
      %dma_wait3A_477 = tpu.memref_slice %arg7[%dma_wait3A_475, %dma_wait3A_476] : memref<24x64xi32, #tpu.memory_space<vmem>> -> memref<1x64xi32, #tpu.memory_space<vmem>>
      %dma_wait3A_478 = tpu.memref_squeeze %dma_wait3A_477 : memref<1x64xi32, #tpu.memory_space<vmem>> -> memref<64xi32, #tpu.memory_space<vmem>>
      %dma_wait3A_479 = arith.constant 0 : i32
      %dma_wait3A_480 = arith.constant 0 : i32
      %dma_wait3A_481 = tpu.memref_slice %arg13[%dma_wait3A_479, %dma_wait3A_480] : memref<10240x128xf32, #tpu.memory_space<vmem_shared>> -> memref<10240x128xf32, #tpu.memory_space<vmem_shared>>
      tpu.wait_indirect_dma semaphore(%arg21 : memref<!tpu.dma_semaphore, #tpu.memory_space<semaphore_mem>>) src(%arg10 : memref<64x128xf32, #tpu.memory_space<vmem>>) dst(%dma_wait3A_481 : memref<10240x128xf32, #tpu.memory_space<vmem_shared>>)
      %dma_start3A_482 = arith.constant 17 : i32
      %dma_start3A_483 = arith.constant 0 : i32
      %dma_start3A_484 = tpu.memref_slice %arg6[%dma_start3A_482, %dma_start3A_483] : memref<24x64xi32, #tpu.memory_space<vmem>> -> memref<1x64xi32, #tpu.memory_space<vmem>>
      %dma_start3A_485 = tpu.memref_squeeze %dma_start3A_484 : memref<1x64xi32, #tpu.memory_space<vmem>> -> memref<64xi32, #tpu.memory_space<vmem>>
      %dma_start3A_486 = arith.constant 0 : i32
      %dma_start3A_487 = arith.constant 0 : i32
      %dma_start3A_488 = tpu.memref_slice %arg4[%dma_start3A_486, %dma_start3A_487] : memref<10240x128xf32, #tpu.memory_space<hbm>> -> memref<10240x128xf32, #tpu.memory_space<hbm>>
      tpu.enqueue_indirect_dma source(%dma_start3A_488 : memref<10240x128xf32, #tpu.memory_space<hbm>>) target(%arg10 : memref<64x128xf32, #tpu.memory_space<vmem>>) offsets(%dma_start3A_485 : memref<64xi32, #tpu.memory_space<vmem>>) semaphore(%arg16 : memref<!tpu.dma_semaphore, #tpu.memory_space<semaphore_mem>>)
      %dma_wait3A_489 = arith.constant 15 : i32
      %dma_wait3A_490 = arith.constant 0 : i32
      %dma_wait3A_491 = tpu.memref_slice %arg6[%dma_wait3A_489, %dma_wait3A_490] : memref<24x64xi32, #tpu.memory_space<vmem>> -> memref<1x64xi32, #tpu.memory_space<vmem>>
      %dma_wait3A_492 = tpu.memref_squeeze %dma_wait3A_491 : memref<1x64xi32, #tpu.memory_space<vmem>> -> memref<64xi32, #tpu.memory_space<vmem>>
      %dma_wait3A_493 = arith.constant 0 : i32
      %dma_wait3A_494 = arith.constant 0 : i32
      %dma_wait3A_495 = tpu.memref_slice %arg4[%dma_wait3A_493, %dma_wait3A_494] : memref<10240x128xf32, #tpu.memory_space<hbm>> -> memref<10240x128xf32, #tpu.memory_space<hbm>>
      tpu.wait_indirect_dma semaphore(%arg14 : memref<!tpu.dma_semaphore, #tpu.memory_space<semaphore_mem>>) src(%dma_wait3A_495 : memref<10240x128xf32, #tpu.memory_space<hbm>>) dst(%arg8 : memref<64x128xf32, #tpu.memory_space<vmem>>)
      %dma_start3A_496 = arith.constant 15 : i32
      %dma_start3A_497 = arith.constant 0 : i32
      %dma_start3A_498 = tpu.memref_slice %arg7[%dma_start3A_496, %dma_start3A_497] : memref<24x64xi32, #tpu.memory_space<vmem>> -> memref<1x64xi32, #tpu.memory_space<vmem>>
      %dma_start3A_499 = tpu.memref_squeeze %dma_start3A_498 : memref<1x64xi32, #tpu.memory_space<vmem>> -> memref<64xi32, #tpu.memory_space<vmem>>
      %dma_start3A_500 = arith.constant 0 : i32
      %dma_start3A_501 = arith.constant 0 : i32
      %dma_start3A_502 = tpu.memref_slice %arg13[%dma_start3A_500, %dma_start3A_501] : memref<10240x128xf32, #tpu.memory_space<vmem_shared>> -> memref<10240x128xf32, #tpu.memory_space<vmem_shared>>
      tpu.enqueue_indirect_dma source(%arg8 : memref<64x128xf32, #tpu.memory_space<vmem>>) target(%dma_start3A_502 : memref<10240x128xf32, #tpu.memory_space<vmem_shared>>) offsets(%dma_start3A_499 : memref<64xi32, #tpu.memory_space<vmem>>) semaphore(%arg19 : memref<!tpu.dma_semaphore, #tpu.memory_space<semaphore_mem>>) {add = true}
      %dma_wait3A_503 = arith.constant 13 : i32
      %dma_wait3A_504 = arith.constant 0 : i32
      %dma_wait3A_505 = tpu.memref_slice %arg7[%dma_wait3A_503, %dma_wait3A_504] : memref<24x64xi32, #tpu.memory_space<vmem>> -> memref<1x64xi32, #tpu.memory_space<vmem>>
      %dma_wait3A_506 = tpu.memref_squeeze %dma_wait3A_505 : memref<1x64xi32, #tpu.memory_space<vmem>> -> memref<64xi32, #tpu.memory_space<vmem>>
      %dma_wait3A_507 = arith.constant 0 : i32
      %dma_wait3A_508 = arith.constant 0 : i32
      %dma_wait3A_509 = tpu.memref_slice %arg13[%dma_wait3A_507, %dma_wait3A_508] : memref<10240x128xf32, #tpu.memory_space<vmem_shared>> -> memref<10240x128xf32, #tpu.memory_space<vmem_shared>>
      tpu.wait_indirect_dma semaphore(%arg22 : memref<!tpu.dma_semaphore, #tpu.memory_space<semaphore_mem>>) src(%arg11 : memref<64x128xf32, #tpu.memory_space<vmem>>) dst(%dma_wait3A_509 : memref<10240x128xf32, #tpu.memory_space<vmem_shared>>)
      %dma_start3A_510 = arith.constant 18 : i32
      %dma_start3A_511 = arith.constant 0 : i32
      %dma_start3A_512 = tpu.memref_slice %arg6[%dma_start3A_510, %dma_start3A_511] : memref<24x64xi32, #tpu.memory_space<vmem>> -> memref<1x64xi32, #tpu.memory_space<vmem>>
      %dma_start3A_513 = tpu.memref_squeeze %dma_start3A_512 : memref<1x64xi32, #tpu.memory_space<vmem>> -> memref<64xi32, #tpu.memory_space<vmem>>
      %dma_start3A_514 = arith.constant 0 : i32
      %dma_start3A_515 = arith.constant 0 : i32
      %dma_start3A_516 = tpu.memref_slice %arg4[%dma_start3A_514, %dma_start3A_515] : memref<10240x128xf32, #tpu.memory_space<hbm>> -> memref<10240x128xf32, #tpu.memory_space<hbm>>
      tpu.enqueue_indirect_dma source(%dma_start3A_516 : memref<10240x128xf32, #tpu.memory_space<hbm>>) target(%arg11 : memref<64x128xf32, #tpu.memory_space<vmem>>) offsets(%dma_start3A_513 : memref<64xi32, #tpu.memory_space<vmem>>) semaphore(%arg17 : memref<!tpu.dma_semaphore, #tpu.memory_space<semaphore_mem>>)
      %dma_wait3A_517 = arith.constant 16 : i32
      %dma_wait3A_518 = arith.constant 0 : i32
      %dma_wait3A_519 = tpu.memref_slice %arg6[%dma_wait3A_517, %dma_wait3A_518] : memref<24x64xi32, #tpu.memory_space<vmem>> -> memref<1x64xi32, #tpu.memory_space<vmem>>
      %dma_wait3A_520 = tpu.memref_squeeze %dma_wait3A_519 : memref<1x64xi32, #tpu.memory_space<vmem>> -> memref<64xi32, #tpu.memory_space<vmem>>
      %dma_wait3A_521 = arith.constant 0 : i32
      %dma_wait3A_522 = arith.constant 0 : i32
      %dma_wait3A_523 = tpu.memref_slice %arg4[%dma_wait3A_521, %dma_wait3A_522] : memref<10240x128xf32, #tpu.memory_space<hbm>> -> memref<10240x128xf32, #tpu.memory_space<hbm>>
      tpu.wait_indirect_dma semaphore(%arg15 : memref<!tpu.dma_semaphore, #tpu.memory_space<semaphore_mem>>) src(%dma_wait3A_523 : memref<10240x128xf32, #tpu.memory_space<hbm>>) dst(%arg9 : memref<64x128xf32, #tpu.memory_space<vmem>>)
      %dma_start3A_524 = arith.constant 16 : i32
      %dma_start3A_525 = arith.constant 0 : i32
      %dma_start3A_526 = tpu.memref_slice %arg7[%dma_start3A_524, %dma_start3A_525] : memref<24x64xi32, #tpu.memory_space<vmem>> -> memref<1x64xi32, #tpu.memory_space<vmem>>
      %dma_start3A_527 = tpu.memref_squeeze %dma_start3A_526 : memref<1x64xi32, #tpu.memory_space<vmem>> -> memref<64xi32, #tpu.memory_space<vmem>>
      %dma_start3A_528 = arith.constant 0 : i32
      %dma_start3A_529 = arith.constant 0 : i32
      %dma_start3A_530 = tpu.memref_slice %arg13[%dma_start3A_528, %dma_start3A_529] : memref<10240x128xf32, #tpu.memory_space<vmem_shared>> -> memref<10240x128xf32, #tpu.memory_space<vmem_shared>>
      tpu.enqueue_indirect_dma source(%arg9 : memref<64x128xf32, #tpu.memory_space<vmem>>) target(%dma_start3A_530 : memref<10240x128xf32, #tpu.memory_space<vmem_shared>>) offsets(%dma_start3A_527 : memref<64xi32, #tpu.memory_space<vmem>>) semaphore(%arg20 : memref<!tpu.dma_semaphore, #tpu.memory_space<semaphore_mem>>) {add = true}
      %dma_wait3A_531 = arith.constant 14 : i32
      %dma_wait3A_532 = arith.constant 0 : i32
      %dma_wait3A_533 = tpu.memref_slice %arg7[%dma_wait3A_531, %dma_wait3A_532] : memref<24x64xi32, #tpu.memory_space<vmem>> -> memref<1x64xi32, #tpu.memory_space<vmem>>
      %dma_wait3A_534 = tpu.memref_squeeze %dma_wait3A_533 : memref<1x64xi32, #tpu.memory_space<vmem>> -> memref<64xi32, #tpu.memory_space<vmem>>
      %dma_wait3A_535 = arith.constant 0 : i32
      %dma_wait3A_536 = arith.constant 0 : i32
      %dma_wait3A_537 = tpu.memref_slice %arg13[%dma_wait3A_535, %dma_wait3A_536] : memref<10240x128xf32, #tpu.memory_space<vmem_shared>> -> memref<10240x128xf32, #tpu.memory_space<vmem_shared>>
      tpu.wait_indirect_dma semaphore(%arg23 : memref<!tpu.dma_semaphore, #tpu.memory_space<semaphore_mem>>) src(%arg12 : memref<64x128xf32, #tpu.memory_space<vmem>>) dst(%dma_wait3A_537 : memref<10240x128xf32, #tpu.memory_space<vmem_shared>>)
      %dma_start3A_538 = arith.constant 19 : i32
      %dma_start3A_539 = arith.constant 0 : i32
      %dma_start3A_540 = tpu.memref_slice %arg6[%dma_start3A_538, %dma_start3A_539] : memref<24x64xi32, #tpu.memory_space<vmem>> -> memref<1x64xi32, #tpu.memory_space<vmem>>
      %dma_start3A_541 = tpu.memref_squeeze %dma_start3A_540 : memref<1x64xi32, #tpu.memory_space<vmem>> -> memref<64xi32, #tpu.memory_space<vmem>>
      %dma_start3A_542 = arith.constant 0 : i32
      %dma_start3A_543 = arith.constant 0 : i32
      %dma_start3A_544 = tpu.memref_slice %arg4[%dma_start3A_542, %dma_start3A_543] : memref<10240x128xf32, #tpu.memory_space<hbm>> -> memref<10240x128xf32, #tpu.memory_space<hbm>>
      tpu.enqueue_indirect_dma source(%dma_start3A_544 : memref<10240x128xf32, #tpu.memory_space<hbm>>) target(%arg12 : memref<64x128xf32, #tpu.memory_space<vmem>>) offsets(%dma_start3A_541 : memref<64xi32, #tpu.memory_space<vmem>>) semaphore(%arg18 : memref<!tpu.dma_semaphore, #tpu.memory_space<semaphore_mem>>)
      %dma_wait3A_545 = arith.constant 17 : i32
      %dma_wait3A_546 = arith.constant 0 : i32
      %dma_wait3A_547 = tpu.memref_slice %arg6[%dma_wait3A_545, %dma_wait3A_546] : memref<24x64xi32, #tpu.memory_space<vmem>> -> memref<1x64xi32, #tpu.memory_space<vmem>>
      %dma_wait3A_548 = tpu.memref_squeeze %dma_wait3A_547 : memref<1x64xi32, #tpu.memory_space<vmem>> -> memref<64xi32, #tpu.memory_space<vmem>>
      %dma_wait3A_549 = arith.constant 0 : i32
      %dma_wait3A_550 = arith.constant 0 : i32
      %dma_wait3A_551 = tpu.memref_slice %arg4[%dma_wait3A_549, %dma_wait3A_550] : memref<10240x128xf32, #tpu.memory_space<hbm>> -> memref<10240x128xf32, #tpu.memory_space<hbm>>
      tpu.wait_indirect_dma semaphore(%arg16 : memref<!tpu.dma_semaphore, #tpu.memory_space<semaphore_mem>>) src(%dma_wait3A_551 : memref<10240x128xf32, #tpu.memory_space<hbm>>) dst(%arg10 : memref<64x128xf32, #tpu.memory_space<vmem>>)
      %dma_start3A_552 = arith.constant 17 : i32
      %dma_start3A_553 = arith.constant 0 : i32
      %dma_start3A_554 = tpu.memref_slice %arg7[%dma_start3A_552, %dma_start3A_553] : memref<24x64xi32, #tpu.memory_space<vmem>> -> memref<1x64xi32, #tpu.memory_space<vmem>>
      %dma_start3A_555 = tpu.memref_squeeze %dma_start3A_554 : memref<1x64xi32, #tpu.memory_space<vmem>> -> memref<64xi32, #tpu.memory_space<vmem>>
      %dma_start3A_556 = arith.constant 0 : i32
      %dma_start3A_557 = arith.constant 0 : i32
      %dma_start3A_558 = tpu.memref_slice %arg13[%dma_start3A_556, %dma_start3A_557] : memref<10240x128xf32, #tpu.memory_space<vmem_shared>> -> memref<10240x128xf32, #tpu.memory_space<vmem_shared>>
      tpu.enqueue_indirect_dma source(%arg10 : memref<64x128xf32, #tpu.memory_space<vmem>>) target(%dma_start3A_558 : memref<10240x128xf32, #tpu.memory_space<vmem_shared>>) offsets(%dma_start3A_555 : memref<64xi32, #tpu.memory_space<vmem>>) semaphore(%arg21 : memref<!tpu.dma_semaphore, #tpu.memory_space<semaphore_mem>>) {add = true}
      %dma_wait3A_559 = arith.constant 15 : i32
      %dma_wait3A_560 = arith.constant 0 : i32
      %dma_wait3A_561 = tpu.memref_slice %arg7[%dma_wait3A_559, %dma_wait3A_560] : memref<24x64xi32, #tpu.memory_space<vmem>> -> memref<1x64xi32, #tpu.memory_space<vmem>>
      %dma_wait3A_562 = tpu.memref_squeeze %dma_wait3A_561 : memref<1x64xi32, #tpu.memory_space<vmem>> -> memref<64xi32, #tpu.memory_space<vmem>>
      %dma_wait3A_563 = arith.constant 0 : i32
      %dma_wait3A_564 = arith.constant 0 : i32
      %dma_wait3A_565 = tpu.memref_slice %arg13[%dma_wait3A_563, %dma_wait3A_564] : memref<10240x128xf32, #tpu.memory_space<vmem_shared>> -> memref<10240x128xf32, #tpu.memory_space<vmem_shared>>
      tpu.wait_indirect_dma semaphore(%arg19 : memref<!tpu.dma_semaphore, #tpu.memory_space<semaphore_mem>>) src(%arg8 : memref<64x128xf32, #tpu.memory_space<vmem>>) dst(%dma_wait3A_565 : memref<10240x128xf32, #tpu.memory_space<vmem_shared>>)
      %dma_start3A_566 = arith.constant 20 : i32
      %dma_start3A_567 = arith.constant 0 : i32
      %dma_start3A_568 = tpu.memref_slice %arg6[%dma_start3A_566, %dma_start3A_567] : memref<24x64xi32, #tpu.memory_space<vmem>> -> memref<1x64xi32, #tpu.memory_space<vmem>>
      %dma_start3A_569 = tpu.memref_squeeze %dma_start3A_568 : memref<1x64xi32, #tpu.memory_space<vmem>> -> memref<64xi32, #tpu.memory_space<vmem>>
      %dma_start3A_570 = arith.constant 0 : i32
      %dma_start3A_571 = arith.constant 0 : i32
      %dma_start3A_572 = tpu.memref_slice %arg4[%dma_start3A_570, %dma_start3A_571] : memref<10240x128xf32, #tpu.memory_space<hbm>> -> memref<10240x128xf32, #tpu.memory_space<hbm>>
      tpu.enqueue_indirect_dma source(%dma_start3A_572 : memref<10240x128xf32, #tpu.memory_space<hbm>>) target(%arg8 : memref<64x128xf32, #tpu.memory_space<vmem>>) offsets(%dma_start3A_569 : memref<64xi32, #tpu.memory_space<vmem>>) semaphore(%arg14 : memref<!tpu.dma_semaphore, #tpu.memory_space<semaphore_mem>>)
      %dma_wait3A_573 = arith.constant 18 : i32
      %dma_wait3A_574 = arith.constant 0 : i32
      %dma_wait3A_575 = tpu.memref_slice %arg6[%dma_wait3A_573, %dma_wait3A_574] : memref<24x64xi32, #tpu.memory_space<vmem>> -> memref<1x64xi32, #tpu.memory_space<vmem>>
      %dma_wait3A_576 = tpu.memref_squeeze %dma_wait3A_575 : memref<1x64xi32, #tpu.memory_space<vmem>> -> memref<64xi32, #tpu.memory_space<vmem>>
      %dma_wait3A_577 = arith.constant 0 : i32
      %dma_wait3A_578 = arith.constant 0 : i32
      %dma_wait3A_579 = tpu.memref_slice %arg4[%dma_wait3A_577, %dma_wait3A_578] : memref<10240x128xf32, #tpu.memory_space<hbm>> -> memref<10240x128xf32, #tpu.memory_space<hbm>>
      tpu.wait_indirect_dma semaphore(%arg17 : memref<!tpu.dma_semaphore, #tpu.memory_space<semaphore_mem>>) src(%dma_wait3A_579 : memref<10240x128xf32, #tpu.memory_space<hbm>>) dst(%arg11 : memref<64x128xf32, #tpu.memory_space<vmem>>)
      %dma_start3A_580 = arith.constant 18 : i32
      %dma_start3A_581 = arith.constant 0 : i32
      %dma_start3A_582 = tpu.memref_slice %arg7[%dma_start3A_580, %dma_start3A_581] : memref<24x64xi32, #tpu.memory_space<vmem>> -> memref<1x64xi32, #tpu.memory_space<vmem>>
      %dma_start3A_583 = tpu.memref_squeeze %dma_start3A_582 : memref<1x64xi32, #tpu.memory_space<vmem>> -> memref<64xi32, #tpu.memory_space<vmem>>
      %dma_start3A_584 = arith.constant 0 : i32
      %dma_start3A_585 = arith.constant 0 : i32
      %dma_start3A_586 = tpu.memref_slice %arg13[%dma_start3A_584, %dma_start3A_585] : memref<10240x128xf32, #tpu.memory_space<vmem_shared>> -> memref<10240x128xf32, #tpu.memory_space<vmem_shared>>
      tpu.enqueue_indirect_dma source(%arg11 : memref<64x128xf32, #tpu.memory_space<vmem>>) target(%dma_start3A_586 : memref<10240x128xf32, #tpu.memory_space<vmem_shared>>) offsets(%dma_start3A_583 : memref<64xi32, #tpu.memory_space<vmem>>) semaphore(%arg22 : memref<!tpu.dma_semaphore, #tpu.memory_space<semaphore_mem>>) {add = true}
      %dma_wait3A_587 = arith.constant 16 : i32
      %dma_wait3A_588 = arith.constant 0 : i32
      %dma_wait3A_589 = tpu.memref_slice %arg7[%dma_wait3A_587, %dma_wait3A_588] : memref<24x64xi32, #tpu.memory_space<vmem>> -> memref<1x64xi32, #tpu.memory_space<vmem>>
      %dma_wait3A_590 = tpu.memref_squeeze %dma_wait3A_589 : memref<1x64xi32, #tpu.memory_space<vmem>> -> memref<64xi32, #tpu.memory_space<vmem>>
      %dma_wait3A_591 = arith.constant 0 : i32
      %dma_wait3A_592 = arith.constant 0 : i32
      %dma_wait3A_593 = tpu.memref_slice %arg13[%dma_wait3A_591, %dma_wait3A_592] : memref<10240x128xf32, #tpu.memory_space<vmem_shared>> -> memref<10240x128xf32, #tpu.memory_space<vmem_shared>>
      tpu.wait_indirect_dma semaphore(%arg20 : memref<!tpu.dma_semaphore, #tpu.memory_space<semaphore_mem>>) src(%arg9 : memref<64x128xf32, #tpu.memory_space<vmem>>) dst(%dma_wait3A_593 : memref<10240x128xf32, #tpu.memory_space<vmem_shared>>)
      %dma_start3A_594 = arith.constant 21 : i32
      %dma_start3A_595 = arith.constant 0 : i32
      %dma_start3A_596 = tpu.memref_slice %arg6[%dma_start3A_594, %dma_start3A_595] : memref<24x64xi32, #tpu.memory_space<vmem>> -> memref<1x64xi32, #tpu.memory_space<vmem>>
      %dma_start3A_597 = tpu.memref_squeeze %dma_start3A_596 : memref<1x64xi32, #tpu.memory_space<vmem>> -> memref<64xi32, #tpu.memory_space<vmem>>
      %dma_start3A_598 = arith.constant 0 : i32
      %dma_start3A_599 = arith.constant 0 : i32
      %dma_start3A_600 = tpu.memref_slice %arg4[%dma_start3A_598, %dma_start3A_599] : memref<10240x128xf32, #tpu.memory_space<hbm>> -> memref<10240x128xf32, #tpu.memory_space<hbm>>
      tpu.enqueue_indirect_dma source(%dma_start3A_600 : memref<10240x128xf32, #tpu.memory_space<hbm>>) target(%arg9 : memref<64x128xf32, #tpu.memory_space<vmem>>) offsets(%dma_start3A_597 : memref<64xi32, #tpu.memory_space<vmem>>) semaphore(%arg15 : memref<!tpu.dma_semaphore, #tpu.memory_space<semaphore_mem>>)
      %dma_wait3A_601 = arith.constant 19 : i32
      %dma_wait3A_602 = arith.constant 0 : i32
      %dma_wait3A_603 = tpu.memref_slice %arg6[%dma_wait3A_601, %dma_wait3A_602] : memref<24x64xi32, #tpu.memory_space<vmem>> -> memref<1x64xi32, #tpu.memory_space<vmem>>
      %dma_wait3A_604 = tpu.memref_squeeze %dma_wait3A_603 : memref<1x64xi32, #tpu.memory_space<vmem>> -> memref<64xi32, #tpu.memory_space<vmem>>
      %dma_wait3A_605 = arith.constant 0 : i32
      %dma_wait3A_606 = arith.constant 0 : i32
      %dma_wait3A_607 = tpu.memref_slice %arg4[%dma_wait3A_605, %dma_wait3A_606] : memref<10240x128xf32, #tpu.memory_space<hbm>> -> memref<10240x128xf32, #tpu.memory_space<hbm>>
      tpu.wait_indirect_dma semaphore(%arg18 : memref<!tpu.dma_semaphore, #tpu.memory_space<semaphore_mem>>) src(%dma_wait3A_607 : memref<10240x128xf32, #tpu.memory_space<hbm>>) dst(%arg12 : memref<64x128xf32, #tpu.memory_space<vmem>>)
      %dma_start3A_608 = arith.constant 19 : i32
      %dma_start3A_609 = arith.constant 0 : i32
      %dma_start3A_610 = tpu.memref_slice %arg7[%dma_start3A_608, %dma_start3A_609] : memref<24x64xi32, #tpu.memory_space<vmem>> -> memref<1x64xi32, #tpu.memory_space<vmem>>
      %dma_start3A_611 = tpu.memref_squeeze %dma_start3A_610 : memref<1x64xi32, #tpu.memory_space<vmem>> -> memref<64xi32, #tpu.memory_space<vmem>>
      %dma_start3A_612 = arith.constant 0 : i32
      %dma_start3A_613 = arith.constant 0 : i32
      %dma_start3A_614 = tpu.memref_slice %arg13[%dma_start3A_612, %dma_start3A_613] : memref<10240x128xf32, #tpu.memory_space<vmem_shared>> -> memref<10240x128xf32, #tpu.memory_space<vmem_shared>>
      tpu.enqueue_indirect_dma source(%arg12 : memref<64x128xf32, #tpu.memory_space<vmem>>) target(%dma_start3A_614 : memref<10240x128xf32, #tpu.memory_space<vmem_shared>>) offsets(%dma_start3A_611 : memref<64xi32, #tpu.memory_space<vmem>>) semaphore(%arg23 : memref<!tpu.dma_semaphore, #tpu.memory_space<semaphore_mem>>) {add = true}
      %dma_wait3A_615 = arith.constant 17 : i32
      %dma_wait3A_616 = arith.constant 0 : i32
      %dma_wait3A_617 = tpu.memref_slice %arg7[%dma_wait3A_615, %dma_wait3A_616] : memref<24x64xi32, #tpu.memory_space<vmem>> -> memref<1x64xi32, #tpu.memory_space<vmem>>
      %dma_wait3A_618 = tpu.memref_squeeze %dma_wait3A_617 : memref<1x64xi32, #tpu.memory_space<vmem>> -> memref<64xi32, #tpu.memory_space<vmem>>
      %dma_wait3A_619 = arith.constant 0 : i32
      %dma_wait3A_620 = arith.constant 0 : i32
      %dma_wait3A_621 = tpu.memref_slice %arg13[%dma_wait3A_619, %dma_wait3A_620] : memref<10240x128xf32, #tpu.memory_space<vmem_shared>> -> memref<10240x128xf32, #tpu.memory_space<vmem_shared>>
      tpu.wait_indirect_dma semaphore(%arg21 : memref<!tpu.dma_semaphore, #tpu.memory_space<semaphore_mem>>) src(%arg10 : memref<64x128xf32, #tpu.memory_space<vmem>>) dst(%dma_wait3A_621 : memref<10240x128xf32, #tpu.memory_space<vmem_shared>>)
      %dma_start3A_622 = arith.constant 22 : i32
      %dma_start3A_623 = arith.constant 0 : i32
      %dma_start3A_624 = tpu.memref_slice %arg6[%dma_start3A_622, %dma_start3A_623] : memref<24x64xi32, #tpu.memory_space<vmem>> -> memref<1x64xi32, #tpu.memory_space<vmem>>
      %dma_start3A_625 = tpu.memref_squeeze %dma_start3A_624 : memref<1x64xi32, #tpu.memory_space<vmem>> -> memref<64xi32, #tpu.memory_space<vmem>>
      %dma_start3A_626 = arith.constant 0 : i32
      %dma_start3A_627 = arith.constant 0 : i32
      %dma_start3A_628 = tpu.memref_slice %arg4[%dma_start3A_626, %dma_start3A_627] : memref<10240x128xf32, #tpu.memory_space<hbm>> -> memref<10240x128xf32, #tpu.memory_space<hbm>>
      tpu.enqueue_indirect_dma source(%dma_start3A_628 : memref<10240x128xf32, #tpu.memory_space<hbm>>) target(%arg10 : memref<64x128xf32, #tpu.memory_space<vmem>>) offsets(%dma_start3A_625 : memref<64xi32, #tpu.memory_space<vmem>>) semaphore(%arg16 : memref<!tpu.dma_semaphore, #tpu.memory_space<semaphore_mem>>)
      %dma_wait3A_629 = arith.constant 20 : i32
      %dma_wait3A_630 = arith.constant 0 : i32
      %dma_wait3A_631 = tpu.memref_slice %arg6[%dma_wait3A_629, %dma_wait3A_630] : memref<24x64xi32, #tpu.memory_space<vmem>> -> memref<1x64xi32, #tpu.memory_space<vmem>>
      %dma_wait3A_632 = tpu.memref_squeeze %dma_wait3A_631 : memref<1x64xi32, #tpu.memory_space<vmem>> -> memref<64xi32, #tpu.memory_space<vmem>>
      %dma_wait3A_633 = arith.constant 0 : i32
      %dma_wait3A_634 = arith.constant 0 : i32
      %dma_wait3A_635 = tpu.memref_slice %arg4[%dma_wait3A_633, %dma_wait3A_634] : memref<10240x128xf32, #tpu.memory_space<hbm>> -> memref<10240x128xf32, #tpu.memory_space<hbm>>
      tpu.wait_indirect_dma semaphore(%arg14 : memref<!tpu.dma_semaphore, #tpu.memory_space<semaphore_mem>>) src(%dma_wait3A_635 : memref<10240x128xf32, #tpu.memory_space<hbm>>) dst(%arg8 : memref<64x128xf32, #tpu.memory_space<vmem>>)
      %dma_start3A_636 = arith.constant 20 : i32
      %dma_start3A_637 = arith.constant 0 : i32
      %dma_start3A_638 = tpu.memref_slice %arg7[%dma_start3A_636, %dma_start3A_637] : memref<24x64xi32, #tpu.memory_space<vmem>> -> memref<1x64xi32, #tpu.memory_space<vmem>>
      %dma_start3A_639 = tpu.memref_squeeze %dma_start3A_638 : memref<1x64xi32, #tpu.memory_space<vmem>> -> memref<64xi32, #tpu.memory_space<vmem>>
      %dma_start3A_640 = arith.constant 0 : i32
      %dma_start3A_641 = arith.constant 0 : i32
      %dma_start3A_642 = tpu.memref_slice %arg13[%dma_start3A_640, %dma_start3A_641] : memref<10240x128xf32, #tpu.memory_space<vmem_shared>> -> memref<10240x128xf32, #tpu.memory_space<vmem_shared>>
      tpu.enqueue_indirect_dma source(%arg8 : memref<64x128xf32, #tpu.memory_space<vmem>>) target(%dma_start3A_642 : memref<10240x128xf32, #tpu.memory_space<vmem_shared>>) offsets(%dma_start3A_639 : memref<64xi32, #tpu.memory_space<vmem>>) semaphore(%arg19 : memref<!tpu.dma_semaphore, #tpu.memory_space<semaphore_mem>>) {add = true}
      %dma_wait3A_643 = arith.constant 18 : i32
      %dma_wait3A_644 = arith.constant 0 : i32
      %dma_wait3A_645 = tpu.memref_slice %arg7[%dma_wait3A_643, %dma_wait3A_644] : memref<24x64xi32, #tpu.memory_space<vmem>> -> memref<1x64xi32, #tpu.memory_space<vmem>>
      %dma_wait3A_646 = tpu.memref_squeeze %dma_wait3A_645 : memref<1x64xi32, #tpu.memory_space<vmem>> -> memref<64xi32, #tpu.memory_space<vmem>>
      %dma_wait3A_647 = arith.constant 0 : i32
      %dma_wait3A_648 = arith.constant 0 : i32
      %dma_wait3A_649 = tpu.memref_slice %arg13[%dma_wait3A_647, %dma_wait3A_648] : memref<10240x128xf32, #tpu.memory_space<vmem_shared>> -> memref<10240x128xf32, #tpu.memory_space<vmem_shared>>
      tpu.wait_indirect_dma semaphore(%arg22 : memref<!tpu.dma_semaphore, #tpu.memory_space<semaphore_mem>>) src(%arg11 : memref<64x128xf32, #tpu.memory_space<vmem>>) dst(%dma_wait3A_649 : memref<10240x128xf32, #tpu.memory_space<vmem_shared>>)
      %dma_start3A_650 = arith.constant 23 : i32
      %dma_start3A_651 = arith.constant 0 : i32
      %dma_start3A_652 = tpu.memref_slice %arg6[%dma_start3A_650, %dma_start3A_651] : memref<24x64xi32, #tpu.memory_space<vmem>> -> memref<1x64xi32, #tpu.memory_space<vmem>>
      %dma_start3A_653 = tpu.memref_squeeze %dma_start3A_652 : memref<1x64xi32, #tpu.memory_space<vmem>> -> memref<64xi32, #tpu.memory_space<vmem>>
      %dma_start3A_654 = arith.constant 0 : i32
      %dma_start3A_655 = arith.constant 0 : i32
      %dma_start3A_656 = tpu.memref_slice %arg4[%dma_start3A_654, %dma_start3A_655] : memref<10240x128xf32, #tpu.memory_space<hbm>> -> memref<10240x128xf32, #tpu.memory_space<hbm>>
      tpu.enqueue_indirect_dma source(%dma_start3A_656 : memref<10240x128xf32, #tpu.memory_space<hbm>>) target(%arg11 : memref<64x128xf32, #tpu.memory_space<vmem>>) offsets(%dma_start3A_653 : memref<64xi32, #tpu.memory_space<vmem>>) semaphore(%arg17 : memref<!tpu.dma_semaphore, #tpu.memory_space<semaphore_mem>>)
      %dma_wait3A_657 = arith.constant 21 : i32
      %dma_wait3A_658 = arith.constant 0 : i32
      %dma_wait3A_659 = tpu.memref_slice %arg6[%dma_wait3A_657, %dma_wait3A_658] : memref<24x64xi32, #tpu.memory_space<vmem>> -> memref<1x64xi32, #tpu.memory_space<vmem>>
      %dma_wait3A_660 = tpu.memref_squeeze %dma_wait3A_659 : memref<1x64xi32, #tpu.memory_space<vmem>> -> memref<64xi32, #tpu.memory_space<vmem>>
      %dma_wait3A_661 = arith.constant 0 : i32
      %dma_wait3A_662 = arith.constant 0 : i32
      %dma_wait3A_663 = tpu.memref_slice %arg4[%dma_wait3A_661, %dma_wait3A_662] : memref<10240x128xf32, #tpu.memory_space<hbm>> -> memref<10240x128xf32, #tpu.memory_space<hbm>>
      tpu.wait_indirect_dma semaphore(%arg15 : memref<!tpu.dma_semaphore, #tpu.memory_space<semaphore_mem>>) src(%dma_wait3A_663 : memref<10240x128xf32, #tpu.memory_space<hbm>>) dst(%arg9 : memref<64x128xf32, #tpu.memory_space<vmem>>)
      %dma_start3A_664 = arith.constant 21 : i32
      %dma_start3A_665 = arith.constant 0 : i32
      %dma_start3A_666 = tpu.memref_slice %arg7[%dma_start3A_664, %dma_start3A_665] : memref<24x64xi32, #tpu.memory_space<vmem>> -> memref<1x64xi32, #tpu.memory_space<vmem>>
      %dma_start3A_667 = tpu.memref_squeeze %dma_start3A_666 : memref<1x64xi32, #tpu.memory_space<vmem>> -> memref<64xi32, #tpu.memory_space<vmem>>
      %dma_start3A_668 = arith.constant 0 : i32
      %dma_start3A_669 = arith.constant 0 : i32
      %dma_start3A_670 = tpu.memref_slice %arg13[%dma_start3A_668, %dma_start3A_669] : memref<10240x128xf32, #tpu.memory_space<vmem_shared>> -> memref<10240x128xf32, #tpu.memory_space<vmem_shared>>
      tpu.enqueue_indirect_dma source(%arg9 : memref<64x128xf32, #tpu.memory_space<vmem>>) target(%dma_start3A_670 : memref<10240x128xf32, #tpu.memory_space<vmem_shared>>) offsets(%dma_start3A_667 : memref<64xi32, #tpu.memory_space<vmem>>) semaphore(%arg20 : memref<!tpu.dma_semaphore, #tpu.memory_space<semaphore_mem>>) {add = true}
      %dma_wait3A_671 = arith.constant 22 : i32
      %dma_wait3A_672 = arith.constant 0 : i32
      %dma_wait3A_673 = tpu.memref_slice %arg6[%dma_wait3A_671, %dma_wait3A_672] : memref<24x64xi32, #tpu.memory_space<vmem>> -> memref<1x64xi32, #tpu.memory_space<vmem>>
      %dma_wait3A_674 = tpu.memref_squeeze %dma_wait3A_673 : memref<1x64xi32, #tpu.memory_space<vmem>> -> memref<64xi32, #tpu.memory_space<vmem>>
      %dma_wait3A_675 = arith.constant 0 : i32
      %dma_wait3A_676 = arith.constant 0 : i32
      %dma_wait3A_677 = tpu.memref_slice %arg4[%dma_wait3A_675, %dma_wait3A_676] : memref<10240x128xf32, #tpu.memory_space<hbm>> -> memref<10240x128xf32, #tpu.memory_space<hbm>>
      tpu.wait_indirect_dma semaphore(%arg16 : memref<!tpu.dma_semaphore, #tpu.memory_space<semaphore_mem>>) src(%dma_wait3A_677 : memref<10240x128xf32, #tpu.memory_space<hbm>>) dst(%arg10 : memref<64x128xf32, #tpu.memory_space<vmem>>)
      %dma_start3A_678 = arith.constant 22 : i32
      %dma_start3A_679 = arith.constant 0 : i32
      %dma_start3A_680 = tpu.memref_slice %arg7[%dma_start3A_678, %dma_start3A_679] : memref<24x64xi32, #tpu.memory_space<vmem>> -> memref<1x64xi32, #tpu.memory_space<vmem>>
      %dma_start3A_681 = tpu.memref_squeeze %dma_start3A_680 : memref<1x64xi32, #tpu.memory_space<vmem>> -> memref<64xi32, #tpu.memory_space<vmem>>
      %dma_start3A_682 = arith.constant 0 : i32
      %dma_start3A_683 = arith.constant 0 : i32
      %dma_start3A_684 = tpu.memref_slice %arg13[%dma_start3A_682, %dma_start3A_683] : memref<10240x128xf32, #tpu.memory_space<vmem_shared>> -> memref<10240x128xf32, #tpu.memory_space<vmem_shared>>
      tpu.enqueue_indirect_dma source(%arg10 : memref<64x128xf32, #tpu.memory_space<vmem>>) target(%dma_start3A_684 : memref<10240x128xf32, #tpu.memory_space<vmem_shared>>) offsets(%dma_start3A_681 : memref<64xi32, #tpu.memory_space<vmem>>) semaphore(%arg21 : memref<!tpu.dma_semaphore, #tpu.memory_space<semaphore_mem>>) {add = true}
      %dma_wait3A_685 = arith.constant 23 : i32
      %dma_wait3A_686 = arith.constant 0 : i32
      %dma_wait3A_687 = tpu.memref_slice %arg6[%dma_wait3A_685, %dma_wait3A_686] : memref<24x64xi32, #tpu.memory_space<vmem>> -> memref<1x64xi32, #tpu.memory_space<vmem>>
      %dma_wait3A_688 = tpu.memref_squeeze %dma_wait3A_687 : memref<1x64xi32, #tpu.memory_space<vmem>> -> memref<64xi32, #tpu.memory_space<vmem>>
      %dma_wait3A_689 = arith.constant 0 : i32
      %dma_wait3A_690 = arith.constant 0 : i32
      %dma_wait3A_691 = tpu.memref_slice %arg4[%dma_wait3A_689, %dma_wait3A_690] : memref<10240x128xf32, #tpu.memory_space<hbm>> -> memref<10240x128xf32, #tpu.memory_space<hbm>>
      tpu.wait_indirect_dma semaphore(%arg17 : memref<!tpu.dma_semaphore, #tpu.memory_space<semaphore_mem>>) src(%dma_wait3A_691 : memref<10240x128xf32, #tpu.memory_space<hbm>>) dst(%arg11 : memref<64x128xf32, #tpu.memory_space<vmem>>)
      %dma_start3A_692 = arith.constant 23 : i32
      %dma_start3A_693 = arith.constant 0 : i32
      %dma_start3A_694 = tpu.memref_slice %arg7[%dma_start3A_692, %dma_start3A_693] : memref<24x64xi32, #tpu.memory_space<vmem>> -> memref<1x64xi32, #tpu.memory_space<vmem>>
      %dma_start3A_695 = tpu.memref_squeeze %dma_start3A_694 : memref<1x64xi32, #tpu.memory_space<vmem>> -> memref<64xi32, #tpu.memory_space<vmem>>
      %dma_start3A_696 = arith.constant 0 : i32
      %dma_start3A_697 = arith.constant 0 : i32
      %dma_start3A_698 = tpu.memref_slice %arg13[%dma_start3A_696, %dma_start3A_697] : memref<10240x128xf32, #tpu.memory_space<vmem_shared>> -> memref<10240x128xf32, #tpu.memory_space<vmem_shared>>
      tpu.enqueue_indirect_dma source(%arg11 : memref<64x128xf32, #tpu.memory_space<vmem>>) target(%dma_start3A_698 : memref<10240x128xf32, #tpu.memory_space<vmem_shared>>) offsets(%dma_start3A_695 : memref<64xi32, #tpu.memory_space<vmem>>) semaphore(%arg22 : memref<!tpu.dma_semaphore, #tpu.memory_space<semaphore_mem>>) {add = true}
      %dma_wait3A_699 = arith.constant 19 : i32
      %dma_wait3A_700 = arith.constant 0 : i32
      %dma_wait3A_701 = tpu.memref_slice %arg7[%dma_wait3A_699, %dma_wait3A_700] : memref<24x64xi32, #tpu.memory_space<vmem>> -> memref<1x64xi32, #tpu.memory_space<vmem>>
      %dma_wait3A_702 = tpu.memref_squeeze %dma_wait3A_701 : memref<1x64xi32, #tpu.memory_space<vmem>> -> memref<64xi32, #tpu.memory_space<vmem>>
      %dma_wait3A_703 = arith.constant 0 : i32
      %dma_wait3A_704 = arith.constant 0 : i32
      %dma_wait3A_705 = tpu.memref_slice %arg13[%dma_wait3A_703, %dma_wait3A_704] : memref<10240x128xf32, #tpu.memory_space<vmem_shared>> -> memref<10240x128xf32, #tpu.memory_space<vmem_shared>>
      tpu.wait_indirect_dma semaphore(%arg23 : memref<!tpu.dma_semaphore, #tpu.memory_space<semaphore_mem>>) src(%arg12 : memref<64x128xf32, #tpu.memory_space<vmem>>) dst(%dma_wait3A_705 : memref<10240x128xf32, #tpu.memory_space<vmem_shared>>)
      %dma_wait3A_706 = arith.constant 20 : i32
      %dma_wait3A_707 = arith.constant 0 : i32
      %dma_wait3A_708 = tpu.memref_slice %arg7[%dma_wait3A_706, %dma_wait3A_707] : memref<24x64xi32, #tpu.memory_space<vmem>> -> memref<1x64xi32, #tpu.memory_space<vmem>>
      %dma_wait3A_709 = tpu.memref_squeeze %dma_wait3A_708 : memref<1x64xi32, #tpu.memory_space<vmem>> -> memref<64xi32, #tpu.memory_space<vmem>>
      %dma_wait3A_710 = arith.constant 0 : i32
      %dma_wait3A_711 = arith.constant 0 : i32
      %dma_wait3A_712 = tpu.memref_slice %arg13[%dma_wait3A_710, %dma_wait3A_711] : memref<10240x128xf32, #tpu.memory_space<vmem_shared>> -> memref<10240x128xf32, #tpu.memory_space<vmem_shared>>
      tpu.wait_indirect_dma semaphore(%arg19 : memref<!tpu.dma_semaphore, #tpu.memory_space<semaphore_mem>>) src(%arg8 : memref<64x128xf32, #tpu.memory_space<vmem>>) dst(%dma_wait3A_712 : memref<10240x128xf32, #tpu.memory_space<vmem_shared>>)
      %dma_wait3A_713 = arith.constant 21 : i32
      %dma_wait3A_714 = arith.constant 0 : i32
      %dma_wait3A_715 = tpu.memref_slice %arg7[%dma_wait3A_713, %dma_wait3A_714] : memref<24x64xi32, #tpu.memory_space<vmem>> -> memref<1x64xi32, #tpu.memory_space<vmem>>
      %dma_wait3A_716 = tpu.memref_squeeze %dma_wait3A_715 : memref<1x64xi32, #tpu.memory_space<vmem>> -> memref<64xi32, #tpu.memory_space<vmem>>
      %dma_wait3A_717 = arith.constant 0 : i32
      %dma_wait3A_718 = arith.constant 0 : i32
      %dma_wait3A_719 = tpu.memref_slice %arg13[%dma_wait3A_717, %dma_wait3A_718] : memref<10240x128xf32, #tpu.memory_space<vmem_shared>> -> memref<10240x128xf32, #tpu.memory_space<vmem_shared>>
      tpu.wait_indirect_dma semaphore(%arg20 : memref<!tpu.dma_semaphore, #tpu.memory_space<semaphore_mem>>) src(%arg9 : memref<64x128xf32, #tpu.memory_space<vmem>>) dst(%dma_wait3A_719 : memref<10240x128xf32, #tpu.memory_space<vmem_shared>>)
      %dma_wait3A_720 = arith.constant 22 : i32
      %dma_wait3A_721 = arith.constant 0 : i32
      %dma_wait3A_722 = tpu.memref_slice %arg7[%dma_wait3A_720, %dma_wait3A_721] : memref<24x64xi32, #tpu.memory_space<vmem>> -> memref<1x64xi32, #tpu.memory_space<vmem>>
      %dma_wait3A_723 = tpu.memref_squeeze %dma_wait3A_722 : memref<1x64xi32, #tpu.memory_space<vmem>> -> memref<64xi32, #tpu.memory_space<vmem>>
      %dma_wait3A_724 = arith.constant 0 : i32
      %dma_wait3A_725 = arith.constant 0 : i32
      %dma_wait3A_726 = tpu.memref_slice %arg13[%dma_wait3A_724, %dma_wait3A_725] : memref<10240x128xf32, #tpu.memory_space<vmem_shared>> -> memref<10240x128xf32, #tpu.memory_space<vmem_shared>>
      tpu.wait_indirect_dma semaphore(%arg21 : memref<!tpu.dma_semaphore, #tpu.memory_space<semaphore_mem>>) src(%arg10 : memref<64x128xf32, #tpu.memory_space<vmem>>) dst(%dma_wait3A_726 : memref<10240x128xf32, #tpu.memory_space<vmem_shared>>)
      %dma_wait3A_727 = arith.constant 23 : i32
      %dma_wait3A_728 = arith.constant 0 : i32
      %dma_wait3A_729 = tpu.memref_slice %arg7[%dma_wait3A_727, %dma_wait3A_728] : memref<24x64xi32, #tpu.memory_space<vmem>> -> memref<1x64xi32, #tpu.memory_space<vmem>>
      %dma_wait3A_730 = tpu.memref_squeeze %dma_wait3A_729 : memref<1x64xi32, #tpu.memory_space<vmem>> -> memref<64xi32, #tpu.memory_space<vmem>>
      %dma_wait3A_731 = arith.constant 0 : i32
      %dma_wait3A_732 = arith.constant 0 : i32
      %dma_wait3A_733 = tpu.memref_slice %arg13[%dma_wait3A_731, %dma_wait3A_732] : memref<10240x128xf32, #tpu.memory_space<vmem_shared>> -> memref<10240x128xf32, #tpu.memory_space<vmem_shared>>
      tpu.wait_indirect_dma semaphore(%arg22 : memref<!tpu.dma_semaphore, #tpu.memory_space<semaphore_mem>>) src(%arg11 : memref<64x128xf32, #tpu.memory_space<vmem>>) dst(%dma_wait3A_733 : memref<10240x128xf32, #tpu.memory_space<vmem_shared>>)
      %scan3A_734 = arith.constant 0 : i32
      scf.yield %scan3A_734 : i32
    }
    %scan3A_53 = arith.constant 7 : i32
    %barrier3A_54 = arith.constant 0 : index
    tpu.barrier barrier_id(%barrier3A_54)
    %mul3A_55 = arith.constant 10240 : i32
    %mul3A_56 = arith.muli %arg0, %mul3A_55 : i32
    %mul3A_57 = arith.constant 640 : i32
    %mul3A_58 = arith.muli %arg1, %mul3A_57 : i32
    %add3A_59 = arith.addi %mul3A_56, %mul3A_58 : i32
    %multiple_of3A = tpu.assume_multiple %add3A_59, 128 : i32
    %mul3A_60 = arith.constant 640 : i32
    %mul3A_61 = arith.muli %arg1, %mul3A_60 : i32
    "tpu.region"() ({
      %run_scoped3A = tpu.sem_alloc : memref<!tpu.dma_semaphore, #tpu.memory_space<semaphore_mem>>
      %dma_start3A = arith.constant 0 : i32
      %dma_start3A_62 = tpu.memref_slice %arg5[%multiple_of3A, %dma_start3A] : memref<20480x128xf32, #tpu.memory_space<hbm>> -> memref<640x128xf32, #tpu.memory_space<hbm>>
      %dma_start3A_63 = arith.constant 0 : i32
      %dma_start3A_64 = tpu.memref_slice %arg13[%mul3A_61, %dma_start3A_63] : memref<10240x128xf32, #tpu.memory_space<vmem_shared>> -> memref<640x128xf32, #tpu.memory_space<vmem_shared>>
      tpu.enqueue_dma source(%dma_start3A_64 : memref<640x128xf32, #tpu.memory_space<vmem_shared>>) target(%dma_start3A_62 : memref<640x128xf32, #tpu.memory_space<hbm>>) target_semaphore(%run_scoped3A : memref<!tpu.dma_semaphore, #tpu.memory_space<semaphore_mem>>)
      %dma_wait3A = arith.constant 0 : i32
      %dma_wait3A_65 = tpu.memref_slice %arg5[%multiple_of3A, %dma_wait3A] : memref<20480x128xf32, #tpu.memory_space<hbm>> -> memref<640x128xf32, #tpu.memory_space<hbm>>
      %dma_wait3A_66 = arith.constant 0 : i32
      %dma_wait3A_67 = tpu.memref_slice %arg13[%mul3A_61, %dma_wait3A_66] : memref<10240x128xf32, #tpu.memory_space<vmem_shared>> -> memref<640x128xf32, #tpu.memory_space<vmem_shared>>
      tpu.wait_dma2 semaphore(%run_scoped3A : memref<!tpu.dma_semaphore, #tpu.memory_space<semaphore_mem>>) src(%dma_wait3A_67 : memref<640x128xf32, #tpu.memory_space<vmem_shared>>) dst(%dma_wait3A_65 : memref<640x128xf32, #tpu.memory_space<hbm>>)
      tpu.yield
    }) : () -> ()
    return
  }
}

module attributes {stable_mosaic.version = 14 : i64} {
  func.func @_dense_body(%arg0: i32, %arg1: memref<1024x128xf32, #tpu.memory_space<vmem>>, %arg2: memref<128x128xf32, #tpu.memory_space<vmem>>, %arg3: memref<2x1024x128xf32, #tpu.memory_space<vmem>>, %arg4: memref<1024x128xf32, #tpu.memory_space<vmem>>) attributes {dimension_semantics = [#tpu.dimension_semantics<arbitrary>], iteration_bounds = array<i64: 10>, scalar_prefetch = 0 : i64, scratch_operands = 0 : i64, tpu.core_type = #tpu.core_type<tc>, window_params = [{transform_indices = @transform_0, window_bounds = array<i64: 1024, 128>}, {pipeline_mode = #tpu.pipeline_mode<synchronous>, transform_indices = @transform_1, window_bounds = array<i64: 128, 128>}, {transform_indices = @transform_2, window_bounds = array<i64: 2, 1024, 128>}, {transform_indices = @transform_3, window_bounds = array<i64: 1024, 128>}]} {
    %get3A = arith.constant 0 : index
    %get3A_0 = arith.constant 0 : index
    %get3A_1 = arith.constant 0 : index
    %get3A_2 = vector.load %arg3[%get3A, %get3A_0, %get3A_1] : memref<2x1024x128xf32, #tpu.memory_space<vmem>>, vector<1x1024x128xf32>
    %get3A_3 = vector.shape_cast %get3A_2 : vector<1x1024x128xf32> to vector<1024x128xf32>
    %get3A_4 = arith.constant 1 : index
    %get3A_5 = arith.constant 0 : index
    %get3A_6 = arith.constant 0 : index
    %get3A_7 = vector.load %arg3[%get3A_4, %get3A_5, %get3A_6] : memref<2x1024x128xf32, #tpu.memory_space<vmem>>, vector<1x1024x128xf32>
    %get3A_8 = vector.shape_cast %get3A_7 : vector<1x1024x128xf32> to vector<1024x128xf32>
    %add3A = arith.addf %get3A_3, %get3A_8 : vector<1024x128xf32>
    %max3A = arith.constant 9.99999996E-13 : f32
    %max3A_9 = vector.broadcast %max3A : f32 to vector<1024x128xf32>
    %max3A_10 = arith.maximumf %add3A, %max3A_9 : vector<1024x128xf32>
    %rsqrt3A = math.rsqrt %max3A_10 : vector<1024x128xf32>
    %get3A_11 = arith.constant 0 : index
    %get3A_12 = arith.constant 0 : index
    %get3A_13 = vector.load %arg1[%get3A_11, %get3A_12] : memref<1024x128xf32, #tpu.memory_space<vmem>>, vector<1024x128xf32>
    %get3A_14 = arith.constant 0 : index
    %get3A_15 = arith.constant 0 : index
    %get3A_16 = vector.load %arg2[%get3A_14, %get3A_15] : memref<128x128xf32, #tpu.memory_space<vmem>>, vector<128x128xf32>
    %dot_general3A = arith.constant dense<0.000000e+00> : vector<1024x128xf32>
    %dot_general3A_17 = tpu.matmul %get3A_13, %get3A_16, %dot_general3A {dimension_numbers = #tpu.dot_dimension_numbers<[1], [0], [0], [1], [0, 0, 1, 1], [], []>, transpose_lhs_hint = false} : vector<1024x128xf32>, vector<128x128xf32>, vector<1024x128xf32> -> vector<1024x128xf32>
    %mul3A = arith.mulf %dot_general3A_17, %rsqrt3A : vector<1024x128xf32>
    %swap3A = arith.constant 0 : index
    %swap3A_18 = arith.constant 0 : index
    %swap3A_19 = vector.load %arg4[%swap3A, %swap3A_18] : memref<1024x128xf32, #tpu.memory_space<vmem>>, vector<1024x128xf32>
    tpu.vector_store %arg4[%swap3A, %swap3A_18], %mul3A {strides = array<i32>} : memref<1024x128xf32, #tpu.memory_space<vmem>>, vector<1024x128xf32>,
    return
  }
  func.func @transform_0(%arg0: i32) -> (i32, i32) {
    %c0_i32 = arith.constant 0 : i32
    %c0_i32_0 = arith.constant 0 : i32
    return %arg0, %c0_i32 : i32, i32
  }
  func.func @transform_1(%arg0: i32) -> (i32, i32) {
    %c0_i32 = arith.constant 0 : i32
    %c0_i32_0 = arith.constant 0 : i32
    %c0_i32_1 = arith.constant 0 : i32
    return %c0_i32, %c0_i32_0 : i32, i32
  }
  func.func @transform_2(%arg0: i32) -> (i32, i32, i32) {
    %c0_i32 = arith.constant 0 : i32
    %c0_i32_0 = arith.constant 0 : i32
    %c0_i32_1 = arith.constant 0 : i32
    return %c0_i32, %arg0, %c0_i32_0 : i32, i32, i32
  }
  func.func @transform_3(%arg0: i32) -> (i32, i32) {
    %c0_i32 = arith.constant 0 : i32
    %c0_i32_0 = arith.constant 0 : i32
    return %arg0, %c0_i32 : i32, i32
  }
}

module attributes {stable_mosaic.version = 14 : i64} {
  func.func @_finish_body(%arg0: i32, %arg1: memref<2x1024x128xf32, #tpu.memory_space<vmem>>, %arg2: memref<2x1024x128xf32, #tpu.memory_space<vmem>>, %arg3: memref<1x128xf32, #tpu.memory_space<vmem>>, %arg4: memref<1024x128xf32, #tpu.memory_space<vmem>>) attributes {dimension_semantics = [#tpu.dimension_semantics<arbitrary>], iteration_bounds = array<i64: 10>, scalar_prefetch = 0 : i64, scratch_operands = 0 : i64, tpu.core_type = #tpu.core_type<tc>, window_params = [{transform_indices = @transform_0, window_bounds = array<i64: 2, 1024, 128>}, {transform_indices = @transform_1, window_bounds = array<i64: 2, 1024, 128>}, {pipeline_mode = #tpu.pipeline_mode<synchronous>, transform_indices = @transform_2, window_bounds = array<i64: 1, 128>}, {transform_indices = @transform_3, window_bounds = array<i64: 1024, 128>}]} {
    %get3A = arith.constant 0 : index
    %get3A_0 = arith.constant 0 : index
    %get3A_1 = arith.constant 0 : index
    %get3A_2 = vector.load %arg2[%get3A, %get3A_0, %get3A_1] : memref<2x1024x128xf32, #tpu.memory_space<vmem>>, vector<1x1024x128xf32>
    %get3A_3 = vector.shape_cast %get3A_2 : vector<1x1024x128xf32> to vector<1024x128xf32>
    %get3A_4 = arith.constant 1 : index
    %get3A_5 = arith.constant 0 : index
    %get3A_6 = arith.constant 0 : index
    %get3A_7 = vector.load %arg2[%get3A_4, %get3A_5, %get3A_6] : memref<2x1024x128xf32, #tpu.memory_space<vmem>>, vector<1x1024x128xf32>
    %get3A_8 = vector.shape_cast %get3A_7 : vector<1x1024x128xf32> to vector<1024x128xf32>
    %add3A = arith.addf %get3A_3, %get3A_8 : vector<1024x128xf32>
    %max3A = arith.constant 9.99999996E-13 : f32
    %max3A_9 = vector.broadcast %max3A : f32 to vector<1024x128xf32>
    %max3A_10 = arith.maximumf %add3A, %max3A_9 : vector<1024x128xf32>
    %rsqrt3A = math.rsqrt %max3A_10 : vector<1024x128xf32>
    %get3A_11 = arith.constant 0 : index
    %get3A_12 = arith.constant 0 : index
    %get3A_13 = arith.constant 0 : index
    %get3A_14 = vector.load %arg1[%get3A_11, %get3A_12, %get3A_13] : memref<2x1024x128xf32, #tpu.memory_space<vmem>>, vector<1x1024x128xf32>
    %get3A_15 = vector.shape_cast %get3A_14 : vector<1x1024x128xf32> to vector<1024x128xf32>
    %get3A_16 = arith.constant 1 : index
    %get3A_17 = arith.constant 0 : index
    %get3A_18 = arith.constant 0 : index
    %get3A_19 = vector.load %arg1[%get3A_16, %get3A_17, %get3A_18] : memref<2x1024x128xf32, #tpu.memory_space<vmem>>, vector<1x1024x128xf32>
    %get3A_20 = vector.shape_cast %get3A_19 : vector<1x1024x128xf32> to vector<1024x128xf32>
    %add3A_21 = arith.addf %get3A_15, %get3A_20 : vector<1024x128xf32>
    %mul3A = arith.mulf %add3A_21, %rsqrt3A : vector<1024x128xf32>
    %get3A_22 = arith.constant 0 : index
    %get3A_23 = arith.constant 0 : index
    %get3A_24 = vector.load %arg3[%get3A_22, %get3A_23] : memref<1x128xf32, #tpu.memory_space<vmem>>, vector<1x128xf32>
    %add3A_25 = vector.broadcast %get3A_24 : vector<1x128xf32> to vector<1024x128xf32>
    %add3A_26 = arith.addf %mul3A, %add3A_25 : vector<1024x128xf32>
    %swap3A = arith.constant 0 : index
    %swap3A_27 = arith.constant 0 : index
    %swap3A_28 = vector.load %arg4[%swap3A, %swap3A_27] : memref<1024x128xf32, #tpu.memory_space<vmem>>, vector<1024x128xf32>
    tpu.vector_store %arg4[%swap3A, %swap3A_27], %add3A_26 {strides = array<i32>} : memref<1024x128xf32, #tpu.memory_space<vmem>>, vector<1024x128xf32>,
    return
  }
  func.func @transform_0(%arg0: i32) -> (i32, i32, i32) {
    %c0_i32 = arith.constant 0 : i32
    %c0_i32_0 = arith.constant 0 : i32
    %c0_i32_1 = arith.constant 0 : i32
    return %c0_i32, %arg0, %c0_i32_0 : i32, i32, i32
  }
  func.func @transform_1(%arg0: i32) -> (i32, i32, i32) {
    %c0_i32 = arith.constant 0 : i32
    %c0_i32_0 = arith.constant 0 : i32
    %c0_i32_1 = arith.constant 0 : i32
    return %c0_i32, %arg0, %c0_i32_0 : i32, i32, i32
  }
  func.func @transform_2(%arg0: i32) -> (i32, i32) {
    %c0_i32 = arith.constant 0 : i32
    %c0_i32_0 = arith.constant 0 : i32
    %c0_i32_1 = arith.constant 0 : i32
    return %c0_i32, %c0_i32_0 : i32, i32
  }
  func.func @transform_3(%arg0: i32) -> (i32, i32) {
    %c0_i32 = arith.constant 0 : i32
    %c0_i32_0 = arith.constant 0 : i32
    return %arg0, %c0_i32 : i32, i32
  }
}

</mosaic_0001>

<sc_bundles>
// kernel: kernel.6.cloned.1.call-start
scs
__scs_entry_jumppad:
0x0: {  	(pc) =	sbr.rel $0x88, $3  }
0x1: {  	(tag) =	ssettag $0x0;
	lr =	simm.s32 $0x1  }
0x2: {  	[smem:$0x3F9D] =	sst lr;
	_ =	strace $0xD0000000  }
0x3: {  	_ = 	snop  }
0x4: {  	_ = 	snop  }
0x5: {  	_ = 	snop  }
0x6: {  	_ = 	snop  }
0x7: {  	_ = 	snop  }
__scs_overlays_trampoline_lowered:
0x8: {  	[smem:$0x3FAC] =	sst s0  }
0x9: {  	[smem:$0x3FAD] =	sst s1  }
0xa: {  	[smem:$0x3FAE] =	sst s2  }
0xb: {  	[smem:$0x3FAF] =	sst s3  }
0xc: {  	[smem:$0x3FB0] =	sst s4  }
0xd: {  	[smem:$0x3FB1] =	sst s5  }
0xe: {  	[smem:$0x3FB2] =	sst s6  }
0xf: {  	[smem:$0x3FB3] =	sst s7  }
0x10: {  	[smem:$0x3FB4] =	sst s8  }
0x11: {  	[smem:$0x3FB5] =	sst s9;
	s0 =	simm.s32 @!p0 $0x0  }
0x12: {  	s1 =	sld [smem:$0x3F9B];
	s0 =	simm.s32 @p0 $0x1  }
0x13: {  	[smem:$0x3FB6] =	sst s0;
	s0 =	simm.s32 @!p1 $0x0  }
0x14: {  	s2 =	sld [smem:$0x3F9A];
	s0 =	simm.s32 @p1 $0x1  }
0x15: {  	[smem:$0x3FB7] =	sst s0;
	s0 =	simm.s32 @!p2 $0x0  }
0x16: {  	s3 =	sld [smem:$0x3FDB];
	s0 =	simm.s32 @p2 $0x1  }
0x17: {  	s4 =	simm.s32 $0x1BF5;
	[smem:$0x3FB9] =	sst s0  }
0x18: {  	s0 =	sld [smem:$0x3F9C];
	_ =	swait.ge [sflag:s4], $0x0  }
0x19: {  	s7 =	sld [smem:$0x3F9D]  }
0x1a: {  	s8 =	sadd.s32 $0xFFFFE003, lr  }
0x1b: {  	s9 =	sadd.s32 $0xFFFFFEF7, lr;
	s5 =	simm.s32 $0xFFFFFFFF;
	p2 =	slt.u32 s8, $0xFFFFF086  }
0x1c: {  	p1 =	slt.u32 s9, $0xF7A;
	s5 =	simm.s32 @!p2 $0x0  }
0x1d: {  	s5 =	simm.s32 @p1 $0x1;
	p0 =	seq.s32 s7, s2  }
0x1e: {  	s7 =	smul.u32 @!p0 $0xF7A, s2;
	p2 =	seq.s32 @!p0 s5, $0x0  }
0x1f: {  	s9 =	smul.u32 $0xF7A, s1;
	s8 =	simm.s32 @!p0 $0x1BF5;
	p2 =	por !p2, p0  }
0x20: {  	[sflag:s8] =	ssyncset.s32 @!p0 $0xFFFFF086;
	s6 =	sadd.s32 @!p0 s3, s7;
	s7 =	simm.s32 @!p0 $0x108  }
0x21: {  	s3 =	sadd.s32 s3, s9;
	s6 =	sadd.s32 @!p0 $0x88, s6;
	s7 =	simm.s32 @p2 $0x1082  }
0x22: {  	[simem:s7], [sflag:s8] =	dma.local @!p0 [hbm:s6], $0xF7A  }
0x23: {  	s9 =	sor.u32 $0xD0000000, s2;
	s6 =	simm.s32 $0x108;
	_ =	swait.ge @!p0 [sflag:s8], $0x0  }
0x24: {  	s3 =	sadd.s32 $0x88, s3;
	s6 =	simm.s32 @!p1 $0x1082;
	[sflag:s4] =	ssyncset.s32 $0xFFFFF086  }
0x25: {  	[simem:s6], [sflag:s4] =	dma.local [hbm:s3], $0xF7A  }
0x26: {  	[smem:$0x3F9D] =	sst s1;
	(tag) =	ssettag s2;
	_ =	strace s9  }
0x27: {  	s1 =	sld [smem:$0x3FAD]  }
0x28: {  	s2 =	sld [smem:$0x3FAE]  }
0x29: {  	s4 =	sld [smem:$0x3FB0]  }
0x2a: {  	p0 =	seq.s32 s5, $0x0;
	s5 =	sld [smem:$0x3FB1]  }
0x2b: {  	s6 =	sld [smem:$0x3FB2]  }
0x2c: {  	s7 =	sld [smem:$0x3FB3]  }
0x2d: {  	s3 =	simm.s32 $0x108;
	s8 =	sld [smem:$0x3FB4]  }
0x2e: {  	s3 =	simm.s32 @!p0 $0x1082;
	s9 =	sld [smem:$0x3FB5]  }
0x2f: {  	lr =	sadd.s32 s0, s3;
	s0 =	sld [smem:$0x3FAC]  }
0x30: {  	s3 =	sld [smem:$0x3FAF]  }
0x31: {  	[smem:$0x3FB8] =	sst s10  }
0x32: {  	s10 =	sld [smem:$0x3FB6];
	_ =	sdelay $0x3  }
0x33: {  	p0 =	seq.s32 s10, $0x1;
	s10 =	sld [smem:$0x3FB8];
	_ =	sdelay $0x3  }
0x34: {  	[smem:$0x3FB8] =	sst s10  }
0x35: {  	s10 =	sld [smem:$0x3FB7];
	_ =	sdelay $0x3  }
0x36: {  	p1 =	seq.s32 s10, $0x1;
	s10 =	sld [smem:$0x3FB8];
	_ =	sdelay $0x3  }
0x37: {  	[smem:$0x3FB8] =	sst s10  }
0x38: {  	s10 =	sld [smem:$0x3FB9]  }
0x39: {  	_ = 	snop;
	(pc) =	sbr.ind lr, $3  }
0x3a: {  	_ = 	snop  }
0x3b: {  	_ = 	snop  }
0x3c: {  	p2 =	seq.s32 s10, $0x1;
	s10 =	sld [smem:$0x3FB8]  }
0x3d: {  	_ =	shalt  }
0x3e: {  	_ =	shalt  }
0x3f: {  	_ =	shalt  }
0x40: {  	_ =	shalt  }
0x41: {  	_ =	shalt  }
0x42: {  	_ =	shalt  }
0x43: {  	_ =	shalt  }
0x44: {  	_ =	shalt  }
0x45: {  	_ =	shalt  }
0x46: {  	_ =	shalt  }
0x47: {  	_ =	shalt  }
0x48: {  	_ =	shalt  }
0x49: {  	_ =	shalt  }
0x4a: {  	_ =	shalt  }
0x4b: {  	_ =	shalt  }
0x4c: {  	_ =	shalt  }
0x4d: {  	_ =	shalt  }
0x4e: {  	_ =	shalt  }
0x4f: {  	_ =	shalt  }
0x50: {  	_ =	shalt  }
0x51: {  	_ =	shalt  }
0x52: {  	_ =	shalt  }
0x53: {  	_ =	shalt  }
0x54: {  	_ =	shalt  }
0x55: {  	_ =	shalt  }
0x56: {  	_ =	shalt  }
0x57: {  	_ =	shalt  }
0x58: {  	_ =	shalt  }
0x59: {  	_ =	shalt  }
0x5a: {  	_ =	shalt  }
0x5b: {  	_ =	shalt  }
0x5c: {  	_ =	shalt  }
0x5d: {  	_ =	shalt  }
0x5e: {  	_ =	shalt  }
0x5f: {  	_ =	shalt  }
0x60: {  	_ =	shalt  }
0x61: {  	_ =	shalt  }
0x62: {  	_ =	shalt  }
0x63: {  	_ =	shalt  }
0x64: {  	_ =	shalt  }
0x65: {  	_ =	shalt  }
0x66: {  	_ =	shalt  }
0x67: {  	_ =	shalt  }
0x68: {  	_ =	shalt  }
0x69: {  	_ =	shalt  }
0x6a: {  	_ =	shalt  }
0x6b: {  	_ =	shalt  }
0x6c: {  	_ =	shalt  }
0x6d: {  	_ =	shalt  }
0x6e: {  	_ =	shalt  }
0x6f: {  	_ =	shalt  }
0x70: {  	_ =	shalt  }
0x71: {  	_ =	shalt  }
0x72: {  	_ =	shalt  }
0x73: {  	_ =	shalt  }
0x74: {  	_ =	shalt  }
0x75: {  	_ =	shalt  }
0x76: {  	_ =	shalt  }
0x77: {  	_ =	shalt  }
0x78: {  	_ =	shalt  }
0x79: {  	_ =	shalt  }
0x7a: {  	_ =	shalt  }
0x7b: {  	_ =	shalt  }
0x7c: {  	_ =	shalt  }
0x7d: {  	_ =	shalt  }
0x7e: {  	_ =	shalt  }
0x7f: {  	_ =	shalt  }
0x80: {  	_ =	shalt  }
0x81: {  	_ =	shalt  }
0x82: {  	_ =	shalt  }
0x83: {  	_ =	shalt  }
0x84: {  	_ =	shalt  }
0x85: {  	_ =	shalt  }
0x86: {  	_ =	shalt  }
0x87: {  	_ =	shalt  }
.Lfunc_end0:
.L_simem_size_0:
called_computation_lowered:
.L_overlay_start_0:
0x88: {  	s2 =	sld [smem:$0x3FD9]  }
0x89: {  	s3 =	sld [smem:$0x3FFE];
	_ =	sdelay $0x1  }
0x8a: {  	s1 =	srdreg.scid  }
0x8b: {  	s0 =	sand.u32 $0x1, s1  }
0x8c: {  	s16 =	sshll.u32 s0, $0xA;
	s2 =	sadd.s32 s3, s2  }
0x8d: {  	s2 =	sadd.s32 s2, s16  }
0x8e: {  	[smem:$0x3FC4] =	sst s2  }
0x8f: {  	_ = 	snop  }
0x90: {  	(tm) =	ssettm $0x1  }
0x91: {  	s17 =	sld [smem:$0x3FFB];
	_ =	sdelay $0x3  }
0x92: {  	_ =	strace s17  }
0x93: {  	s2 =	sld [smem:$0x3FFC];
	_ =	sdelay $0x3  }
0x94: {  	_ =	strace s2  }
0x95: {  	s2 =	sld [smem:$0x3FFD];
	_ =	sdelay $0x3  }
0x96: {  	_ =	strace s2  }
0x97: {  	_ =	strace $0x8FFFFFFF  }
0x98: {  	s18 =	sld [smem:$0x3FDB];
	_ =	sdelay $0x1  }
0x99: {  	s19 =	simm.s32 $_scs_section_size  }
0x9a: {  	s4 =	simm.s32 $_size__tile_overlayer_lowered;
	s5 =	simm.s32 $_tile_overlayer_lowered  }
0x9b: {  	s22 =	simm.s32 $0x1BFF;
	s21 =	sshll.u32 s5, $0x1;
	s2 =	sadd.s32 s19, s18  }
0x9c: {  	s6 =	simm.s32 $0x0;
	s20 =	sshll.u32 s4, $0x1;
	s4 =	sadd.s32 s21, s2  }
0x9d: {  	[timem:s6], [sflag:s22] =	dma.local [hbm:s4], s20  }
0x9e: {  	_ =	swait.ge [sflag:s22], s20  }
0x9f: {  	s3 =	ssub.s32 $0x0, s20;
	[sflag:s22] =	ssyncset.done $0x0  }
0xa0: {  	[sflag:s22] =	ssyncadd.s32 s3;
	_ =	sdelay $0x1  }
0xa1: {  	s23 =	simm.s32 $0x1B8B  }
0xa2: {  	_ =	swait.ge [sflag:s23], $0x1  }
0xa3: {  	[sflag:s23] =	ssyncset.done $0x0  }
0xa4: {  	s25 =	simm.s32 $0x1B8E;
	s24 =	sld [smem:$0x3FFE];
	[sflag:s23] =	ssyncadd.s32 $0xFFFFFFFF  }
0xa5: {  	s26 =	simm.s32 $execute0_lowered;
	[smem:$0x3FD2] =	sst s25  }
0xa6: {  	s4 =	sshll.u32 s26, $0x1;
	_ =	strace $0x80000046;
	[dreg:$0x1] =	wrdreg $0xFFFFFFFF  }
0xa7: {  	s28 =	simm.s32 $_size_execute0_lowered;
	s2 =	sadd.s32 s2, s4;
	[dreg:$0x0] =	wrdreg $0x0  }
0xa8: {  	s4 =	sshll.u32 s28, $0x1;
	[dreg:$0x2] =	wrdreg s2  }
0xa9: {  	[dreg:$0x3] =	wrdreg s4  }
0xaa: {  	[dreg:$0x4] =	wrdreg $0xC0  }
0xab: {  	_ =	task [dreg:s6], $0x5FFFF  }
0xac: {  	[dreg:$0x1] =	wrdreg $0xFFFFFFFF  }
0xad: {  	[dreg:$0x0] =	wrdreg $0x60  }
0xae: {  	[dreg:$0x2] =	wrdreg s24  }
0xaf: {  	[dreg:$0x3] =	wrdreg $0x44000  }
0xb0: {  	[dreg:$0x4] =	wrdreg $0x9  }
0xb1: {  	_ =	task.clear_ibuf [dreg:s6], $0x5FFFF;
	_ =	strace $0x90000046  }
0xb2: {  	s29 =	simm.s32 $0x9;
	_ =	strace $0x80000048  }
0xb3: {  	_ =	swait.ge [sflag:s29], $0x1  }
0xb4: {  	[sflag:s29] =	ssyncadd.s32 $0xFFFFFFFF  }
0xb5: {  	_ =	strace $0x90000048  }
0xb6: {  	_ =	sfence  }
0xb7: {  	s30 =	sld [smem:$0x0];
	_ =	sdelay $0x2  }
0xb8: {  	s31 =	sshll.u32 s1, $0xD;
	s1 =	sshrl.u32 s1, $0x2  }
0xb9: {  	s3 =	sand.u32 $0x4000, s31;
	s1 =	sadd.s32 s1, s30  }
0xba: {  	s0 =	sor.u32 s3, s0;
	s1 =	sshll.u32 s1, $0x11  }
0xbb: {  	s0 =	sor.u32 s1, s0  }
0xbc: {  	s0 =	sadd.s32 $0x8F2B, s0  }
0xbd: {  	[sflag:s0] =	ssyncadd.remote.s32 $0x1  }
0xbe: {  	_ =	sfence.sel $0xFFFF  }
0xbf: {  	[dreg:$0x0] =	wrdreg $0xFFFFFFFF;
	(pc) =	sbr.abs _section_cstart, $3  }
0xc0: {  	[dreg:$0x1] =	wrdreg $0xFFFFFFFF  }
0xc1: {  	_ =	task.clear_ibuf [dreg:s6], $0x2FFFF;
	_ =	strace $0x9FFFFFFF  }
0xc2: {  	(tm) =	ssettm $0x7FFFFFFF  }
0xc3: {  	_ =	shalt  }
tec
execute0_lowered:
.L_overlay_start_1:
0x0: {  	(tag) =	ssettag $0x1  }
0x1: {  	s1 =	srdreg.scid  }
0x2: {  	s0 =	stileid.u32;
	s7 =	rddreg [dreg:$0x0]  }
0x3: {  	s2 =	rddreg [dreg:$0x1];
	s3 =	simm.s32 $0x0;
	s15 =	simm.s32 $0x2  }
0x4: {  	s16 =	simm.s32 $0x80;
	s17 =	simm.s32 $0x100;
	s18 =	simm.s32 $0x180  }
0x5: {  	s19 =	simm.s32 $0x200;
	s20 =	simm.s32 $0x280;
	s4 =	smul.u32 $0x7000, s0  }
0x6: {  	s21 =	simm.s32 $0x1;
	s24 =	simm.s32 $0x0;
	s8 =	smul.u32 $0x2800, s0  }
0x7: {  	s6 =	sand.u32 $0x1, s1;
	s1 =	rddreg [dreg:$0x2];
	s9 =	smul.u32 $0x50000, s0  }
0x8: {  	[smem:$0x7FF] =	sst s3;
	s22 =	sshll.u32 s0, $0x6;
	s5 =	smul.u32 $0x3800, s6  }
0x9: {  	_ =	strace $0x80000047;
	s10 =	smul.u32 $0x28000, s6;
	s11 =	ssub.s32 $0x2, s6  }
0xa: {  	s22 =	sor.u32 $0x1C02, s22;
	s30 =	sshrl.u32 s9, $0x2;
	s31 =	sshrl.u32 s11, $0x1  }
0xb: {  	s4 =	sadd.s32 s5, s4;
	s5 =	sadd.s32 $0xF200, s7;
	s8 =	sadd.s32 s8, s10  }
0xc: {  	s6 =	sadd.s32 s30, s2;
	s14 =	ssub.s32 s11, s31;
	s4 =	sshrl.u32 s4, $0x3  }
0xd: {  	s12 =	sadd.s32 s8, s7;
	s8 =	sadd.s32 $0x8000, s6;
	s9 =	sadd.s32 $0xC000, s6  }
0xe: {  	s10 =	sadd.s32 $0x10000, s6;
	s23 =	sshrl.u32 s6, $0x3;
	s13 =	sadd.s32 s4, s7  }
0xf: {  	s4 =	sadd.s32 $0xFA00, s7;
	s7 =	sadd.s32 $0x4000, s6;
	s11 =	sadd.s32 $0x10200, s12  }
0x10: {  	s12 =	smax.u32 s14, $0x1;
	s14 =	simm.s32 $0x400;
	s13 =	sadd.s32 $0x1200, s13  }
.LBB2_1:
0x11: {  	[tilespmem:s14], [sflag:$0x2] =	stream.linear.gather [hbm4b:s5+s3], $0x4000, $0x38;
	[tilespmem:$0x18400] =	vst v63  }
0x12: {  	_ =	swait.ge [sflag:s15], $0x4000  }
0x13: {  	[sflag:s15] =	ssyncset.done $0x0  }
0x14: {  	[sflag:s15] =	ssyncadd.s32 $0xFFFFC000  }
0x15: {  	[spmem:s6] =	stream.linear.scatter [tilespmem:s14], [sflag:$0x2], $0x4000, $0x38;
	[tilespmem:$0x18400] =	vst v63  }
0x16: {  	_ =	swait.ge [sflag:s15], $0x4000  }
0x17: {  	[sflag:s15] =	ssyncset.done $0x0  }
0x18: {  	[sflag:s15] =	ssyncadd.s32 $0xFFFFC000  }
0x19: {  	[spmem:s7] =	stream.linear.scatter [tilespmem:s14], [sflag:$0x2], $0x4000, $0x38;
	[tilespmem:$0x18400] =	vst v63  }
0x1a: {  	_ =	swait.ge [sflag:s15], $0x4000  }
0x1b: {  	[sflag:s15] =	ssyncset.done $0x0  }
0x1c: {  	[sflag:s15] =	ssyncadd.s32 $0xFFFFC000  }
0x1d: {  	[spmem:s8] =	stream.linear.scatter [tilespmem:s14], [sflag:$0x2], $0x4000, $0x38;
	[tilespmem:$0x18400] =	vst v63  }
0x1e: {  	_ =	swait.ge [sflag:s15], $0x4000  }
0x1f: {  	[sflag:s15] =	ssyncset.done $0x0  }
0x20: {  	[sflag:s15] =	ssyncadd.s32 $0xFFFFC000  }
0x21: {  	[spmem:s9] =	stream.linear.scatter [tilespmem:s14], [sflag:$0x2], $0x4000, $0x38;
	[tilespmem:$0x18400] =	vst v63  }
0x22: {  	_ =	swait.ge [sflag:s15], $0x4000  }
0x23: {  	[sflag:s15] =	ssyncset.done $0x0  }
0x24: {  	[sflag:s15] =	ssyncadd.s32 $0xFFFFC000  }
0x25: {  	[spmem:s10] =	stream.linear.scatter [tilespmem:s14], [sflag:$0x2], $0x4000, $0x38;
	[tilespmem:$0x18400] =	vst v63  }
0x26: {  	_ =	swait.ge [sflag:s15], $0x4000  }
0x27: {  	[sflag:s15] =	ssyncset.done $0x0  }
0x28: {  	[sflag:s15] =	ssyncadd.s32 $0xFFFFC000  }
0x29: {  	[bflag:$0x0] =	sbarrier.arrive $0xFFFF  }
0x2a: {  	[tilespmem:s14], [sflag:$0x2] =	stream.linear.gather [hbm4b:s4+s3], $0x4000, $0x38;
	[tilespmem:$0x18400] =	vst v63  }
0x2b: {  	_ =	swait.ge [sflag:s15], $0x4000  }
0x2c: {  	[sflag:s15] =	ssyncset.done $0x0  }
0x2d: {  	s25 =	sadd.s32 $0x0, s13;
	[sflag:s15] =	ssyncadd.s32 $0xFFFFC000  }
0x2e: {  	[tilespmem:s3], [sflag:$0x2] =	stream.linear.gather [hbm4b:s25+s3], $0x300, $0x38;
	[tilespmem:$0x18400] =	vst v63  }
0x2f: {  	_ =	swait.ge [sflag:s15], $0x300  }
0x30: {  	[sflag:s15] =	ssyncset.done $0x0  }
0x31: {  	[sflag:s15] =	ssyncadd.s32 $0xFFFFFD00  }
0x32: {  	[spmem:s2] =	stream.indirect.scatter.add.f32 [tilespmem:s14], [sflag:$0x1], $0x80, s3, s16, $0xb8;
	[tilespmem:$0x18400] =	vst v63  }
0x33: {  	_ = 	snop  }
0x34: {  	[spmem:s2] =	stream.indirect.scatter.add.f32 [tilespmem:s14], [sflag:$0x1], $0x80, s16, s16, $0xb8;
	[tilespmem:$0x18400] =	vst v63  }
0x35: {  	_ = 	snop  }
0x36: {  	[spmem:s2] =	stream.indirect.scatter.add.f32 [tilespmem:s14], [sflag:$0x1], $0x80, s17, s16, $0xb8;
	[tilespmem:$0x18400] =	vst v63  }
0x37: {  	_ = 	snop  }
0x38: {  	[spmem:s2] =	stream.indirect.scatter.add.f32 [tilespmem:s14], [sflag:$0x1], $0x80, s18, s16, $0xb8;
	[tilespmem:$0x18400] =	vst v63  }
0x39: {  	_ = 	snop  }
0x3a: {  	[spmem:s2] =	stream.indirect.scatter.add.f32 [tilespmem:s14], [sflag:$0x1], $0x80, s19, s16, $0xb8;
	[tilespmem:$0x18400] =	vst v63  }
0x3b: {  	_ = 	snop  }
0x3c: {  	[spmem:s2] =	stream.indirect.scatter.add.f32 [tilespmem:s14], [sflag:$0x1], $0x80, s20, s16, $0xb8;
	[tilespmem:$0x18400] =	vst v63  }
0x3d: {  	_ =	swait.ge [sflag:s21], $0x4000  }
0x3e: {  	[sflag:s21] =	ssyncset.done $0x0  }
0x3f: {  	[sflag:s21] =	ssyncadd.s32 $0xFFFFC000  }
0x40: {  	_ =	swait.ge [sflag:s21], $0x4000  }
0x41: {  	[sflag:s21] =	ssyncset.done $0x0  }
0x42: {  	[sflag:s21] =	ssyncadd.s32 $0xFFFFC000  }
0x43: {  	_ =	swait.ge [sflag:s21], $0x4000  }
0x44: {  	[sflag:s21] =	ssyncset.done $0x0  }
0x45: {  	[sflag:s21] =	ssyncadd.s32 $0xFFFFC000  }
0x46: {  	_ =	swait.ge [sflag:s21], $0x4000  }
0x47: {  	[sflag:s21] =	ssyncset.done $0x0  }
0x48: {  	[sflag:s21] =	ssyncadd.s32 $0xFFFFC000  }
0x49: {  	_ =	swait.ge [sflag:s21], $0x4000  }
0x4a: {  	[sflag:s21] =	ssyncset.done $0x0  }
0x4b: {  	[sflag:s21] =	ssyncadd.s32 $0xFFFFC000  }
0x4c: {  	_ =	swait.ge [sflag:s21], $0x4000  }
0x4d: {  	s26 =	simm.s32 $0x100;
	s25 =	simm.s32 $0x80;
	[sflag:s21] =	ssyncset.done $0x0  }
.LBB2_2:
0x4e: {  	s28 =	sadd.s32 s25, s13  }
0x4f: {  	[sflag:s21] =	ssyncadd.s32 $0xFFFFC000;
	s25 =	smov.u32 s26;
	s29 =	sadd.s32 $0x80, s26  }
0x50: {  	[tilespmem:s3], [sflag:$0x2] =	stream.linear.gather [hbm4b:s28+s3], $0x300, $0x38;
	[tilespmem:$0x18400] =	vst v63  }
0x51: {  	p0 =	sne.s32 s26, $0x680;
	_ =	swait.ge [sflag:s15], $0x300  }
0x52: {  	[sflag:s15] =	ssyncset.done $0x0  }
0x53: {  	[sflag:s15] =	ssyncadd.s32 $0xFFFFFD00  }
0x54: {  	[spmem:s2] =	stream.indirect.scatter.add.f32 [tilespmem:s14], [sflag:$0x1], $0x80, s3, s16, $0xb8;
	[tilespmem:$0x18400] =	vst v63  }
0x55: {  	_ = 	snop  }
0x56: {  	[spmem:s2] =	stream.indirect.scatter.add.f32 [tilespmem:s14], [sflag:$0x1], $0x80, s16, s16, $0xb8;
	[tilespmem:$0x18400] =	vst v63  }
0x57: {  	_ = 	snop  }
0x58: {  	[spmem:s2] =	stream.indirect.scatter.add.f32 [tilespmem:s14], [sflag:$0x1], $0x80, s17, s16, $0xb8;
	[tilespmem:$0x18400] =	vst v63  }
0x59: {  	_ = 	snop  }
0x5a: {  	[spmem:s2] =	stream.indirect.scatter.add.f32 [tilespmem:s14], [sflag:$0x1], $0x80, s18, s16, $0xb8;
	[tilespmem:$0x18400] =	vst v63  }
0x5b: {  	_ = 	snop  }
0x5c: {  	[spmem:s2] =	stream.indirect.scatter.add.f32 [tilespmem:s14], [sflag:$0x1], $0x80, s19, s16, $0xb8;
	[tilespmem:$0x18400] =	vst v63  }
0x5d: {  	_ = 	snop  }
0x5e: {  	[spmem:s2] =	stream.indirect.scatter.add.f32 [tilespmem:s14], [sflag:$0x1], $0x80, s20, s16, $0xb8;
	[tilespmem:$0x18400] =	vst v63  }
0x5f: {  	_ =	swait.ge [sflag:s21], $0x4000  }
0x60: {  	[sflag:s21] =	ssyncset.done $0x0  }
0x61: {  	[sflag:s21] =	ssyncadd.s32 $0xFFFFC000  }
0x62: {  	_ =	swait.ge [sflag:s21], $0x4000  }
0x63: {  	[sflag:s21] =	ssyncset.done $0x0  }
0x64: {  	[sflag:s21] =	ssyncadd.s32 $0xFFFFC000  }
0x65: {  	_ =	swait.ge [sflag:s21], $0x4000  }
0x66: {  	[sflag:s21] =	ssyncset.done $0x0  }
0x67: {  	[sflag:s21] =	ssyncadd.s32 $0xFFFFC000  }
0x68: {  	_ =	swait.ge [sflag:s21], $0x4000  }
0x69: {  	[sflag:s21] =	ssyncset.done $0x0  }
0x6a: {  	[sflag:s21] =	ssyncadd.s32 $0xFFFFC000  }
.Ltmp0:
0x6b: {  	_ =	swait.ge [sflag:s21], $0x4000;
	(pc) =	sbr.rel @p0 .LBB2_2-.Ltmp0, $4  }
0x6c: {  	[sflag:s21] =	ssyncset.done $0x0  }
0x6d: {  	[sflag:s21] =	ssyncadd.s32 $0xFFFFC000  }
0x6e: {  	_ =	swait.ge [sflag:s21], $0x4000  }
0x6f: {  	s26 =	smov.u32 s29;
	[sflag:s21] =	ssyncset.done $0x0  }
0x70: {  	s25 =	sadd.s32 s25, s13;
	[sflag:s21] =	ssyncadd.s32 $0xFFFFC000  }
0x71: {  	[tilespmem:s3], [sflag:$0x2] =	stream.linear.gather [hbm4b:s25+s3], $0x300, $0x38;
	[tilespmem:$0x18400] =	vst v63  }
0x72: {  	_ =	swait.ge [sflag:s15], $0x300  }
0x73: {  	[sflag:s15] =	ssyncset.done $0x0  }
0x74: {  	[sflag:s15] =	ssyncadd.s32 $0xFFFFFD00  }
0x75: {  	[spmem:s2] =	stream.indirect.scatter.add.f32 [tilespmem:s14], [sflag:$0x1], $0x80, s3, s16, $0xb8;
	[tilespmem:$0x18400] =	vst v63  }
0x76: {  	_ = 	snop  }
0x77: {  	[spmem:s2] =	stream.indirect.scatter.add.f32 [tilespmem:s14], [sflag:$0x1], $0x80, s16, s16, $0xb8;
	[tilespmem:$0x18400] =	vst v63  }
0x78: {  	_ = 	snop  }
0x79: {  	[spmem:s2] =	stream.indirect.scatter.add.f32 [tilespmem:s14], [sflag:$0x1], $0x80, s17, s16, $0xb8;
	[tilespmem:$0x18400] =	vst v63  }
0x7a: {  	_ = 	snop  }
0x7b: {  	[spmem:s2] =	stream.indirect.scatter.add.f32 [tilespmem:s14], [sflag:$0x1], $0x80, s18, s16, $0xb8;
	[tilespmem:$0x18400] =	vst v63  }
0x7c: {  	_ = 	snop  }
0x7d: {  	[spmem:s2] =	stream.indirect.scatter.add.f32 [tilespmem:s14], [sflag:$0x1], $0x80, s19, s16, $0xb8;
	[tilespmem:$0x18400] =	vst v63  }
0x7e: {  	_ = 	snop  }
0x7f: {  	[spmem:s2] =	stream.indirect.scatter.add.f32 [tilespmem:s14], [sflag:$0x1], $0x80, s20, s16, $0xb8;
	[tilespmem:$0x18400] =	vst v63  }
0x80: {  	_ =	swait.ge [sflag:s21], $0x4000  }
0x81: {  	[sflag:s21] =	ssyncset.done $0x0  }
0x82: {  	[sflag:s21] =	ssyncadd.s32 $0xFFFFC000  }
0x83: {  	_ =	swait.ge [sflag:s21], $0x4000  }
0x84: {  	[sflag:s21] =	ssyncset.done $0x0  }
0x85: {  	[sflag:s21] =	ssyncadd.s32 $0xFFFFC000  }
0x86: {  	_ =	swait.ge [sflag:s21], $0x4000  }
0x87: {  	[sflag:s21] =	ssyncset.done $0x0  }
0x88: {  	[sflag:s21] =	ssyncadd.s32 $0xFFFFC000  }
0x89: {  	_ =	swait.ge [sflag:s21], $0x4000  }
0x8a: {  	[sflag:s21] =	ssyncset.done $0x0  }
0x8b: {  	[sflag:s21] =	ssyncadd.s32 $0xFFFFC000  }
0x8c: {  	_ =	swait.ge [sflag:s21], $0x4000  }
0x8d: {  	[sflag:s21] =	ssyncset.done $0x0  }
0x8e: {  	[sflag:s21] =	ssyncadd.s32 $0xFFFFC000  }
0x8f: {  	_ =	swait.ge [sflag:s21], $0x4000  }
0x90: {  	s24 =	sadd.s32 $0x1, s24;
	[sflag:s21] =	ssyncset.done $0x0  }
0x91: {  	p0 =	sne.s32 s24, s12;
	[sflag:s21] =	ssyncadd.s32 $0xFFFFC000  }
.Ltmp1:
0x92: {  	[bflag:$0x0] =	sbarrier.arrive $0xFFFF;
	(pc) =	sbr.rel @p0 .LBB2_1-.Ltmp1, $4  }
0x93: {  	[hbm:s11], [sflag:s22] =	dma.local [spmem:s23], $0x2800  }
0x94: {  	_ =	swait.ge [sflag:s15], $0x2800  }
0x95: {  	[sflag:s15] =	ssyncset.done $0x0  }
0x96: {  	[sflag:s15] =	ssyncadd.s32 $0xFFFFD800  }
0x97: {  	_ =	sfence.sel $0x180000  }
0x98: {  	[bflag:$0x0] =	sbarrier.arrive $0xFFFF  }
0x99: {  	p0 =	sne.s32 s0, $0x0;
	_ =	strace $0x90000047  }
0x9a: {  	s0 =	sadd.s32 @!p0 $0x100000, s1;
	[bflag:$0x2] =	sbarrier.arrive $0xFFFF  }
0x9b: {  	[sflag:s0] =	ssyncadd.tile.s32 @!p0 $0x1;
	_ =	shalt  }
.Lfunc_end2:
_tile_overlayer_lowered:
.L_overlay_start_2:
0x9c: {  	(tag) =	ssettag $0x2  }
0x9d: {  	s0 =	rddreg [dreg:$0x0];
	s2 =	stileid.u32  }
0x9e: {  	s1 =	rddreg [dreg:$0x1];
	p0 =	sne.s32 s2, $0x0  }
0x9f: {  	s3 =	rddreg [dreg:$0x2];
	[bflag:$0x3] =	sbarrier.arrive $0xFFFF;
	s2 =	simm.s32 @!p0 $0x1C02  }
0xa0: {  	[timem:s3], [sflag:s2] =	dma.local @!p0 [hbm:s0], s1  }
0xa1: {  	s0 =	simm.s32 @!p0 $0x2  }
0xa2: {  	_ =	swait.ge @!p0 [sflag:s0], s1  }
0xa3: {  	s1 =	ssub.s32 @!p0 $0x0, s1;
	[sflag:s0] =	ssyncset.done @!p0 $0x0  }
0xa4: {  	[sflag:s0] =	ssyncadd.s32 @!p0 s1  }
0xa5: {  	[bflag:$0x3] =	sbarrier.arrive $0xFFFF  }
0xa6: {  	_ =	shalt  }

// kernel: kernel.9.cloned.1.call-start
scs
__scs_entry_jumppad:
0x0: {  	(pc) =	sbr.rel $0x88, $3  }
0x1: {  	(tag) =	ssettag $0x0;
	lr =	simm.s32 $0x1  }
0x2: {  	[smem:$0x3F9D] =	sst lr;
	_ =	strace $0xD0000000  }
0x3: {  	_ = 	snop  }
0x4: {  	_ = 	snop  }
0x5: {  	_ = 	snop  }
0x6: {  	_ = 	snop  }
0x7: {  	_ = 	snop  }
__scs_overlays_trampoline_lowered:
0x8: {  	[smem:$0x3FAC] =	sst s0  }
0x9: {  	[smem:$0x3FAD] =	sst s1  }
0xa: {  	[smem:$0x3FAE] =	sst s2  }
0xb: {  	[smem:$0x3FAF] =	sst s3  }
0xc: {  	[smem:$0x3FB0] =	sst s4  }
0xd: {  	[smem:$0x3FB1] =	sst s5  }
0xe: {  	[smem:$0x3FB2] =	sst s6  }
0xf: {  	[smem:$0x3FB3] =	sst s7  }
0x10: {  	[smem:$0x3FB4] =	sst s8  }
0x11: {  	[smem:$0x3FB5] =	sst s9;
	s0 =	simm.s32 @!p0 $0x0  }
0x12: {  	s1 =	sld [smem:$0x3F9B];
	s0 =	simm.s32 @p0 $0x1  }
0x13: {  	[smem:$0x3FB6] =	sst s0;
	s0 =	simm.s32 @!p1 $0x0  }
0x14: {  	s2 =	sld [smem:$0x3F9A];
	s0 =	simm.s32 @p1 $0x1  }
0x15: {  	[smem:$0x3FB7] =	sst s0;
	s0 =	simm.s32 @!p2 $0x0  }
0x16: {  	s3 =	sld [smem:$0x3FDB];
	s0 =	simm.s32 @p2 $0x1  }
0x17: {  	s4 =	simm.s32 $0x1BF5;
	[smem:$0x3FB9] =	sst s0  }
0x18: {  	s0 =	sld [smem:$0x3F9C];
	_ =	swait.ge [sflag:s4], $0x0  }
0x19: {  	s7 =	sld [smem:$0x3F9D]  }
0x1a: {  	s8 =	sadd.s32 $0xFFFFE003, lr  }
0x1b: {  	s9 =	sadd.s32 $0xFFFFFEF7, lr;
	s5 =	simm.s32 $0xFFFFFFFF;
	p2 =	slt.u32 s8, $0xFFFFF086  }
0x1c: {  	p1 =	slt.u32 s9, $0xF7A;
	s5 =	simm.s32 @!p2 $0x0  }
0x1d: {  	s5 =	simm.s32 @p1 $0x1;
	p0 =	seq.s32 s7, s2  }
0x1e: {  	s7 =	smul.u32 @!p0 $0xF7A, s2;
	p2 =	seq.s32 @!p0 s5, $0x0  }
0x1f: {  	s9 =	smul.u32 $0xF7A, s1;
	s8 =	simm.s32 @!p0 $0x1BF5;
	p2 =	por !p2, p0  }
0x20: {  	[sflag:s8] =	ssyncset.s32 @!p0 $0xFFFFF086;
	s6 =	sadd.s32 @!p0 s3, s7;
	s7 =	simm.s32 @!p0 $0x108  }
0x21: {  	s3 =	sadd.s32 s3, s9;
	s6 =	sadd.s32 @!p0 $0x88, s6;
	s7 =	simm.s32 @p2 $0x1082  }
0x22: {  	[simem:s7], [sflag:s8] =	dma.local @!p0 [hbm:s6], $0xF7A  }
0x23: {  	s9 =	sor.u32 $0xD0000000, s2;
	s6 =	simm.s32 $0x108;
	_ =	swait.ge @!p0 [sflag:s8], $0x0  }
0x24: {  	s3 =	sadd.s32 $0x88, s3;
	s6 =	simm.s32 @!p1 $0x1082;
	[sflag:s4] =	ssyncset.s32 $0xFFFFF086  }
0x25: {  	[simem:s6], [sflag:s4] =	dma.local [hbm:s3], $0xF7A  }
0x26: {  	[smem:$0x3F9D] =	sst s1;
	(tag) =	ssettag s2;
	_ =	strace s9  }
0x27: {  	s1 =	sld [smem:$0x3FAD]  }
0x28: {  	s2 =	sld [smem:$0x3FAE]  }
0x29: {  	s4 =	sld [smem:$0x3FB0]  }
0x2a: {  	p0 =	seq.s32 s5, $0x0;
	s5 =	sld [smem:$0x3FB1]  }
0x2b: {  	s6 =	sld [smem:$0x3FB2]  }
0x2c: {  	s7 =	sld [smem:$0x3FB3]  }
0x2d: {  	s3 =	simm.s32 $0x108;
	s8 =	sld [smem:$0x3FB4]  }
0x2e: {  	s3 =	simm.s32 @!p0 $0x1082;
	s9 =	sld [smem:$0x3FB5]  }
0x2f: {  	lr =	sadd.s32 s0, s3;
	s0 =	sld [smem:$0x3FAC]  }
0x30: {  	s3 =	sld [smem:$0x3FAF]  }
0x31: {  	[smem:$0x3FB8] =	sst s10  }
0x32: {  	s10 =	sld [smem:$0x3FB6];
	_ =	sdelay $0x3  }
0x33: {  	p0 =	seq.s32 s10, $0x1;
	s10 =	sld [smem:$0x3FB8];
	_ =	sdelay $0x3  }
0x34: {  	[smem:$0x3FB8] =	sst s10  }
0x35: {  	s10 =	sld [smem:$0x3FB7];
	_ =	sdelay $0x3  }
0x36: {  	p1 =	seq.s32 s10, $0x1;
	s10 =	sld [smem:$0x3FB8];
	_ =	sdelay $0x3  }
0x37: {  	[smem:$0x3FB8] =	sst s10  }
0x38: {  	s10 =	sld [smem:$0x3FB9]  }
0x39: {  	_ = 	snop;
	(pc) =	sbr.ind lr, $3  }
0x3a: {  	_ = 	snop  }
0x3b: {  	_ = 	snop  }
0x3c: {  	p2 =	seq.s32 s10, $0x1;
	s10 =	sld [smem:$0x3FB8]  }
0x3d: {  	_ =	shalt  }
0x3e: {  	_ =	shalt  }
0x3f: {  	_ =	shalt  }
0x40: {  	_ =	shalt  }
0x41: {  	_ =	shalt  }
0x42: {  	_ =	shalt  }
0x43: {  	_ =	shalt  }
0x44: {  	_ =	shalt  }
0x45: {  	_ =	shalt  }
0x46: {  	_ =	shalt  }
0x47: {  	_ =	shalt  }
0x48: {  	_ =	shalt  }
0x49: {  	_ =	shalt  }
0x4a: {  	_ =	shalt  }
0x4b: {  	_ =	shalt  }
0x4c: {  	_ =	shalt  }
0x4d: {  	_ =	shalt  }
0x4e: {  	_ =	shalt  }
0x4f: {  	_ =	shalt  }
0x50: {  	_ =	shalt  }
0x51: {  	_ =	shalt  }
0x52: {  	_ =	shalt  }
0x53: {  	_ =	shalt  }
0x54: {  	_ =	shalt  }
0x55: {  	_ =	shalt  }
0x56: {  	_ =	shalt  }
0x57: {  	_ =	shalt  }
0x58: {  	_ =	shalt  }
0x59: {  	_ =	shalt  }
0x5a: {  	_ =	shalt  }
0x5b: {  	_ =	shalt  }
0x5c: {  	_ =	shalt  }
0x5d: {  	_ =	shalt  }
0x5e: {  	_ =	shalt  }
0x5f: {  	_ =	shalt  }
0x60: {  	_ =	shalt  }
0x61: {  	_ =	shalt  }
0x62: {  	_ =	shalt  }
0x63: {  	_ =	shalt  }
0x64: {  	_ =	shalt  }
0x65: {  	_ =	shalt  }
0x66: {  	_ =	shalt  }
0x67: {  	_ =	shalt  }
0x68: {  	_ =	shalt  }
0x69: {  	_ =	shalt  }
0x6a: {  	_ =	shalt  }
0x6b: {  	_ =	shalt  }
0x6c: {  	_ =	shalt  }
0x6d: {  	_ =	shalt  }
0x6e: {  	_ =	shalt  }
0x6f: {  	_ =	shalt  }
0x70: {  	_ =	shalt  }
0x71: {  	_ =	shalt  }
0x72: {  	_ =	shalt  }
0x73: {  	_ =	shalt  }
0x74: {  	_ =	shalt  }
0x75: {  	_ =	shalt  }
0x76: {  	_ =	shalt  }
0x77: {  	_ =	shalt  }
0x78: {  	_ =	shalt  }
0x79: {  	_ =	shalt  }
0x7a: {  	_ =	shalt  }
0x7b: {  	_ =	shalt  }
0x7c: {  	_ =	shalt  }
0x7d: {  	_ =	shalt  }
0x7e: {  	_ =	shalt  }
0x7f: {  	_ =	shalt  }
0x80: {  	_ =	shalt  }
0x81: {  	_ =	shalt  }
0x82: {  	_ =	shalt  }
0x83: {  	_ =	shalt  }
0x84: {  	_ =	shalt  }
0x85: {  	_ =	shalt  }
0x86: {  	_ =	shalt  }
0x87: {  	_ =	shalt  }
.Lfunc_end0:
.L_simem_size_0:
called_computation.1_lowered:
.L_overlay_start_0:
0x88: {  	s2 =	sld [smem:$0x3FD9]  }
0x89: {  	s3 =	sld [smem:$0x3FFE];
	_ =	sdelay $0x1  }
0x8a: {  	s1 =	srdreg.scid  }
0x8b: {  	s0 =	sand.u32 $0x1, s1  }
0x8c: {  	s17 =	sshll.u32 s0, $0xA;
	s2 =	sadd.s32 s3, s2  }
0x8d: {  	s2 =	sadd.s32 s2, s17  }
0x8e: {  	[smem:$0x3FC4] =	sst s2  }
0x8f: {  	_ = 	snop  }
0x90: {  	s2 =	sld [smem:$0x3FD0];
	(tm) =	ssettm $0x1  }
0x91: {  	s18 =	sld [smem:$0x3FFB];
	_ =	sdelay $0x3  }
0x92: {  	_ =	strace s18  }
0x93: {  	s3 =	sld [smem:$0x3FFC];
	_ =	sdelay $0x3  }
0x94: {  	_ =	strace s3  }
0x95: {  	s3 =	sld [smem:$0x3FFD];
	_ =	sdelay $0x3  }
0x96: {  	_ =	strace s3  }
0x97: {  	_ =	strace $0x8FFFFFFF  }
0x98: {  	s19 =	sld [smem:$0x3FDB];
	_ =	sdelay $0x1  }
0x99: {  	s4 =	simm.s32 $_scs_section_size  }
0x9a: {  	s5 =	simm.s32 $_size__tile_overlayer_lowered;
	s6 =	simm.s32 $_tile_overlayer_lowered  }
0x9b: {  	s22 =	simm.s32 $0x1BFF;
	s21 =	sshll.u32 s6, $0x1;
	s3 =	sadd.s32 s4, s19  }
0x9c: {  	s7 =	simm.s32 $0x0;
	s20 =	sshll.u32 s5, $0x1;
	s5 =	sadd.s32 s21, s3  }
0x9d: {  	[timem:s7], [sflag:s22] =	dma.local [hbm:s5], s20  }
0x9e: {  	_ =	swait.ge [sflag:s22], s20  }
0x9f: {  	s4 =	ssub.s32 $0x0, s20;
	[sflag:s22] =	ssyncset.done $0x0  }
0xa0: {  	[sflag:s22] =	ssyncadd.s32 s4;
	_ =	sdelay $0x1  }
0xa1: {  	s23 =	simm.s32 $0x1B8B  }
0xa2: {  	_ =	swait.ge [sflag:s23], $0x1  }
0xa3: {  	[sflag:s23] =	ssyncset.done $0x0  }
0xa4: {  	s25 =	simm.s32 $0x1B8E;
	s24 =	sld [smem:$0x3FFE];
	[sflag:s23] =	ssyncadd.s32 $0xFFFFFFFF  }
0xa5: {  	s26 =	simm.s32 $execute0_lowered;
	[smem:$0x3FD2] =	sst s25  }
0xa6: {  	s5 =	sshll.u32 s26, $0x1;
	_ =	strace $0x80000049;
	[dreg:$0x1] =	wrdreg $0xFFFFFFFF  }
0xa7: {  	s28 =	simm.s32 $_size_execute0_lowered;
	s3 =	sadd.s32 s3, s5;
	[dreg:$0x0] =	wrdreg $0x0  }
0xa8: {  	s5 =	sshll.u32 s28, $0x1;
	[dreg:$0x2] =	wrdreg s3  }
0xa9: {  	[dreg:$0x3] =	wrdreg s5  }
0xaa: {  	[dreg:$0x4] =	wrdreg $0xC0  }
0xab: {  	_ =	task [dreg:s7], $0x5FFFF  }
0xac: {  	[dreg:$0x1] =	wrdreg $0xFFFFFFFF  }
0xad: {  	[dreg:$0x0] =	wrdreg $0x60  }
0xae: {  	[dreg:$0x2] =	wrdreg s2  }
0xaf: {  	[dreg:$0x3] =	wrdreg s24  }
0xb0: {  	[dreg:$0x4] =	wrdreg $0xB8000  }
0xb1: {  	[dreg:$0x5] =	wrdreg $0x9  }
0xb2: {  	_ =	task.clear_ibuf [dreg:s7], $0x6FFFF;
	_ =	strace $0x90000049  }
0xb3: {  	s29 =	simm.s32 $0x9;
	_ =	strace $0x8000004B  }
0xb4: {  	_ =	swait.ge [sflag:s29], $0x1  }
0xb5: {  	[sflag:s29] =	ssyncadd.s32 $0xFFFFFFFF  }
0xb6: {  	_ =	strace $0x9000004B  }
0xb7: {  	_ =	sfence  }
0xb8: {  	s30 =	sld [smem:$0x0];
	_ =	sdelay $0x2  }
0xb9: {  	s31 =	sshll.u32 s1, $0xD;
	s1 =	sshrl.u32 s1, $0x2  }
0xba: {  	s3 =	sand.u32 $0x4000, s31;
	s1 =	sadd.s32 s1, s30  }
0xbb: {  	s0 =	sor.u32 s3, s0;
	s1 =	sshll.u32 s1, $0x11  }
0xbc: {  	s0 =	sor.u32 s1, s0  }
0xbd: {  	s0 =	sadd.s32 $0x8F2B, s0  }
0xbe: {  	[sflag:s0] =	ssyncadd.remote.s32 $0x1  }
0xbf: {  	_ =	sfence.sel $0xFFFF  }
0xc0: {  	[dreg:$0x0] =	wrdreg $0xFFFFFFFF;
	(pc) =	sbr.abs _section_cstart, $3  }
0xc1: {  	[dreg:$0x1] =	wrdreg $0xFFFFFFFF  }
0xc2: {  	_ =	task.clear_ibuf [dreg:s7], $0x2FFFF;
	_ =	strace $0x9FFFFFFF  }
0xc3: {  	(tm) =	ssettm $0x7FFFFFFF  }
tec
execute0_lowered:
.L_overlay_start_1:
0x0: {  	(tag) =	ssettag $0x1  }
0x1: {  	s0 =	srdreg.scid;
	s8 =	stileid.u32  }
0x2: {  	s0 =	sand.u32 $0x1, s0;
	s1 =	smul.u32 $0xA800, s8  }
0x3: {  	s4 =	rddreg [dreg:$0x0];
	s3 =	smul.u32 $0x5400, s0  }
0x4: {  	s5 =	rddreg [dreg:$0x1]  }
0x5: {  	s2 =	rddreg [dreg:$0x2];
	s1 =	sadd.s32 s3, s1;
	s3 =	simm.s32 $0x0  }
0x6: {  	s13 =	simm.s32 $0x80;
	[smem:$0x7FF] =	sst s3  }
0x7: {  	s14 =	simm.s32 $0x100;
	_ =	strace $0x8000004A;
	[dreg:$0x6] =	wrdreg s13  }
0x8: {  	s15 =	simm.s32 $0x180;
	[dreg:$0x7] =	wrdreg s14  }
0x9: {  	s16 =	simm.s32 $0x200;
	[dreg:$0x8] =	wrdreg s15  }
0xa: {  	s17 =	simm.s32 $0xC80;
	[dreg:$0x9] =	wrdreg s16  }
0xb: {  	s18 =	simm.s32 $0xD00;
	[dreg:$0xa] =	wrdreg s17  }
0xc: {  	s19 =	simm.s32 $0x280;
	[dreg:$0xb] =	wrdreg s18  }
0xd: {  	s20 =	simm.s32 $0xD80;
	[dreg:$0xc] =	wrdreg s19  }
0xe: {  	s21 =	simm.s32 $0x300;
	[dreg:$0xd] =	wrdreg s20  }
0xf: {  	s22 =	simm.s32 $0xE00;
	[dreg:$0xe] =	wrdreg s21  }
0x10: {  	s24 =	simm.s32 $0x380;
	[dreg:$0xf] =	wrdreg s22  }
0x11: {  	s25 =	simm.s32 $0xE80;
	[dreg:$0x10] =	wrdreg s24  }
0x12: {  	s26 =	simm.s32 $0x400;
	[dreg:$0x11] =	wrdreg s25  }
0x13: {  	s9 =	simm.s32 $0x480;
	s10 =	simm.s32 $0xF80;
	[dreg:$0x12] =	wrdreg s26  }
0x14: {  	s7 =	smul.u32 $0x28000, s0;
	s0 =	ssub.s32 $0x2, s0;
	[dreg:$0x14] =	wrdreg s9  }
0x15: {  	s12 =	simm.s32 $0x500;
	s11 =	sshrl.u32 s0, $0x1;
	[dreg:$0x15] =	wrdreg s10  }
0x16: {  	s0 =	ssub.s32 s0, s11;
	s11 =	simm.s32 $0x780;
	[dreg:$0x16] =	wrdreg s12  }
0x17: {  	s1 =	sshrl.u32 s1, $0x3;
	s0 =	smax.u32 s0, $0x1;
	[smem:$0x7EB] =	sst s11  }
0x18: {  	s6 =	sadd.s32 s1, s5;
	s1 =	sadd.s32 s1, s4;
	[smem:$0x7F3] =	sst s0  }
0x19: {  	s14 =	simm.s32 $0x1000;
	[dreg:$0x5] =	wrdreg s1  }
0x1a: {  	s15 =	simm.s32 $0x580;
	[dreg:$0x17] =	wrdreg s14  }
0x1b: {  	s17 =	simm.s32 $0x1080;
	[dreg:$0x18] =	wrdreg s15  }
0x1c: {  	s18 =	simm.s32 $0x600;
	[dreg:$0x19] =	wrdreg s17  }
0x1d: {  	s20 =	simm.s32 $0x1100;
	[dreg:$0x1a] =	wrdreg s18  }
0x1e: {  	s22 =	simm.s32 $0x680;
	[dreg:$0x1b] =	wrdreg s20  }
0x1f: {  	s24 =	simm.s32 $0x1180;
	[dreg:$0x1c] =	wrdreg s22  }
0x20: {  	s26 =	simm.s32 $0x700;
	[dreg:$0x1d] =	wrdreg s24  }
0x21: {  	s9 =	simm.s32 $0x1200;
	[dreg:$0x1e] =	wrdreg s26  }
0x22: {  	s28 =	simm.s32 $0x3;
	s6 =	sadd.s32 $0x60200, s6;
	[dreg:$0x1f] =	wrdreg s9  }
0x23: {  	s29 =	simm.s32 $0x6;
	s15 =	simm.s32 $0x800;
	[dreg:$0x4] =	wrdreg s6  }
0x24: {  	s30 =	simm.s32 $0x4;
	s17 =	simm.s32 $0x880;
	[smem:$0x7F0] =	sst s15  }
0x25: {  	s31 =	simm.s32 $0x7;
	s18 =	simm.s32 $0x1380;
	[smem:$0x7F4] =	sst s17  }
0x26: {  	s23 =	smul.u32 $0x2800, s8;
	s20 =	simm.s32 $0x1400;
	[smem:$0x7F5] =	sst s18  }
0x27: {  	s4 =	sadd.s32 $0x75200, s5;
	s22 =	simm.s32 $0x1480;
	[smem:$0x7F7] =	sst s20  }
0x28: {  	s13 =	smul.u32 $0x50000, s8;
	s24 =	simm.s32 $0x1500;
	[smem:$0x7F9] =	sst s22  }
0x29: {  	s0 =	simm.s32 $0x8;
	s26 =	simm.s32 $0x1580;
	[smem:$0x7FB] =	sst s24  }
0x2a: {  	s6 =	sadd.s32 s23, s7;
	s7 =	simm.s32 $0xF00;
	[smem:$0x7FD] =	sst s26  }
0x2b: {  	s16 =	sshrl.u32 s13, $0x2;
	s13 =	simm.s32 $0x1280;
	[dreg:$0x13] =	wrdreg s7  }
0x2c: {  	s5 =	sadd.s32 s6, s5;
	s6 =	sadd.s32 s16, s2;
	[smem:$0x7ED] =	sst s13  }
0x2d: {  	s11 =	simm.s32 $0x1680;
	s16 =	simm.s32 $0x1300;
	[smem:$0x7EE] =	sst s6  }
0x2e: {  	s1 =	simm.s32 $0x5;
	s19 =	sadd.s32 $0x2000, s6;
	[smem:$0x7F2] =	sst s16  }
0x2f: {  	s9 =	simm.s32 $0x1600;
	s21 =	sadd.s32 $0x4000, s6;
	[smem:$0x7E4] =	sst s19  }
0x30: {  	s17 =	simm.s32 $0x1800;
	s23 =	sadd.s32 $0x6000, s6;
	[smem:$0x7E5] =	sst s21  }
0x31: {  	s18 =	simm.s32 $0xB;
	s25 =	sadd.s32 $0x8000, s6;
	[smem:$0x7E6] =	sst s23  }
0x32: {  	s20 =	simm.s32 $0x40;
	s8 =	sadd.s32 $0xA000, s6;
	[smem:$0x7E7] =	sst s25  }
0x33: {  	s22 =	simm.s32 $0x5800;
	s10 =	sadd.s32 $0xC000, s6;
	[smem:$0x7E8] =	sst s8  }
0x34: {  	s24 =	simm.s32 $0x9800;
	s12 =	sadd.s32 $0xE000, s6;
	[smem:$0x7E9] =	sst s10  }
0x35: {  	s26 =	simm.s32 $0x2;
	s14 =	sadd.s32 $0x10000, s6;
	[smem:$0x7EA] =	sst s12  }
0x36: {  	s7 =	simm.s32 $0xA;
	s6 =	sadd.s32 $0x12000, s6;
	[smem:$0x7EC] =	sst s14  }
0x37: {  	s13 =	simm.s32 $0x1780;
	s5 =	sadd.s32 $0x9D200, s5;
	[smem:$0x7EF] =	sst s6  }
0x38: {  	[smem:$0x7F1] =	sst s5;
	s19 =	simm.s32 $0x900;
	s21 =	simm.s32 $0x980  }
0x39: {  	s23 =	simm.s32 $0xA00;
	s25 =	simm.s32 $0xA80;
	s6 =	simm.s32 $0x9  }
0x3a: {  	s8 =	simm.s32 $0xB00;
	s10 =	simm.s32 $0xB80;
	[smem:$0x7F6] =	sst s19  }
0x3b: {  	s12 =	simm.s32 $0x1700;
	s14 =	simm.s32 $0x0;
	[smem:$0x7F8] =	sst s21  }
0x3c: {  	s19 =	simm.s32 $0xC00;
	s21 =	simm.s32 $0x3800;
	[smem:$0x7FA] =	sst s23  }
0x3d: {  	v0 =	vimm.f32 $0.0e+00;
	s23 =	simm.s32 $0x7800;
	[smem:$0x7FC] =	sst s25;
	s25 =	simm.s32 $0x1  }
.LBB2_1:
0x3e: {  	s15 =	simm.s32 $0x0;
	s16 =	simm.s32 $0x200  }
.LBB2_2:
0x3f: {  	p0 =	sne.s32 s16, $0x7E00;
	[tilespmem:s15+$0x1870] =	vst v0  }
0x40: {  	[tilespmem:s15+$0x1800] =	vst v0  }
0x41: {  	[tilespmem:s15+$0x1810] =	vst v0  }
.Ltmp0:
0x42: {  	[tilespmem:s15+$0x1820] =	vst v0;
	(pc) =	sbr.rel @p0 .LBB2_2-.Ltmp0, $4  }
0x43: {  	[tilespmem:s15+$0x1830] =	vst v0  }
0x44: {  	[tilespmem:s15+$0x1840] =	vst v0  }
0x45: {  	[tilespmem:s15+$0x1850] =	vst v0  }
0x46: {  	[tilespmem:s15+$0x1860] =	vst v0;
	s15 =	sshra.s32 s16, $0x2;
	s16 =	sadd.s32 $0x200, s16  }
0x47: {  	[tilespmem:s15+$0x1870] =	vst v0  }
0x48: {  	[tilespmem:s15+$0x1800] =	vst v0  }
0x49: {  	[tilespmem:s15+$0x1810] =	vst v0  }
0x4a: {  	[tilespmem:s15+$0x1820] =	vst v0  }
0x4b: {  	[tilespmem:s15+$0x1830] =	vst v0  }
0x4c: {  	[tilespmem:s15+$0x1840] =	vst v0;
	s5 =	sld [smem:$0x7EE]  }
0x4d: {  	[tilespmem:s15+$0x1850] =	vst v0  }
0x4e: {  	[smem:$0x7E3] =	sst s14;
	[tilespmem:s15+$0x1860] =	vst v0  }
0x4f: {  	[spmem:s5] =	stream.linear.scatter [tilespmem:s17], [sflag:$0xB], $0x2000, $0x38;
	[tilespmem:$0x1F800] =	vst v63  }
0x50: {  	_ =	swait.ge [sflag:s18], $0x2000  }
0x51: {  	s16 =	sld [smem:$0x7E4]  }
0x52: {  	[sflag:s18] =	ssyncset.done $0x0  }
0x53: {  	[sflag:s18] =	ssyncadd.s32 $0xFFFFE000  }
0x54: {  	[spmem:s16] =	stream.linear.scatter [tilespmem:s17], [sflag:$0xB], $0x2000, $0x38;
	[tilespmem:$0x1F800] =	vst v63  }
0x55: {  	_ =	swait.ge [sflag:s18], $0x2000  }
0x56: {  	s14 =	sld [smem:$0x7E5]  }
0x57: {  	[sflag:s18] =	ssyncset.done $0x0  }
0x58: {  	[sflag:s18] =	ssyncadd.s32 $0xFFFFE000  }
0x59: {  	[spmem:s14] =	stream.linear.scatter [tilespmem:s17], [sflag:$0xB], $0x2000, $0x38;
	[tilespmem:$0x1F800] =	vst v63  }
0x5a: {  	_ =	swait.ge [sflag:s18], $0x2000  }
0x5b: {  	s15 =	sld [smem:$0x7E6]  }
0x5c: {  	[sflag:s18] =	ssyncset.done $0x0  }
0x5d: {  	[sflag:s18] =	ssyncadd.s32 $0xFFFFE000  }
0x5e: {  	[spmem:s15] =	stream.linear.scatter [tilespmem:s17], [sflag:$0xB], $0x2000, $0x38;
	[tilespmem:$0x1F800] =	vst v63  }
0x5f: {  	_ =	swait.ge [sflag:s18], $0x2000  }
0x60: {  	s16 =	sld [smem:$0x7E7]  }
0x61: {  	[sflag:s18] =	ssyncset.done $0x0  }
0x62: {  	[sflag:s18] =	ssyncadd.s32 $0xFFFFE000  }
0x63: {  	[spmem:s16] =	stream.linear.scatter [tilespmem:s17], [sflag:$0xB], $0x2000, $0x38;
	[tilespmem:$0x1F800] =	vst v63  }
0x64: {  	_ =	swait.ge [sflag:s18], $0x2000  }
0x65: {  	s14 =	sld [smem:$0x7E8]  }
0x66: {  	[sflag:s18] =	ssyncset.done $0x0  }
0x67: {  	[sflag:s18] =	ssyncadd.s32 $0xFFFFE000  }
0x68: {  	[spmem:s14] =	stream.linear.scatter [tilespmem:s17], [sflag:$0xB], $0x2000, $0x38;
	[tilespmem:$0x1F800] =	vst v63  }
0x69: {  	_ =	swait.ge [sflag:s18], $0x2000  }
0x6a: {  	s15 =	sld [smem:$0x7E9]  }
0x6b: {  	[sflag:s18] =	ssyncset.done $0x0  }
0x6c: {  	[sflag:s18] =	ssyncadd.s32 $0xFFFFE000  }
0x6d: {  	[spmem:s15] =	stream.linear.scatter [tilespmem:s17], [sflag:$0xB], $0x2000, $0x38;
	[tilespmem:$0x1F800] =	vst v63  }
0x6e: {  	_ =	swait.ge [sflag:s18], $0x2000  }
0x6f: {  	s16 =	sld [smem:$0x7EA]  }
0x70: {  	[sflag:s18] =	ssyncset.done $0x0  }
0x71: {  	[sflag:s18] =	ssyncadd.s32 $0xFFFFE000  }
0x72: {  	[spmem:s16] =	stream.linear.scatter [tilespmem:s17], [sflag:$0xB], $0x2000, $0x38;
	[tilespmem:$0x1F800] =	vst v63  }
0x73: {  	_ =	swait.ge [sflag:s18], $0x2000  }
0x74: {  	s14 =	sld [smem:$0x7EC]  }
0x75: {  	[sflag:s18] =	ssyncset.done $0x0  }
0x76: {  	[sflag:s18] =	ssyncadd.s32 $0xFFFFE000  }
0x77: {  	[spmem:s14] =	stream.linear.scatter [tilespmem:s17], [sflag:$0xB], $0x2000, $0x38;
	[tilespmem:$0x1F800] =	vst v63  }
0x78: {  	_ =	swait.ge [sflag:s18], $0x2000  }
0x79: {  	s15 =	sld [smem:$0x7EF]  }
0x7a: {  	[sflag:s18] =	ssyncset.done $0x0  }
0x7b: {  	[sflag:s18] =	ssyncadd.s32 $0xFFFFE000  }
0x7c: {  	[spmem:s15] =	stream.linear.scatter [tilespmem:s17], [sflag:$0xB], $0x2000, $0x38;
	[tilespmem:$0x1F800] =	vst v63  }
0x7d: {  	_ =	swait.ge [sflag:s18], $0x2000  }
0x7e: {  	[sflag:s18] =	ssyncset.done $0x0  }
0x7f: {  	[sflag:s18] =	ssyncadd.s32 $0xFFFFE000  }
0x80: {  	[bflag:$0x0] =	sbarrier.arrive $0xFFFF  }
0x81: {  	s16 =	rddreg [dreg:$0x5]  }
0x82: {  	s5 =	sadd.s32 $0x0, s16  }
0x83: {  	[tilespmem:s3], [sflag:$0xB] =	stream.linear.gather [hbm4b:s5+s3], $0xC00, $0x38;
	[tilespmem:$0x1F800] =	vst v63  }
0x84: {  	_ =	swait.ge [sflag:s18], $0xC00  }
0x85: {  	s14 =	rddreg [dreg:$0x4];
	[sflag:s18] =	ssyncset.done $0x0  }
0x86: {  	[sflag:s18] =	ssyncadd.s32 $0xFFFFF400;
	s5 =	sadd.s32 $0x0, s14  }
0x87: {  	[tilespmem:s19], [sflag:$0xB] =	stream.linear.gather [hbm4b:s5+s3], $0xC00, $0x38;
	[tilespmem:$0x1F800] =	vst v63  }
0x88: {  	_ =	swait.ge [sflag:s18], $0xC00  }
0x89: {  	[sflag:s18] =	ssyncset.done $0x0  }
0x8a: {  	[sflag:s18] =	ssyncadd.s32 $0xFFFFF400  }
0x8b: {  	[tilespmem:s17], [sflag:$0x1] =	stream.indirect.gather [hbm4b:s4+s20], $0x80, s3, s20, $0xb8;
	[tilespmem:$0x1F800] =	vst v63  }
0x8c: {  	s15 =	rddreg [dreg:$0x6]  }
0x8d: {  	[tilespmem:s21], [sflag:$0x2] =	stream.indirect.gather [hbm4b:s4+s20], $0x80, s15, s20, $0xb8;
	[tilespmem:$0x1F800] =	vst v63  }
0x8e: {  	s16 =	rddreg [dreg:$0x7]  }
0x8f: {  	[tilespmem:s22], [sflag:$0x3] =	stream.indirect.gather [hbm4b:s4+s20], $0x80, s16, s20, $0xb8;
	[tilespmem:$0x1F800] =	vst v63  }
0x90: {  	s14 =	rddreg [dreg:$0x8]  }
0x91: {  	[tilespmem:s23], [sflag:$0x4] =	stream.indirect.gather [hbm4b:s4+s20], $0x80, s14, s20, $0xb8;
	[tilespmem:$0x1F800] =	vst v63  }
0x92: {  	s16 =	rddreg [dreg:$0x9]  }
0x93: {  	[tilespmem:s24], [sflag:$0x5] =	stream.indirect.gather [hbm4b:s4+s20], $0x80, s16, s20, $0xb8;
	[tilespmem:$0x1F800] =	vst v63  }
0x94: {  	_ =	swait.ge [sflag:s25], $0x2000  }
0x95: {  	[sflag:s25] =	ssyncset.done $0x0  }
0x96: {  	[sflag:s25] =	ssyncadd.s32 $0xFFFFE000  }
0x97: {  	[spmem:s2] =	stream.indirect.scatter.add.f32 [tilespmem:s17], [sflag:$0x6], $0x80, s19, s20, $0xb8;
	[tilespmem:$0x1F800] =	vst v63  }
0x98: {  	_ =	swait.ge [sflag:s26], $0x2000  }
0x99: {  	[sflag:s26] =	ssyncset.done $0x0  }
0x9a: {  	s14 =	rddreg [dreg:$0xa];
	[sflag:s26] =	ssyncadd.s32 $0xFFFFE000  }
0x9b: {  	[spmem:s2] =	stream.indirect.scatter.add.f32 [tilespmem:s21], [sflag:$0x7], $0x80, s14, s20, $0xb8;
	[tilespmem:$0x1F800] =	vst v63  }
0x9c: {  	_ =	swait.ge [sflag:s28], $0x2000  }
0x9d: {  	[sflag:s28] =	ssyncset.done $0x0  }
0x9e: {  	s15 =	rddreg [dreg:$0xb];
	[sflag:s28] =	ssyncadd.s32 $0xFFFFE000  }
0x9f: {  	[spmem:s2] =	stream.indirect.scatter.add.f32 [tilespmem:s22], [sflag:$0x8], $0x80, s15, s20, $0xb8;
	[tilespmem:$0x1F800] =	vst v63  }
0xa0: {  	_ =	swait.ge [sflag:s29], $0x2000  }
0xa1: {  	[sflag:s29] =	ssyncset.done $0x0  }
0xa2: {  	s16 =	rddreg [dreg:$0xc];
	[sflag:s29] =	ssyncadd.s32 $0xFFFFE000  }
0xa3: {  	[tilespmem:s17], [sflag:$0x1] =	stream.indirect.gather [hbm4b:s4+s20], $0x80, s16, s20, $0xb8;
	[tilespmem:$0x1F800] =	vst v63  }
0xa4: {  	_ =	swait.ge [sflag:s30], $0x2000  }
0xa5: {  	[sflag:s30] =	ssyncset.done $0x0  }
0xa6: {  	s14 =	rddreg [dreg:$0xd];
	[sflag:s30] =	ssyncadd.s32 $0xFFFFE000  }
0xa7: {  	[spmem:s2] =	stream.indirect.scatter.add.f32 [tilespmem:s23], [sflag:$0x9], $0x80, s14, s20, $0xb8;
	[tilespmem:$0x1F800] =	vst v63  }
0xa8: {  	_ =	swait.ge [sflag:s31], $0x2000  }
0xa9: {  	[sflag:s31] =	ssyncset.done $0x0  }
0xaa: {  	s15 =	rddreg [dreg:$0xe];
	[sflag:s31] =	ssyncadd.s32 $0xFFFFE000  }
0xab: {  	[tilespmem:s21], [sflag:$0x2] =	stream.indirect.gather [hbm4b:s4+s20], $0x80, s15, s20, $0xb8;
	[tilespmem:$0x1F800] =	vst v63  }
0xac: {  	_ =	swait.ge [sflag:s1], $0x2000  }
0xad: {  	[sflag:s1] =	ssyncset.done $0x0  }
0xae: {  	s16 =	rddreg [dreg:$0xf];
	[sflag:s1] =	ssyncadd.s32 $0xFFFFE000  }
0xaf: {  	[spmem:s2] =	stream.indirect.scatter.add.f32 [tilespmem:s24], [sflag:$0xA], $0x80, s16, s20, $0xb8;
	[tilespmem:$0x1F800] =	vst v63  }
0xb0: {  	_ =	swait.ge [sflag:s0], $0x2000  }
0xb1: {  	[sflag:s0] =	ssyncset.done $0x0  }
0xb2: {  	s14 =	rddreg [dreg:$0x10];
	[sflag:s0] =	ssyncadd.s32 $0xFFFFE000  }
0xb3: {  	[tilespmem:s22], [sflag:$0x3] =	stream.indirect.gather [hbm4b:s4+s20], $0x80, s14, s20, $0xb8;
	[tilespmem:$0x1F800] =	vst v63  }
0xb4: {  	_ =	swait.ge [sflag:s25], $0x2000  }
0xb5: {  	[sflag:s25] =	ssyncset.done $0x0  }
0xb6: {  	s15 =	rddreg [dreg:$0x11];
	[sflag:s25] =	ssyncadd.s32 $0xFFFFE000  }
0xb7: {  	[spmem:s2] =	stream.indirect.scatter.add.f32 [tilespmem:s17], [sflag:$0x6], $0x80, s15, s20, $0xb8;
	[tilespmem:$0x1F800] =	vst v63  }
0xb8: {  	_ =	swait.ge [sflag:s6], $0x2000  }
0xb9: {  	[sflag:s6] =	ssyncset.done $0x0  }
0xba: {  	s16 =	rddreg [dreg:$0x12];
	[sflag:s6] =	ssyncadd.s32 $0xFFFFE000  }
0xbb: {  	[tilespmem:s23], [sflag:$0x4] =	stream.indirect.gather [hbm4b:s4+s20], $0x80, s16, s20, $0xb8;
	[tilespmem:$0x1F800] =	vst v63  }
0xbc: {  	_ =	swait.ge [sflag:s26], $0x2000  }
0xbd: {  	[sflag:s26] =	ssyncset.done $0x0  }
0xbe: {  	s14 =	rddreg [dreg:$0x13];
	[sflag:s26] =	ssyncadd.s32 $0xFFFFE000  }
0xbf: {  	[spmem:s2] =	stream.indirect.scatter.add.f32 [tilespmem:s21], [sflag:$0x7], $0x80, s14, s20, $0xb8;
	[tilespmem:$0x1F800] =	vst v63  }
0xc0: {  	_ =	swait.ge [sflag:s7], $0x2000  }
0xc1: {  	[sflag:s7] =	ssyncset.done $0x0  }
0xc2: {  	s15 =	rddreg [dreg:$0x14];
	[sflag:s7] =	ssyncadd.s32 $0xFFFFE000  }
0xc3: {  	[tilespmem:s24], [sflag:$0x5] =	stream.indirect.gather [hbm4b:s4+s20], $0x80, s15, s20, $0xb8;
	[tilespmem:$0x1F800] =	vst v63  }
0xc4: {  	_ =	swait.ge [sflag:s28], $0x2000  }
0xc5: {  	[sflag:s28] =	ssyncset.done $0x0  }
0xc6: {  	s16 =	rddreg [dreg:$0x15];
	[sflag:s28] =	ssyncadd.s32 $0xFFFFE000  }
0xc7: {  	[spmem:s2] =	stream.indirect.scatter.add.f32 [tilespmem:s22], [sflag:$0x8], $0x80, s16, s20, $0xb8;
	[tilespmem:$0x1F800] =	vst v63  }
0xc8: {  	_ =	swait.ge [sflag:s29], $0x2000  }
0xc9: {  	[sflag:s29] =	ssyncset.done $0x0  }
0xca: {  	s14 =	rddreg [dreg:$0x16];
	[sflag:s29] =	ssyncadd.s32 $0xFFFFE000  }
0xcb: {  	[tilespmem:s17], [sflag:$0x1] =	stream.indirect.gather [hbm4b:s4+s20], $0x80, s14, s20, $0xb8;
	[tilespmem:$0x1F800] =	vst v63  }
0xcc: {  	_ =	swait.ge [sflag:s30], $0x2000  }
0xcd: {  	[sflag:s30] =	ssyncset.done $0x0  }
0xce: {  	s15 =	rddreg [dreg:$0x17];
	[sflag:s30] =	ssyncadd.s32 $0xFFFFE000  }
0xcf: {  	[spmem:s2] =	stream.indirect.scatter.add.f32 [tilespmem:s23], [sflag:$0x9], $0x80, s15, s20, $0xb8;
	[tilespmem:$0x1F800] =	vst v63  }
0xd0: {  	_ =	swait.ge [sflag:s31], $0x2000  }
0xd1: {  	[sflag:s31] =	ssyncset.done $0x0  }
0xd2: {  	s16 =	rddreg [dreg:$0x18];
	[sflag:s31] =	ssyncadd.s32 $0xFFFFE000  }
0xd3: {  	[tilespmem:s21], [sflag:$0x2] =	stream.indirect.gather [hbm4b:s4+s20], $0x80, s16, s20, $0xb8;
	[tilespmem:$0x1F800] =	vst v63  }
0xd4: {  	_ =	swait.ge [sflag:s1], $0x2000  }
0xd5: {  	[sflag:s1] =	ssyncset.done $0x0  }
0xd6: {  	s14 =	rddreg [dreg:$0x19];
	[sflag:s1] =	ssyncadd.s32 $0xFFFFE000  }
0xd7: {  	[spmem:s2] =	stream.indirect.scatter.add.f32 [tilespmem:s24], [sflag:$0xA], $0x80, s14, s20, $0xb8;
	[tilespmem:$0x1F800] =	vst v63  }
0xd8: {  	_ =	swait.ge [sflag:s0], $0x2000  }
0xd9: {  	[sflag:s0] =	ssyncset.done $0x0  }
0xda: {  	s15 =	rddreg [dreg:$0x1a];
	[sflag:s0] =	ssyncadd.s32 $0xFFFFE000  }
0xdb: {  	[tilespmem:s22], [sflag:$0x3] =	stream.indirect.gather [hbm4b:s4+s20], $0x80, s15, s20, $0xb8;
	[tilespmem:$0x1F800] =	vst v63  }
0xdc: {  	_ =	swait.ge [sflag:s25], $0x2000  }
0xdd: {  	[sflag:s25] =	ssyncset.done $0x0  }
0xde: {  	s16 =	rddreg [dreg:$0x1b];
	[sflag:s25] =	ssyncadd.s32 $0xFFFFE000  }
0xdf: {  	[spmem:s2] =	stream.indirect.scatter.add.f32 [tilespmem:s17], [sflag:$0x6], $0x80, s16, s20, $0xb8;
	[tilespmem:$0x1F800] =	vst v63  }
0xe0: {  	_ =	swait.ge [sflag:s6], $0x2000  }
0xe1: {  	[sflag:s6] =	ssyncset.done $0x0  }
0xe2: {  	s14 =	rddreg [dreg:$0x1c];
	[sflag:s6] =	ssyncadd.s32 $0xFFFFE000  }
0xe3: {  	[tilespmem:s23], [sflag:$0x4] =	stream.indirect.gather [hbm4b:s4+s20], $0x80, s14, s20, $0xb8;
	[tilespmem:$0x1F800] =	vst v63  }
0xe4: {  	_ =	swait.ge [sflag:s26], $0x2000  }
0xe5: {  	[sflag:s26] =	ssyncset.done $0x0  }
0xe6: {  	s15 =	rddreg [dreg:$0x1d];
	[sflag:s26] =	ssyncadd.s32 $0xFFFFE000  }
0xe7: {  	[spmem:s2] =	stream.indirect.scatter.add.f32 [tilespmem:s21], [sflag:$0x7], $0x80, s15, s20, $0xb8;
	[tilespmem:$0x1F800] =	vst v63  }
0xe8: {  	_ =	swait.ge [sflag:s7], $0x2000  }
0xe9: {  	[sflag:s7] =	ssyncset.done $0x0  }
0xea: {  	s16 =	rddreg [dreg:$0x1e];
	[sflag:s7] =	ssyncadd.s32 $0xFFFFE000  }
0xeb: {  	[tilespmem:s24], [sflag:$0x5] =	stream.indirect.gather [hbm4b:s4+s20], $0x80, s16, s20, $0xb8;
	[tilespmem:$0x1F800] =	vst v63  }
0xec: {  	_ =	swait.ge [sflag:s28], $0x2000  }
0xed: {  	[sflag:s28] =	ssyncset.done $0x0  }
0xee: {  	s14 =	rddreg [dreg:$0x1f];
	[sflag:s28] =	ssyncadd.s32 $0xFFFFE000  }
0xef: {  	[spmem:s2] =	stream.indirect.scatter.add.f32 [tilespmem:s22], [sflag:$0x8], $0x80, s14, s20, $0xb8;
	[tilespmem:$0x1F800] =	vst v63  }
0xf0: {  	_ =	swait.ge [sflag:s29], $0x2000  }
0xf1: {  	s15 =	sld [smem:$0x7EB]  }
0xf2: {  	[sflag:s29] =	ssyncset.done $0x0  }
0xf3: {  	[sflag:s29] =	ssyncadd.s32 $0xFFFFE000  }
0xf4: {  	[tilespmem:s17], [sflag:$0x1] =	stream.indirect.gather [hbm4b:s4+s20], $0x80, s15, s20, $0xb8;
	[tilespmem:$0x1F800] =	vst v63  }
0xf5: {  	_ =	swait.ge [sflag:s30], $0x2000  }
0xf6: {  	s16 =	sld [smem:$0x7ED]  }
0xf7: {  	[sflag:s30] =	ssyncset.done $0x0  }
0xf8: {  	[sflag:s30] =	ssyncadd.s32 $0xFFFFE000  }
0xf9: {  	[spmem:s2] =	stream.indirect.scatter.add.f32 [tilespmem:s23], [sflag:$0x9], $0x80, s16, s20, $0xb8;
	[tilespmem:$0x1F800] =	vst v63  }
0xfa: {  	_ =	swait.ge [sflag:s31], $0x2000  }
0xfb: {  	s14 =	sld [smem:$0x7F0]  }
0xfc: {  	[sflag:s31] =	ssyncset.done $0x0  }
0xfd: {  	[sflag:s31] =	ssyncadd.s32 $0xFFFFE000  }
0xfe: {  	[tilespmem:s21], [sflag:$0x2] =	stream.indirect.gather [hbm4b:s4+s20], $0x80, s14, s20, $0xb8;
	[tilespmem:$0x1F800] =	vst v63  }
0xff: {  	_ =	swait.ge [sflag:s1], $0x2000  }
0x100: {  	s15 =	sld [smem:$0x7F2]  }
0x101: {  	[sflag:s1] =	ssyncset.done $0x0  }
0x102: {  	[sflag:s1] =	ssyncadd.s32 $0xFFFFE000  }
0x103: {  	[spmem:s2] =	stream.indirect.scatter.add.f32 [tilespmem:s24], [sflag:$0xA], $0x80, s15, s20, $0xb8;
	[tilespmem:$0x1F800] =	vst v63  }
0x104: {  	_ =	swait.ge [sflag:s0], $0x2000  }
0x105: {  	s16 =	sld [smem:$0x7F4]  }
0x106: {  	[sflag:s0] =	ssyncset.done $0x0  }
0x107: {  	[sflag:s0] =	ssyncadd.s32 $0xFFFFE000  }
0x108: {  	[tilespmem:s22], [sflag:$0x3] =	stream.indirect.gather [hbm4b:s4+s20], $0x80, s16, s20, $0xb8;
	[tilespmem:$0x1F800] =	vst v63  }
0x109: {  	_ =	swait.ge [sflag:s25], $0x2000  }
0x10a: {  	s14 =	sld [smem:$0x7F5]  }
0x10b: {  	[sflag:s25] =	ssyncset.done $0x0  }
0x10c: {  	[sflag:s25] =	ssyncadd.s32 $0xFFFFE000  }
0x10d: {  	[spmem:s2] =	stream.indirect.scatter.add.f32 [tilespmem:s17], [sflag:$0x6], $0x80, s14, s20, $0xb8;
	[tilespmem:$0x1F800] =	vst v63  }
0x10e: {  	_ =	swait.ge [sflag:s6], $0x2000  }
0x10f: {  	s15 =	sld [smem:$0x7F6]  }
0x110: {  	[sflag:s6] =	ssyncset.done $0x0  }
0x111: {  	[sflag:s6] =	ssyncadd.s32 $0xFFFFE000  }
0x112: {  	[tilespmem:s23], [sflag:$0x4] =	stream.indirect.gather [hbm4b:s4+s20], $0x80, s15, s20, $0xb8;
	[tilespmem:$0x1F800] =	vst v63  }
0x113: {  	_ =	swait.ge [sflag:s26], $0x2000  }
0x114: {  	s16 =	sld [smem:$0x7F7]  }
0x115: {  	[sflag:s26] =	ssyncset.done $0x0  }
0x116: {  	[sflag:s26] =	ssyncadd.s32 $0xFFFFE000  }
0x117: {  	[spmem:s2] =	stream.indirect.scatter.add.f32 [tilespmem:s21], [sflag:$0x7], $0x80, s16, s20, $0xb8;
	[tilespmem:$0x1F800] =	vst v63  }
0x118: {  	_ =	swait.ge [sflag:s7], $0x2000  }
0x119: {  	s14 =	sld [smem:$0x7F8]  }
0x11a: {  	[sflag:s7] =	ssyncset.done $0x0  }
0x11b: {  	[sflag:s7] =	ssyncadd.s32 $0xFFFFE000  }
0x11c: {  	[tilespmem:s24], [sflag:$0x5] =	stream.indirect.gather [hbm4b:s4+s20], $0x80, s14, s20, $0xb8;
	[tilespmem:$0x1F800] =	vst v63  }
0x11d: {  	_ =	swait.ge [sflag:s28], $0x2000  }
0x11e: {  	s15 =	sld [smem:$0x7F9]  }
0x11f: {  	[sflag:s28] =	ssyncset.done $0x0  }
0x120: {  	[sflag:s28] =	ssyncadd.s32 $0xFFFFE000  }
0x121: {  	[spmem:s2] =	stream.indirect.scatter.add.f32 [tilespmem:s22], [sflag:$0x8], $0x80, s15, s20, $0xb8;
	[tilespmem:$0x1F800] =	vst v63  }
0x122: {  	_ =	swait.ge [sflag:s29], $0x2000  }
0x123: {  	s16 =	sld [smem:$0x7FA]  }
0x124: {  	[sflag:s29] =	ssyncset.done $0x0  }
0x125: {  	[sflag:s29] =	ssyncadd.s32 $0xFFFFE000  }
0x126: {  	[tilespmem:s17], [sflag:$0x1] =	stream.indirect.gather [hbm4b:s4+s20], $0x80, s16, s20, $0xb8;
	[tilespmem:$0x1F800] =	vst v63  }
0x127: {  	_ =	swait.ge [sflag:s30], $0x2000  }
0x128: {  	s14 =	sld [smem:$0x7FB]  }
0x129: {  	[sflag:s30] =	ssyncset.done $0x0  }
0x12a: {  	[sflag:s30] =	ssyncadd.s32 $0xFFFFE000  }
0x12b: {  	[spmem:s2] =	stream.indirect.scatter.add.f32 [tilespmem:s23], [sflag:$0x9], $0x80, s14, s20, $0xb8;
	[tilespmem:$0x1F800] =	vst v63  }
0x12c: {  	_ =	swait.ge [sflag:s31], $0x2000  }
0x12d: {  	s15 =	sld [smem:$0x7FC]  }
0x12e: {  	[sflag:s31] =	ssyncset.done $0x0  }
0x12f: {  	[sflag:s31] =	ssyncadd.s32 $0xFFFFE000  }
0x130: {  	[tilespmem:s21], [sflag:$0x2] =	stream.indirect.gather [hbm4b:s4+s20], $0x80, s15, s20, $0xb8;
	[tilespmem:$0x1F800] =	vst v63  }
0x131: {  	_ =	swait.ge [sflag:s1], $0x2000  }
0x132: {  	s16 =	sld [smem:$0x7FD]  }
0x133: {  	[sflag:s1] =	ssyncset.done $0x0  }
0x134: {  	[sflag:s1] =	ssyncadd.s32 $0xFFFFE000  }
0x135: {  	[spmem:s2] =	stream.indirect.scatter.add.f32 [tilespmem:s24], [sflag:$0xA], $0x80, s16, s20, $0xb8;
	[tilespmem:$0x1F800] =	vst v63  }
0x136: {  	_ =	swait.ge [sflag:s0], $0x2000  }
0x137: {  	[sflag:s0] =	ssyncset.done $0x0  }
0x138: {  	[sflag:s0] =	ssyncadd.s32 $0xFFFFE000  }
0x139: {  	[tilespmem:s22], [sflag:$0x3] =	stream.indirect.gather [hbm4b:s4+s20], $0x80, s8, s20, $0xb8;
	[tilespmem:$0x1F800] =	vst v63  }
0x13a: {  	_ =	swait.ge [sflag:s25], $0x2000  }
0x13b: {  	[sflag:s25] =	ssyncset.done $0x0  }
0x13c: {  	[sflag:s25] =	ssyncadd.s32 $0xFFFFE000  }
0x13d: {  	[spmem:s2] =	stream.indirect.scatter.add.f32 [tilespmem:s17], [sflag:$0x6], $0x80, s9, s20, $0xb8;
	[tilespmem:$0x1F800] =	vst v63  }
0x13e: {  	_ =	swait.ge [sflag:s6], $0x2000  }
0x13f: {  	[sflag:s6] =	ssyncset.done $0x0  }
0x140: {  	[sflag:s6] =	ssyncadd.s32 $0xFFFFE000  }
0x141: {  	[tilespmem:s23], [sflag:$0x4] =	stream.indirect.gather [hbm4b:s4+s20], $0x80, s10, s20, $0xb8;
	[tilespmem:$0x1F800] =	vst v63  }
0x142: {  	_ =	swait.ge [sflag:s26], $0x2000  }
0x143: {  	[sflag:s26] =	ssyncset.done $0x0  }
0x144: {  	[sflag:s26] =	ssyncadd.s32 $0xFFFFE000  }
0x145: {  	[spmem:s2] =	stream.indirect.scatter.add.f32 [tilespmem:s21], [sflag:$0x7], $0x80, s11, s20, $0xb8;
	[tilespmem:$0x1F800] =	vst v63  }
0x146: {  	_ =	swait.ge [sflag:s28], $0x2000  }
0x147: {  	[sflag:s28] =	ssyncset.done $0x0  }
0x148: {  	[sflag:s28] =	ssyncadd.s32 $0xFFFFE000  }
0x149: {  	[spmem:s2] =	stream.indirect.scatter.add.f32 [tilespmem:s22], [sflag:$0x8], $0x80, s12, s20, $0xb8;
	[tilespmem:$0x1F800] =	vst v63  }
0x14a: {  	_ =	swait.ge [sflag:s30], $0x2000  }
0x14b: {  	[sflag:s30] =	ssyncset.done $0x0  }
0x14c: {  	[sflag:s30] =	ssyncadd.s32 $0xFFFFE000  }
0x14d: {  	[spmem:s2] =	stream.indirect.scatter.add.f32 [tilespmem:s23], [sflag:$0x9], $0x80, s13, s20, $0xb8;
	[tilespmem:$0x1F800] =	vst v63  }
0x14e: {  	_ =	swait.ge [sflag:s7], $0x2000  }
0x14f: {  	[sflag:s7] =	ssyncset.done $0x0  }
0x150: {  	[sflag:s7] =	ssyncadd.s32 $0xFFFFE000  }
0x151: {  	_ =	swait.ge [sflag:s29], $0x2000  }
0x152: {  	[sflag:s29] =	ssyncset.done $0x0  }
0x153: {  	[sflag:s29] =	ssyncadd.s32 $0xFFFFE000  }
0x154: {  	_ =	swait.ge [sflag:s31], $0x2000  }
0x155: {  	[sflag:s31] =	ssyncset.done $0x0  }
0x156: {  	[sflag:s31] =	ssyncadd.s32 $0xFFFFE000  }
0x157: {  	_ =	swait.ge [sflag:s0], $0x2000  }
0x158: {  	[sflag:s0] =	ssyncset.done $0x0  }
0x159: {  	[sflag:s0] =	ssyncadd.s32 $0xFFFFE000  }
0x15a: {  	s15 =	simm.s32 $0x180;
	_ =	swait.ge [sflag:s6], $0x2000  }
0x15b: {  	s16 =	simm.s32 $0x300;
	s5 =	rddreg [dreg:$0x5];
	[sflag:s6] =	ssyncset.done $0x0  }
.LBB2_4:
0x15c: {  	[sflag:s6] =	ssyncadd.s32 $0xFFFFE000;
	s5 =	sadd.s32 s15, s5  }
0x15d: {  	[tilespmem:s3], [sflag:$0xB] =	stream.linear.gather [hbm4b:s5+s3], $0xC00, $0x38;
	[tilespmem:$0x1F800] =	vst v63  }
0x15e: {  	_ =	swait.ge [sflag:s18], $0xC00  }
0x15f: {  	s5 =	rddreg [dreg:$0x4];
	[sflag:s18] =	ssyncset.done $0x0  }
0x160: {  	[sflag:s18] =	ssyncadd.s32 $0xFFFFF400;
	s5 =	sadd.s32 s15, s5  }
0x161: {  	[tilespmem:s19], [sflag:$0xB] =	stream.linear.gather [hbm4b:s5+s3], $0xC00, $0x38;
	[tilespmem:$0x1F800] =	vst v63  }
0x162: {  	_ =	swait.ge [sflag:s18], $0xC00  }
0x163: {  	[sflag:s18] =	ssyncset.done $0x0  }
0x164: {  	[sflag:s18] =	ssyncadd.s32 $0xFFFFF400  }
0x165: {  	[tilespmem:s17], [sflag:$0x1] =	stream.indirect.gather [hbm4b:s4+s20], $0x80, s3, s20, $0xb8;
	[tilespmem:$0x1F800] =	vst v63  }
0x166: {  	s14 =	smov.u32 s16;
	s5 =	rddreg [dreg:$0x6]  }
0x167: {  	[tilespmem:s21], [sflag:$0x2] =	stream.indirect.gather [hbm4b:s4+s20], $0x80, s5, s20, $0xb8;
	[tilespmem:$0x1F800] =	vst v63  }
0x168: {  	s15 =	smov.u32 s14;
	s14 =	rddreg [dreg:$0x7]  }
0x169: {  	[tilespmem:s22], [sflag:$0x3] =	stream.indirect.gather [hbm4b:s4+s20], $0x80, s14, s20, $0xb8;
	[tilespmem:$0x1F800] =	vst v63  }
0x16a: {  	s5 =	rddreg [dreg:$0x8]  }
0x16b: {  	[tilespmem:s23], [sflag:$0x4] =	stream.indirect.gather [hbm4b:s4+s20], $0x80, s5, s20, $0xb8;
	[tilespmem:$0x1F800] =	vst v63  }
0x16c: {  	s14 =	rddreg [dreg:$0x9]  }
0x16d: {  	[tilespmem:s24], [sflag:$0x5] =	stream.indirect.gather [hbm4b:s4+s20], $0x80, s14, s20, $0xb8;
	[tilespmem:$0x1F800] =	vst v63  }
0x16e: {  	_ =	swait.ge [sflag:s25], $0x2000  }
0x16f: {  	[sflag:s25] =	ssyncset.done $0x0  }
0x170: {  	[sflag:s25] =	ssyncadd.s32 $0xFFFFE000  }
0x171: {  	[spmem:s2] =	stream.indirect.scatter.add.f32 [tilespmem:s17], [sflag:$0x6], $0x80, s19, s20, $0xb8;
	[tilespmem:$0x1F800] =	vst v63  }
0x172: {  	_ =	swait.ge [sflag:s26], $0x2000  }
0x173: {  	[sflag:s26] =	ssyncset.done $0x0  }
0x174: {  	s14 =	rddreg [dreg:$0xa];
	[sflag:s26] =	ssyncadd.s32 $0xFFFFE000  }
0x175: {  	[spmem:s2] =	stream.indirect.scatter.add.f32 [tilespmem:s21], [sflag:$0x7], $0x80, s14, s20, $0xb8;
	[tilespmem:$0x1F800] =	vst v63  }
0x176: {  	_ =	swait.ge [sflag:s28], $0x2000  }
0x177: {  	[sflag:s28] =	ssyncset.done $0x0  }
0x178: {  	s14 =	rddreg [dreg:$0xb];
	[sflag:s28] =	ssyncadd.s32 $0xFFFFE000  }
0x179: {  	[spmem:s2] =	stream.indirect.scatter.add.f32 [tilespmem:s22], [sflag:$0x8], $0x80, s14, s20, $0xb8;
	[tilespmem:$0x1F800] =	vst v63  }
0x17a: {  	_ =	swait.ge [sflag:s29], $0x2000  }
0x17b: {  	[sflag:s29] =	ssyncset.done $0x0  }
0x17c: {  	s14 =	rddreg [dreg:$0xc];
	[sflag:s29] =	ssyncadd.s32 $0xFFFFE000  }
0x17d: {  	[tilespmem:s17], [sflag:$0x1] =	stream.indirect.gather [hbm4b:s4+s20], $0x80, s14, s20, $0xb8;
	[tilespmem:$0x1F800] =	vst v63  }
0x17e: {  	_ =	swait.ge [sflag:s30], $0x2000  }
0x17f: {  	[sflag:s30] =	ssyncset.done $0x0  }
0x180: {  	s14 =	rddreg [dreg:$0xd];
	[sflag:s30] =	ssyncadd.s32 $0xFFFFE000  }
0x181: {  	[spmem:s2] =	stream.indirect.scatter.add.f32 [tilespmem:s23], [sflag:$0x9], $0x80, s14, s20, $0xb8;
	[tilespmem:$0x1F800] =	vst v63  }
0x182: {  	_ =	swait.ge [sflag:s31], $0x2000  }
0x183: {  	[sflag:s31] =	ssyncset.done $0x0  }
0x184: {  	s14 =	rddreg [dreg:$0xe];
	[sflag:s31] =	ssyncadd.s32 $0xFFFFE000  }
0x185: {  	[tilespmem:s21], [sflag:$0x2] =	stream.indirect.gather [hbm4b:s4+s20], $0x80, s14, s20, $0xb8;
	[tilespmem:$0x1F800] =	vst v63  }
0x186: {  	_ =	swait.ge [sflag:s1], $0x2000  }
0x187: {  	[sflag:s1] =	ssyncset.done $0x0  }
0x188: {  	s14 =	rddreg [dreg:$0xf];
	[sflag:s1] =	ssyncadd.s32 $0xFFFFE000  }
0x189: {  	[spmem:s2] =	stream.indirect.scatter.add.f32 [tilespmem:s24], [sflag:$0xA], $0x80, s14, s20, $0xb8;
	[tilespmem:$0x1F800] =	vst v63  }
0x18a: {  	_ =	swait.ge [sflag:s0], $0x2000  }
0x18b: {  	[sflag:s0] =	ssyncset.done $0x0  }
0x18c: {  	s14 =	rddreg [dreg:$0x10];
	[sflag:s0] =	ssyncadd.s32 $0xFFFFE000  }
0x18d: {  	[tilespmem:s22], [sflag:$0x3] =	stream.indirect.gather [hbm4b:s4+s20], $0x80, s14, s20, $0xb8;
	[tilespmem:$0x1F800] =	vst v63  }
0x18e: {  	_ =	swait.ge [sflag:s25], $0x2000  }
0x18f: {  	[sflag:s25] =	ssyncset.done $0x0  }
0x190: {  	s14 =	rddreg [dreg:$0x11];
	[sflag:s25] =	ssyncadd.s32 $0xFFFFE000  }
0x191: {  	[spmem:s2] =	stream.indirect.scatter.add.f32 [tilespmem:s17], [sflag:$0x6], $0x80, s14, s20, $0xb8;
	[tilespmem:$0x1F800] =	vst v63  }
0x192: {  	_ =	swait.ge [sflag:s6], $0x2000  }
0x193: {  	[sflag:s6] =	ssyncset.done $0x0  }
0x194: {  	s14 =	rddreg [dreg:$0x12];
	[sflag:s6] =	ssyncadd.s32 $0xFFFFE000  }
0x195: {  	[tilespmem:s23], [sflag:$0x4] =	stream.indirect.gather [hbm4b:s4+s20], $0x80, s14, s20, $0xb8;
	[tilespmem:$0x1F800] =	vst v63  }
0x196: {  	_ =	swait.ge [sflag:s26], $0x2000  }
0x197: {  	[sflag:s26] =	ssyncset.done $0x0  }
0x198: {  	s14 =	rddreg [dreg:$0x13];
	[sflag:s26] =	ssyncadd.s32 $0xFFFFE000  }
0x199: {  	[spmem:s2] =	stream.indirect.scatter.add.f32 [tilespmem:s21], [sflag:$0x7], $0x80, s14, s20, $0xb8;
	[tilespmem:$0x1F800] =	vst v63  }
0x19a: {  	_ =	swait.ge [sflag:s7], $0x2000  }
0x19b: {  	[sflag:s7] =	ssyncset.done $0x0  }
0x19c: {  	s14 =	rddreg [dreg:$0x14];
	[sflag:s7] =	ssyncadd.s32 $0xFFFFE000  }
0x19d: {  	[tilespmem:s24], [sflag:$0x5] =	stream.indirect.gather [hbm4b:s4+s20], $0x80, s14, s20, $0xb8;
	[tilespmem:$0x1F800] =	vst v63  }
0x19e: {  	_ =	swait.ge [sflag:s28], $0x2000  }
0x19f: {  	[sflag:s28] =	ssyncset.done $0x0  }
0x1a0: {  	s14 =	rddreg [dreg:$0x15];
	[sflag:s28] =	ssyncadd.s32 $0xFFFFE000  }
0x1a1: {  	[spmem:s2] =	stream.indirect.scatter.add.f32 [tilespmem:s22], [sflag:$0x8], $0x80, s14, s20, $0xb8;
	[tilespmem:$0x1F800] =	vst v63  }
0x1a2: {  	_ =	swait.ge [sflag:s29], $0x2000  }
0x1a3: {  	[sflag:s29] =	ssyncset.done $0x0  }
0x1a4: {  	s14 =	rddreg [dreg:$0x16];
	[sflag:s29] =	ssyncadd.s32 $0xFFFFE000  }
0x1a5: {  	[tilespmem:s17], [sflag:$0x1] =	stream.indirect.gather [hbm4b:s4+s20], $0x80, s14, s20, $0xb8;
	[tilespmem:$0x1F800] =	vst v63  }
0x1a6: {  	_ =	swait.ge [sflag:s30], $0x2000  }
0x1a7: {  	[sflag:s30] =	ssyncset.done $0x0  }
0x1a8: {  	s14 =	rddreg [dreg:$0x17];
	[sflag:s30] =	ssyncadd.s32 $0xFFFFE000  }
0x1a9: {  	[spmem:s2] =	stream.indirect.scatter.add.f32 [tilespmem:s23], [sflag:$0x9], $0x80, s14, s20, $0xb8;
	[tilespmem:$0x1F800] =	vst v63  }
0x1aa: {  	_ =	swait.ge [sflag:s31], $0x2000  }
0x1ab: {  	[sflag:s31] =	ssyncset.done $0x0  }
0x1ac: {  	s14 =	rddreg [dreg:$0x18];
	[sflag:s31] =	ssyncadd.s32 $0xFFFFE000  }
0x1ad: {  	[tilespmem:s21], [sflag:$0x2] =	stream.indirect.gather [hbm4b:s4+s20], $0x80, s14, s20, $0xb8;
	[tilespmem:$0x1F800] =	vst v63  }
0x1ae: {  	_ =	swait.ge [sflag:s1], $0x2000  }
0x1af: {  	[sflag:s1] =	ssyncset.done $0x0  }
0x1b0: {  	s14 =	rddreg [dreg:$0x19];
	[sflag:s1] =	ssyncadd.s32 $0xFFFFE000  }
0x1b1: {  	[spmem:s2] =	stream.indirect.scatter.add.f32 [tilespmem:s24], [sflag:$0xA], $0x80, s14, s20, $0xb8;
	[tilespmem:$0x1F800] =	vst v63  }
0x1b2: {  	_ =	swait.ge [sflag:s0], $0x2000  }
0x1b3: {  	[sflag:s0] =	ssyncset.done $0x0  }
0x1b4: {  	s14 =	rddreg [dreg:$0x1a];
	[sflag:s0] =	ssyncadd.s32 $0xFFFFE000  }
0x1b5: {  	[tilespmem:s22], [sflag:$0x3] =	stream.indirect.gather [hbm4b:s4+s20], $0x80, s14, s20, $0xb8;
	[tilespmem:$0x1F800] =	vst v63  }
0x1b6: {  	_ =	swait.ge [sflag:s25], $0x2000  }
0x1b7: {  	[sflag:s25] =	ssyncset.done $0x0  }
0x1b8: {  	s14 =	rddreg [dreg:$0x1b];
	[sflag:s25] =	ssyncadd.s32 $0xFFFFE000  }
0x1b9: {  	[spmem:s2] =	stream.indirect.scatter.add.f32 [tilespmem:s17], [sflag:$0x6], $0x80, s14, s20, $0xb8;
	[tilespmem:$0x1F800] =	vst v63  }
0x1ba: {  	_ =	swait.ge [sflag:s6], $0x2000  }
0x1bb: {  	[sflag:s6] =	ssyncset.done $0x0  }
0x1bc: {  	s14 =	rddreg [dreg:$0x1c];
	[sflag:s6] =	ssyncadd.s32 $0xFFFFE000  }
0x1bd: {  	[tilespmem:s23], [sflag:$0x4] =	stream.indirect.gather [hbm4b:s4+s20], $0x80, s14, s20, $0xb8;
	[tilespmem:$0x1F800] =	vst v63  }
0x1be: {  	_ =	swait.ge [sflag:s26], $0x2000  }
0x1bf: {  	[sflag:s26] =	ssyncset.done $0x0  }
0x1c0: {  	s14 =	rddreg [dreg:$0x1d];
	[sflag:s26] =	ssyncadd.s32 $0xFFFFE000  }
0x1c1: {  	[spmem:s2] =	stream.indirect.scatter.add.f32 [tilespmem:s21], [sflag:$0x7], $0x80, s14, s20, $0xb8;
	[tilespmem:$0x1F800] =	vst v63  }
0x1c2: {  	_ =	swait.ge [sflag:s7], $0x2000  }
0x1c3: {  	[sflag:s7] =	ssyncset.done $0x0  }
0x1c4: {  	s14 =	rddreg [dreg:$0x1e];
	[sflag:s7] =	ssyncadd.s32 $0xFFFFE000  }
0x1c5: {  	[tilespmem:s24], [sflag:$0x5] =	stream.indirect.gather [hbm4b:s4+s20], $0x80, s14, s20, $0xb8;
	[tilespmem:$0x1F800] =	vst v63  }
0x1c6: {  	_ =	swait.ge [sflag:s28], $0x2000  }
0x1c7: {  	[sflag:s28] =	ssyncset.done $0x0  }
0x1c8: {  	s14 =	rddreg [dreg:$0x1f];
	[sflag:s28] =	ssyncadd.s32 $0xFFFFE000  }
0x1c9: {  	[spmem:s2] =	stream.indirect.scatter.add.f32 [tilespmem:s22], [sflag:$0x8], $0x80, s14, s20, $0xb8;
	[tilespmem:$0x1F800] =	vst v63  }
0x1ca: {  	_ =	swait.ge [sflag:s29], $0x2000  }
0x1cb: {  	s14 =	sld [smem:$0x7EB]  }
0x1cc: {  	[sflag:s29] =	ssyncset.done $0x0  }
0x1cd: {  	[sflag:s29] =	ssyncadd.s32 $0xFFFFE000  }
0x1ce: {  	[tilespmem:s17], [sflag:$0x1] =	stream.indirect.gather [hbm4b:s4+s20], $0x80, s14, s20, $0xb8;
	[tilespmem:$0x1F800] =	vst v63  }
0x1cf: {  	_ =	swait.ge [sflag:s30], $0x2000  }
0x1d0: {  	s14 =	sld [smem:$0x7ED]  }
0x1d1: {  	[sflag:s30] =	ssyncset.done $0x0  }
0x1d2: {  	[sflag:s30] =	ssyncadd.s32 $0xFFFFE000  }
0x1d3: {  	[spmem:s2] =	stream.indirect.scatter.add.f32 [tilespmem:s23], [sflag:$0x9], $0x80, s14, s20, $0xb8;
	[tilespmem:$0x1F800] =	vst v63  }
0x1d4: {  	_ =	swait.ge [sflag:s31], $0x2000  }
0x1d5: {  	s14 =	sld [smem:$0x7F0]  }
0x1d6: {  	[sflag:s31] =	ssyncset.done $0x0  }
0x1d7: {  	[sflag:s31] =	ssyncadd.s32 $0xFFFFE000  }
0x1d8: {  	[tilespmem:s21], [sflag:$0x2] =	stream.indirect.gather [hbm4b:s4+s20], $0x80, s14, s20, $0xb8;
	[tilespmem:$0x1F800] =	vst v63  }
0x1d9: {  	_ =	swait.ge [sflag:s1], $0x2000  }
0x1da: {  	s14 =	sld [smem:$0x7F2]  }
0x1db: {  	[sflag:s1] =	ssyncset.done $0x0  }
0x1dc: {  	[sflag:s1] =	ssyncadd.s32 $0xFFFFE000  }
0x1dd: {  	[spmem:s2] =	stream.indirect.scatter.add.f32 [tilespmem:s24], [sflag:$0xA], $0x80, s14, s20, $0xb8;
	[tilespmem:$0x1F800] =	vst v63  }
0x1de: {  	_ =	swait.ge [sflag:s0], $0x2000  }
0x1df: {  	s14 =	sld [smem:$0x7F4]  }
0x1e0: {  	[sflag:s0] =	ssyncset.done $0x0  }
0x1e1: {  	[sflag:s0] =	ssyncadd.s32 $0xFFFFE000  }
0x1e2: {  	[tilespmem:s22], [sflag:$0x3] =	stream.indirect.gather [hbm4b:s4+s20], $0x80, s14, s20, $0xb8;
	[tilespmem:$0x1F800] =	vst v63  }
0x1e3: {  	_ =	swait.ge [sflag:s25], $0x2000  }
0x1e4: {  	s14 =	sld [smem:$0x7F5]  }
0x1e5: {  	[sflag:s25] =	ssyncset.done $0x0  }
0x1e6: {  	[sflag:s25] =	ssyncadd.s32 $0xFFFFE000  }
0x1e7: {  	[spmem:s2] =	stream.indirect.scatter.add.f32 [tilespmem:s17], [sflag:$0x6], $0x80, s14, s20, $0xb8;
	[tilespmem:$0x1F800] =	vst v63  }
0x1e8: {  	_ =	swait.ge [sflag:s6], $0x2000  }
0x1e9: {  	s14 =	sld [smem:$0x7F6]  }
0x1ea: {  	[sflag:s6] =	ssyncset.done $0x0  }
0x1eb: {  	[sflag:s6] =	ssyncadd.s32 $0xFFFFE000  }
0x1ec: {  	[tilespmem:s23], [sflag:$0x4] =	stream.indirect.gather [hbm4b:s4+s20], $0x80, s14, s20, $0xb8;
	[tilespmem:$0x1F800] =	vst v63  }
0x1ed: {  	_ =	swait.ge [sflag:s26], $0x2000  }
0x1ee: {  	s14 =	sld [smem:$0x7F7]  }
0x1ef: {  	[sflag:s26] =	ssyncset.done $0x0  }
0x1f0: {  	[sflag:s26] =	ssyncadd.s32 $0xFFFFE000  }
0x1f1: {  	[spmem:s2] =	stream.indirect.scatter.add.f32 [tilespmem:s21], [sflag:$0x7], $0x80, s14, s20, $0xb8;
	[tilespmem:$0x1F800] =	vst v63  }
0x1f2: {  	_ =	swait.ge [sflag:s7], $0x2000  }
0x1f3: {  	s14 =	sld [smem:$0x7F8]  }
0x1f4: {  	[sflag:s7] =	ssyncset.done $0x0  }
0x1f5: {  	[sflag:s7] =	ssyncadd.s32 $0xFFFFE000  }
0x1f6: {  	[tilespmem:s24], [sflag:$0x5] =	stream.indirect.gather [hbm4b:s4+s20], $0x80, s14, s20, $0xb8;
	[tilespmem:$0x1F800] =	vst v63  }
0x1f7: {  	_ =	swait.ge [sflag:s28], $0x2000  }
0x1f8: {  	s14 =	sld [smem:$0x7F9]  }
0x1f9: {  	[sflag:s28] =	ssyncset.done $0x0  }
0x1fa: {  	[sflag:s28] =	ssyncadd.s32 $0xFFFFE000  }
0x1fb: {  	[spmem:s2] =	stream.indirect.scatter.add.f32 [tilespmem:s22], [sflag:$0x8], $0x80, s14, s20, $0xb8;
	[tilespmem:$0x1F800] =	vst v63  }
0x1fc: {  	_ =	swait.ge [sflag:s29], $0x2000  }
0x1fd: {  	s14 =	sld [smem:$0x7FA]  }
0x1fe: {  	[sflag:s29] =	ssyncset.done $0x0  }
0x1ff: {  	[sflag:s29] =	ssyncadd.s32 $0xFFFFE000  }
0x200: {  	[tilespmem:s17], [sflag:$0x1] =	stream.indirect.gather [hbm4b:s4+s20], $0x80, s14, s20, $0xb8;
	[tilespmem:$0x1F800] =	vst v63  }
0x201: {  	_ =	swait.ge [sflag:s30], $0x2000  }
0x202: {  	s14 =	sld [smem:$0x7FB]  }
0x203: {  	[sflag:s30] =	ssyncset.done $0x0  }
0x204: {  	[sflag:s30] =	ssyncadd.s32 $0xFFFFE000  }
0x205: {  	[spmem:s2] =	stream.indirect.scatter.add.f32 [tilespmem:s23], [sflag:$0x9], $0x80, s14, s20, $0xb8;
	[tilespmem:$0x1F800] =	vst v63  }
0x206: {  	_ =	swait.ge [sflag:s31], $0x2000  }
0x207: {  	s14 =	sld [smem:$0x7FC]  }
0x208: {  	[sflag:s31] =	ssyncset.done $0x0  }
0x209: {  	[sflag:s31] =	ssyncadd.s32 $0xFFFFE000  }
0x20a: {  	[tilespmem:s21], [sflag:$0x2] =	stream.indirect.gather [hbm4b:s4+s20], $0x80, s14, s20, $0xb8;
	[tilespmem:$0x1F800] =	vst v63  }
0x20b: {  	_ =	swait.ge [sflag:s1], $0x2000  }
0x20c: {  	s14 =	sld [smem:$0x7FD]  }
0x20d: {  	[sflag:s1] =	ssyncset.done $0x0  }
0x20e: {  	[sflag:s1] =	ssyncadd.s32 $0xFFFFE000  }
0x20f: {  	[spmem:s2] =	stream.indirect.scatter.add.f32 [tilespmem:s24], [sflag:$0xA], $0x80, s14, s20, $0xb8;
	[tilespmem:$0x1F800] =	vst v63  }
0x210: {  	_ =	swait.ge [sflag:s0], $0x2000  }
0x211: {  	[sflag:s0] =	ssyncset.done $0x0  }
0x212: {  	[sflag:s0] =	ssyncadd.s32 $0xFFFFE000  }
0x213: {  	[tilespmem:s22], [sflag:$0x3] =	stream.indirect.gather [hbm4b:s4+s20], $0x80, s8, s20, $0xb8;
	[tilespmem:$0x1F800] =	vst v63  }
0x214: {  	_ =	swait.ge [sflag:s25], $0x2000  }
0x215: {  	[sflag:s25] =	ssyncset.done $0x0  }
0x216: {  	[sflag:s25] =	ssyncadd.s32 $0xFFFFE000  }
0x217: {  	[spmem:s2] =	stream.indirect.scatter.add.f32 [tilespmem:s17], [sflag:$0x6], $0x80, s9, s20, $0xb8;
	[tilespmem:$0x1F800] =	vst v63  }
0x218: {  	_ =	swait.ge [sflag:s6], $0x2000  }
0x219: {  	[sflag:s6] =	ssyncset.done $0x0  }
0x21a: {  	[sflag:s6] =	ssyncadd.s32 $0xFFFFE000  }
0x21b: {  	[tilespmem:s23], [sflag:$0x4] =	stream.indirect.gather [hbm4b:s4+s20], $0x80, s10, s20, $0xb8;
	[tilespmem:$0x1F800] =	vst v63  }
0x21c: {  	_ =	swait.ge [sflag:s26], $0x2000  }
0x21d: {  	[sflag:s26] =	ssyncset.done $0x0  }
0x21e: {  	[sflag:s26] =	ssyncadd.s32 $0xFFFFE000  }
0x21f: {  	[spmem:s2] =	stream.indirect.scatter.add.f32 [tilespmem:s21], [sflag:$0x7], $0x80, s11, s20, $0xb8;
	[tilespmem:$0x1F800] =	vst v63  }
0x220: {  	_ =	swait.ge [sflag:s28], $0x2000  }
0x221: {  	[sflag:s28] =	ssyncset.done $0x0  }
0x222: {  	[sflag:s28] =	ssyncadd.s32 $0xFFFFE000  }
0x223: {  	[spmem:s2] =	stream.indirect.scatter.add.f32 [tilespmem:s22], [sflag:$0x8], $0x80, s12, s20, $0xb8;
	[tilespmem:$0x1F800] =	vst v63  }
0x224: {  	_ =	swait.ge [sflag:s30], $0x2000  }
0x225: {  	[sflag:s30] =	ssyncset.done $0x0  }
0x226: {  	[sflag:s30] =	ssyncadd.s32 $0xFFFFE000  }
0x227: {  	[spmem:s2] =	stream.indirect.scatter.add.f32 [tilespmem:s23], [sflag:$0x9], $0x80, s13, s20, $0xb8;
	[tilespmem:$0x1F800] =	vst v63  }
0x228: {  	_ =	swait.ge [sflag:s7], $0x2000  }
0x229: {  	[sflag:s7] =	ssyncset.done $0x0  }
0x22a: {  	[sflag:s7] =	ssyncadd.s32 $0xFFFFE000  }
0x22b: {  	_ =	swait.ge [sflag:s29], $0x2000  }
0x22c: {  	[sflag:s29] =	ssyncset.done $0x0  }
0x22d: {  	[sflag:s29] =	ssyncadd.s32 $0xFFFFE000  }
0x22e: {  	_ =	swait.ge [sflag:s31], $0x2000  }
0x22f: {  	[sflag:s31] =	ssyncset.done $0x0  }
0x230: {  	p0 =	sne.s32 s16, $0x900;
	[sflag:s31] =	ssyncadd.s32 $0xFFFFE000  }
.Ltmp1:
0x231: {  	_ =	swait.ge [sflag:s0], $0x2000;
	(pc) =	sbr.rel @p0 .LBB2_4-.Ltmp1, $4  }
0x232: {  	[sflag:s0] =	ssyncset.done $0x0  }
0x233: {  	[sflag:s0] =	ssyncadd.s32 $0xFFFFE000  }
0x234: {  	_ =	swait.ge [sflag:s6], $0x2000  }
0x235: {  	s16 =	sadd.s32 $0x180, s16;
	s5 =	rddreg [dreg:$0x5];
	[sflag:s6] =	ssyncset.done $0x0  }
0x236: {  	[sflag:s6] =	ssyncadd.s32 $0xFFFFE000;
	s5 =	sadd.s32 s15, s5  }
0x237: {  	[tilespmem:s3], [sflag:$0xB] =	stream.linear.gather [hbm4b:s5+s3], $0xC00, $0x38;
	[tilespmem:$0x1F800] =	vst v63  }
0x238: {  	_ =	swait.ge [sflag:s18], $0xC00  }
0x239: {  	s14 =	rddreg [dreg:$0x4];
	[sflag:s18] =	ssyncset.done $0x0  }
0x23a: {  	[sflag:s18] =	ssyncadd.s32 $0xFFFFF400;
	s5 =	sadd.s32 s15, s14  }
0x23b: {  	[tilespmem:s19], [sflag:$0xB] =	stream.linear.gather [hbm4b:s5+s3], $0xC00, $0x38;
	[tilespmem:$0x1F800] =	vst v63  }
0x23c: {  	_ =	swait.ge [sflag:s18], $0xC00  }
0x23d: {  	[sflag:s18] =	ssyncset.done $0x0  }
0x23e: {  	[sflag:s18] =	ssyncadd.s32 $0xFFFFF400  }
0x23f: {  	[tilespmem:s17], [sflag:$0x1] =	stream.indirect.gather [hbm4b:s4+s20], $0x80, s3, s20, $0xb8;
	[tilespmem:$0x1F800] =	vst v63  }
0x240: {  	s16 =	rddreg [dreg:$0x6]  }
0x241: {  	[tilespmem:s21], [sflag:$0x2] =	stream.indirect.gather [hbm4b:s4+s20], $0x80, s16, s20, $0xb8;
	[tilespmem:$0x1F800] =	vst v63  }
0x242: {  	s14 =	rddreg [dreg:$0x7]  }
0x243: {  	[tilespmem:s22], [sflag:$0x3] =	stream.indirect.gather [hbm4b:s4+s20], $0x80, s14, s20, $0xb8;
	[tilespmem:$0x1F800] =	vst v63  }
0x244: {  	s15 =	rddreg [dreg:$0x8]  }
0x245: {  	[tilespmem:s23], [sflag:$0x4] =	stream.indirect.gather [hbm4b:s4+s20], $0x80, s15, s20, $0xb8;
	[tilespmem:$0x1F800] =	vst v63  }
0x246: {  	s16 =	rddreg [dreg:$0x9]  }
0x247: {  	[tilespmem:s24], [sflag:$0x5] =	stream.indirect.gather [hbm4b:s4+s20], $0x80, s16, s20, $0xb8;
	[tilespmem:$0x1F800] =	vst v63  }
0x248: {  	_ =	swait.ge [sflag:s25], $0x2000  }
0x249: {  	[sflag:s25] =	ssyncset.done $0x0  }
0x24a: {  	[sflag:s25] =	ssyncadd.s32 $0xFFFFE000  }
0x24b: {  	[spmem:s2] =	stream.indirect.scatter.add.f32 [tilespmem:s17], [sflag:$0x6], $0x80, s19, s20, $0xb8;
	[tilespmem:$0x1F800] =	vst v63  }
0x24c: {  	_ =	swait.ge [sflag:s26], $0x2000  }
0x24d: {  	[sflag:s26] =	ssyncset.done $0x0  }
0x24e: {  	s14 =	rddreg [dreg:$0xa];
	[sflag:s26] =	ssyncadd.s32 $0xFFFFE000  }
0x24f: {  	[spmem:s2] =	stream.indirect.scatter.add.f32 [tilespmem:s21], [sflag:$0x7], $0x80, s14, s20, $0xb8;
	[tilespmem:$0x1F800] =	vst v63  }
0x250: {  	_ =	swait.ge [sflag:s28], $0x2000  }
0x251: {  	[sflag:s28] =	ssyncset.done $0x0  }
0x252: {  	s15 =	rddreg [dreg:$0xb];
	[sflag:s28] =	ssyncadd.s32 $0xFFFFE000  }
0x253: {  	[spmem:s2] =	stream.indirect.scatter.add.f32 [tilespmem:s22], [sflag:$0x8], $0x80, s15, s20, $0xb8;
	[tilespmem:$0x1F800] =	vst v63  }
0x254: {  	_ =	swait.ge [sflag:s29], $0x2000  }
0x255: {  	[sflag:s29] =	ssyncset.done $0x0  }
0x256: {  	s16 =	rddreg [dreg:$0xc];
	[sflag:s29] =	ssyncadd.s32 $0xFFFFE000  }
0x257: {  	[tilespmem:s17], [sflag:$0x1] =	stream.indirect.gather [hbm4b:s4+s20], $0x80, s16, s20, $0xb8;
	[tilespmem:$0x1F800] =	vst v63  }
0x258: {  	_ =	swait.ge [sflag:s30], $0x2000  }
0x259: {  	[sflag:s30] =	ssyncset.done $0x0  }
0x25a: {  	s14 =	rddreg [dreg:$0xd];
	[sflag:s30] =	ssyncadd.s32 $0xFFFFE000  }
0x25b: {  	[spmem:s2] =	stream.indirect.scatter.add.f32 [tilespmem:s23], [sflag:$0x9], $0x80, s14, s20, $0xb8;
	[tilespmem:$0x1F800] =	vst v63  }
0x25c: {  	_ =	swait.ge [sflag:s31], $0x2000  }
0x25d: {  	[sflag:s31] =	ssyncset.done $0x0  }
0x25e: {  	s15 =	rddreg [dreg:$0xe];
	[sflag:s31] =	ssyncadd.s32 $0xFFFFE000  }
0x25f: {  	[tilespmem:s21], [sflag:$0x2] =	stream.indirect.gather [hbm4b:s4+s20], $0x80, s15, s20, $0xb8;
	[tilespmem:$0x1F800] =	vst v63  }
0x260: {  	_ =	swait.ge [sflag:s1], $0x2000  }
0x261: {  	[sflag:s1] =	ssyncset.done $0x0  }
0x262: {  	s16 =	rddreg [dreg:$0xf];
	[sflag:s1] =	ssyncadd.s32 $0xFFFFE000  }
0x263: {  	[spmem:s2] =	stream.indirect.scatter.add.f32 [tilespmem:s24], [sflag:$0xA], $0x80, s16, s20, $0xb8;
	[tilespmem:$0x1F800] =	vst v63  }
0x264: {  	_ =	swait.ge [sflag:s0], $0x2000  }
0x265: {  	[sflag:s0] =	ssyncset.done $0x0  }
0x266: {  	s14 =	rddreg [dreg:$0x10];
	[sflag:s0] =	ssyncadd.s32 $0xFFFFE000  }
0x267: {  	[tilespmem:s22], [sflag:$0x3] =	stream.indirect.gather [hbm4b:s4+s20], $0x80, s14, s20, $0xb8;
	[tilespmem:$0x1F800] =	vst v63  }
0x268: {  	_ =	swait.ge [sflag:s25], $0x2000  }
0x269: {  	[sflag:s25] =	ssyncset.done $0x0  }
0x26a: {  	s15 =	rddreg [dreg:$0x11];
	[sflag:s25] =	ssyncadd.s32 $0xFFFFE000  }
0x26b: {  	[spmem:s2] =	stream.indirect.scatter.add.f32 [tilespmem:s17], [sflag:$0x6], $0x80, s15, s20, $0xb8;
	[tilespmem:$0x1F800] =	vst v63  }
0x26c: {  	_ =	swait.ge [sflag:s6], $0x2000  }
0x26d: {  	[sflag:s6] =	ssyncset.done $0x0  }
0x26e: {  	s16 =	rddreg [dreg:$0x12];
	[sflag:s6] =	ssyncadd.s32 $0xFFFFE000  }
0x26f: {  	[tilespmem:s23], [sflag:$0x4] =	stream.indirect.gather [hbm4b:s4+s20], $0x80, s16, s20, $0xb8;
	[tilespmem:$0x1F800] =	vst v63  }
0x270: {  	_ =	swait.ge [sflag:s26], $0x2000  }
0x271: {  	[sflag:s26] =	ssyncset.done $0x0  }
0x272: {  	s14 =	rddreg [dreg:$0x13];
	[sflag:s26] =	ssyncadd.s32 $0xFFFFE000  }
0x273: {  	[spmem:s2] =	stream.indirect.scatter.add.f32 [tilespmem:s21], [sflag:$0x7], $0x80, s14, s20, $0xb8;
	[tilespmem:$0x1F800] =	vst v63  }
0x274: {  	_ =	swait.ge [sflag:s7], $0x2000  }
0x275: {  	[sflag:s7] =	ssyncset.done $0x0  }
0x276: {  	s15 =	rddreg [dreg:$0x14];
	[sflag:s7] =	ssyncadd.s32 $0xFFFFE000  }
0x277: {  	[tilespmem:s24], [sflag:$0x5] =	stream.indirect.gather [hbm4b:s4+s20], $0x80, s15, s20, $0xb8;
	[tilespmem:$0x1F800] =	vst v63  }
0x278: {  	_ =	swait.ge [sflag:s28], $0x2000  }
0x279: {  	[sflag:s28] =	ssyncset.done $0x0  }
0x27a: {  	s16 =	rddreg [dreg:$0x15];
	[sflag:s28] =	ssyncadd.s32 $0xFFFFE000  }
0x27b: {  	[spmem:s2] =	stream.indirect.scatter.add.f32 [tilespmem:s22], [sflag:$0x8], $0x80, s16, s20, $0xb8;
	[tilespmem:$0x1F800] =	vst v63  }
0x27c: {  	_ =	swait.ge [sflag:s29], $0x2000  }
0x27d: {  	[sflag:s29] =	ssyncset.done $0x0  }
0x27e: {  	s14 =	rddreg [dreg:$0x16];
	[sflag:s29] =	ssyncadd.s32 $0xFFFFE000  }
0x27f: {  	[tilespmem:s17], [sflag:$0x1] =	stream.indirect.gather [hbm4b:s4+s20], $0x80, s14, s20, $0xb8;
	[tilespmem:$0x1F800] =	vst v63  }
0x280: {  	_ =	swait.ge [sflag:s30], $0x2000  }
0x281: {  	[sflag:s30] =	ssyncset.done $0x0  }
0x282: {  	s15 =	rddreg [dreg:$0x17];
	[sflag:s30] =	ssyncadd.s32 $0xFFFFE000  }
0x283: {  	[spmem:s2] =	stream.indirect.scatter.add.f32 [tilespmem:s23], [sflag:$0x9], $0x80, s15, s20, $0xb8;
	[tilespmem:$0x1F800] =	vst v63  }
0x284: {  	_ =	swait.ge [sflag:s31], $0x2000  }
0x285: {  	[sflag:s31] =	ssyncset.done $0x0  }
0x286: {  	s16 =	rddreg [dreg:$0x18];
	[sflag:s31] =	ssyncadd.s32 $0xFFFFE000  }
0x287: {  	[tilespmem:s21], [sflag:$0x2] =	stream.indirect.gather [hbm4b:s4+s20], $0x80, s16, s20, $0xb8;
	[tilespmem:$0x1F800] =	vst v63  }
0x288: {  	_ =	swait.ge [sflag:s1], $0x2000  }
0x289: {  	[sflag:s1] =	ssyncset.done $0x0  }
0x28a: {  	s14 =	rddreg [dreg:$0x19];
	[sflag:s1] =	ssyncadd.s32 $0xFFFFE000  }
0x28b: {  	[spmem:s2] =	stream.indirect.scatter.add.f32 [tilespmem:s24], [sflag:$0xA], $0x80, s14, s20, $0xb8;
	[tilespmem:$0x1F800] =	vst v63  }
0x28c: {  	_ =	swait.ge [sflag:s0], $0x2000  }
0x28d: {  	[sflag:s0] =	ssyncset.done $0x0  }
0x28e: {  	s15 =	rddreg [dreg:$0x1a];
	[sflag:s0] =	ssyncadd.s32 $0xFFFFE000  }
0x28f: {  	[tilespmem:s22], [sflag:$0x3] =	stream.indirect.gather [hbm4b:s4+s20], $0x80, s15, s20, $0xb8;
	[tilespmem:$0x1F800] =	vst v63  }
0x290: {  	_ =	swait.ge [sflag:s25], $0x2000  }
0x291: {  	[sflag:s25] =	ssyncset.done $0x0  }
0x292: {  	s16 =	rddreg [dreg:$0x1b];
	[sflag:s25] =	ssyncadd.s32 $0xFFFFE000  }
0x293: {  	[spmem:s2] =	stream.indirect.scatter.add.f32 [tilespmem:s17], [sflag:$0x6], $0x80, s16, s20, $0xb8;
	[tilespmem:$0x1F800] =	vst v63  }
0x294: {  	_ =	swait.ge [sflag:s6], $0x2000  }
0x295: {  	[sflag:s6] =	ssyncset.done $0x0  }
0x296: {  	s14 =	rddreg [dreg:$0x1c];
	[sflag:s6] =	ssyncadd.s32 $0xFFFFE000  }
0x297: {  	[tilespmem:s23], [sflag:$0x4] =	stream.indirect.gather [hbm4b:s4+s20], $0x80, s14, s20, $0xb8;
	[tilespmem:$0x1F800] =	vst v63  }
0x298: {  	_ =	swait.ge [sflag:s26], $0x2000  }
0x299: {  	[sflag:s26] =	ssyncset.done $0x0  }
0x29a: {  	s15 =	rddreg [dreg:$0x1d];
	[sflag:s26] =	ssyncadd.s32 $0xFFFFE000  }
0x29b: {  	[spmem:s2] =	stream.indirect.scatter.add.f32 [tilespmem:s21], [sflag:$0x7], $0x80, s15, s20, $0xb8;
	[tilespmem:$0x1F800] =	vst v63  }
0x29c: {  	_ =	swait.ge [sflag:s7], $0x2000  }
0x29d: {  	[sflag:s7] =	ssyncset.done $0x0  }
0x29e: {  	s16 =	rddreg [dreg:$0x1e];
	[sflag:s7] =	ssyncadd.s32 $0xFFFFE000  }
0x29f: {  	[tilespmem:s24], [sflag:$0x5] =	stream.indirect.gather [hbm4b:s4+s20], $0x80, s16, s20, $0xb8;
	[tilespmem:$0x1F800] =	vst v63  }
0x2a0: {  	_ =	swait.ge [sflag:s28], $0x2000  }
0x2a1: {  	[sflag:s28] =	ssyncset.done $0x0  }
0x2a2: {  	s14 =	rddreg [dreg:$0x1f];
	[sflag:s28] =	ssyncadd.s32 $0xFFFFE000  }
0x2a3: {  	[spmem:s2] =	stream.indirect.scatter.add.f32 [tilespmem:s22], [sflag:$0x8], $0x80, s14, s20, $0xb8;
	[tilespmem:$0x1F800] =	vst v63  }
0x2a4: {  	_ =	swait.ge [sflag:s29], $0x2000  }
0x2a5: {  	s15 =	sld [smem:$0x7EB]  }
0x2a6: {  	[sflag:s29] =	ssyncset.done $0x0  }
0x2a7: {  	[sflag:s29] =	ssyncadd.s32 $0xFFFFE000  }
0x2a8: {  	[tilespmem:s17], [sflag:$0x1] =	stream.indirect.gather [hbm4b:s4+s20], $0x80, s15, s20, $0xb8;
	[tilespmem:$0x1F800] =	vst v63  }
0x2a9: {  	_ =	swait.ge [sflag:s30], $0x2000  }
0x2aa: {  	s16 =	sld [smem:$0x7ED]  }
0x2ab: {  	[sflag:s30] =	ssyncset.done $0x0  }
0x2ac: {  	[sflag:s30] =	ssyncadd.s32 $0xFFFFE000  }
0x2ad: {  	[spmem:s2] =	stream.indirect.scatter.add.f32 [tilespmem:s23], [sflag:$0x9], $0x80, s16, s20, $0xb8;
	[tilespmem:$0x1F800] =	vst v63  }
0x2ae: {  	_ =	swait.ge [sflag:s31], $0x2000  }
0x2af: {  	s14 =	sld [smem:$0x7F0]  }
0x2b0: {  	[sflag:s31] =	ssyncset.done $0x0  }
0x2b1: {  	[sflag:s31] =	ssyncadd.s32 $0xFFFFE000  }
0x2b2: {  	[tilespmem:s21], [sflag:$0x2] =	stream.indirect.gather [hbm4b:s4+s20], $0x80, s14, s20, $0xb8;
	[tilespmem:$0x1F800] =	vst v63  }
0x2b3: {  	_ =	swait.ge [sflag:s1], $0x2000  }
0x2b4: {  	s15 =	sld [smem:$0x7F2]  }
0x2b5: {  	[sflag:s1] =	ssyncset.done $0x0  }
0x2b6: {  	[sflag:s1] =	ssyncadd.s32 $0xFFFFE000  }
0x2b7: {  	[spmem:s2] =	stream.indirect.scatter.add.f32 [tilespmem:s24], [sflag:$0xA], $0x80, s15, s20, $0xb8;
	[tilespmem:$0x1F800] =	vst v63  }
0x2b8: {  	_ =	swait.ge [sflag:s0], $0x2000  }
0x2b9: {  	s16 =	sld [smem:$0x7F4]  }
0x2ba: {  	[sflag:s0] =	ssyncset.done $0x0  }
0x2bb: {  	[sflag:s0] =	ssyncadd.s32 $0xFFFFE000  }
0x2bc: {  	[tilespmem:s22], [sflag:$0x3] =	stream.indirect.gather [hbm4b:s4+s20], $0x80, s16, s20, $0xb8;
	[tilespmem:$0x1F800] =	vst v63  }
0x2bd: {  	_ =	swait.ge [sflag:s25], $0x2000  }
0x2be: {  	s14 =	sld [smem:$0x7F5]  }
0x2bf: {  	[sflag:s25] =	ssyncset.done $0x0  }
0x2c0: {  	[sflag:s25] =	ssyncadd.s32 $0xFFFFE000  }
0x2c1: {  	[spmem:s2] =	stream.indirect.scatter.add.f32 [tilespmem:s17], [sflag:$0x6], $0x80, s14, s20, $0xb8;
	[tilespmem:$0x1F800] =	vst v63  }
0x2c2: {  	_ =	swait.ge [sflag:s6], $0x2000  }
0x2c3: {  	s15 =	sld [smem:$0x7F6]  }
0x2c4: {  	[sflag:s6] =	ssyncset.done $0x0  }
0x2c5: {  	[sflag:s6] =	ssyncadd.s32 $0xFFFFE000  }
0x2c6: {  	[tilespmem:s23], [sflag:$0x4] =	stream.indirect.gather [hbm4b:s4+s20], $0x80, s15, s20, $0xb8;
	[tilespmem:$0x1F800] =	vst v63  }
0x2c7: {  	_ =	swait.ge [sflag:s26], $0x2000  }
0x2c8: {  	s16 =	sld [smem:$0x7F7]  }
0x2c9: {  	[sflag:s26] =	ssyncset.done $0x0  }
0x2ca: {  	[sflag:s26] =	ssyncadd.s32 $0xFFFFE000  }
0x2cb: {  	[spmem:s2] =	stream.indirect.scatter.add.f32 [tilespmem:s21], [sflag:$0x7], $0x80, s16, s20, $0xb8;
	[tilespmem:$0x1F800] =	vst v63  }
0x2cc: {  	_ =	swait.ge [sflag:s7], $0x2000  }
0x2cd: {  	s14 =	sld [smem:$0x7F8]  }
0x2ce: {  	[sflag:s7] =	ssyncset.done $0x0  }
0x2cf: {  	[sflag:s7] =	ssyncadd.s32 $0xFFFFE000  }
0x2d0: {  	[tilespmem:s24], [sflag:$0x5] =	stream.indirect.gather [hbm4b:s4+s20], $0x80, s14, s20, $0xb8;
	[tilespmem:$0x1F800] =	vst v63  }
0x2d1: {  	_ =	swait.ge [sflag:s28], $0x2000  }
0x2d2: {  	s15 =	sld [smem:$0x7F9]  }
0x2d3: {  	[sflag:s28] =	ssyncset.done $0x0  }
0x2d4: {  	[sflag:s28] =	ssyncadd.s32 $0xFFFFE000  }
0x2d5: {  	[spmem:s2] =	stream.indirect.scatter.add.f32 [tilespmem:s22], [sflag:$0x8], $0x80, s15, s20, $0xb8;
	[tilespmem:$0x1F800] =	vst v63  }
0x2d6: {  	_ =	swait.ge [sflag:s29], $0x2000  }
0x2d7: {  	s16 =	sld [smem:$0x7FA]  }
0x2d8: {  	[sflag:s29] =	ssyncset.done $0x0  }
0x2d9: {  	[sflag:s29] =	ssyncadd.s32 $0xFFFFE000  }
0x2da: {  	[tilespmem:s17], [sflag:$0x1] =	stream.indirect.gather [hbm4b:s4+s20], $0x80, s16, s20, $0xb8;
	[tilespmem:$0x1F800] =	vst v63  }
0x2db: {  	_ =	swait.ge [sflag:s30], $0x2000  }
0x2dc: {  	s14 =	sld [smem:$0x7FB]  }
0x2dd: {  	[sflag:s30] =	ssyncset.done $0x0  }
0x2de: {  	[sflag:s30] =	ssyncadd.s32 $0xFFFFE000  }
0x2df: {  	[spmem:s2] =	stream.indirect.scatter.add.f32 [tilespmem:s23], [sflag:$0x9], $0x80, s14, s20, $0xb8;
	[tilespmem:$0x1F800] =	vst v63  }
0x2e0: {  	_ =	swait.ge [sflag:s31], $0x2000  }
0x2e1: {  	s15 =	sld [smem:$0x7FC]  }
0x2e2: {  	[sflag:s31] =	ssyncset.done $0x0  }
0x2e3: {  	[sflag:s31] =	ssyncadd.s32 $0xFFFFE000  }
0x2e4: {  	[tilespmem:s21], [sflag:$0x2] =	stream.indirect.gather [hbm4b:s4+s20], $0x80, s15, s20, $0xb8;
	[tilespmem:$0x1F800] =	vst v63  }
0x2e5: {  	_ =	swait.ge [sflag:s1], $0x2000  }
0x2e6: {  	s16 =	sld [smem:$0x7FD]  }
0x2e7: {  	[sflag:s1] =	ssyncset.done $0x0  }
0x2e8: {  	[sflag:s1] =	ssyncadd.s32 $0xFFFFE000  }
0x2e9: {  	[spmem:s2] =	stream.indirect.scatter.add.f32 [tilespmem:s24], [sflag:$0xA], $0x80, s16, s20, $0xb8;
	[tilespmem:$0x1F800] =	vst v63  }
0x2ea: {  	_ =	swait.ge [sflag:s0], $0x2000  }
0x2eb: {  	[sflag:s0] =	ssyncset.done $0x0  }
0x2ec: {  	[sflag:s0] =	ssyncadd.s32 $0xFFFFE000  }
0x2ed: {  	[tilespmem:s22], [sflag:$0x3] =	stream.indirect.gather [hbm4b:s4+s20], $0x80, s8, s20, $0xb8;
	[tilespmem:$0x1F800] =	vst v63  }
0x2ee: {  	_ =	swait.ge [sflag:s25], $0x2000  }
0x2ef: {  	[sflag:s25] =	ssyncset.done $0x0  }
0x2f0: {  	[sflag:s25] =	ssyncadd.s32 $0xFFFFE000  }
0x2f1: {  	[spmem:s2] =	stream.indirect.scatter.add.f32 [tilespmem:s17], [sflag:$0x6], $0x80, s9, s20, $0xb8;
	[tilespmem:$0x1F800] =	vst v63  }
0x2f2: {  	_ =	swait.ge [sflag:s6], $0x2000  }
0x2f3: {  	[sflag:s6] =	ssyncset.done $0x0  }
0x2f4: {  	[sflag:s6] =	ssyncadd.s32 $0xFFFFE000  }
0x2f5: {  	[tilespmem:s23], [sflag:$0x4] =	stream.indirect.gather [hbm4b:s4+s20], $0x80, s10, s20, $0xb8;
	[tilespmem:$0x1F800] =	vst v63  }
0x2f6: {  	_ =	swait.ge [sflag:s26], $0x2000  }
0x2f7: {  	[sflag:s26] =	ssyncset.done $0x0  }
0x2f8: {  	[sflag:s26] =	ssyncadd.s32 $0xFFFFE000  }
0x2f9: {  	[spmem:s2] =	stream.indirect.scatter.add.f32 [tilespmem:s21], [sflag:$0x7], $0x80, s11, s20, $0xb8;
	[tilespmem:$0x1F800] =	vst v63  }
0x2fa: {  	_ =	swait.ge [sflag:s28], $0x2000  }
0x2fb: {  	[sflag:s28] =	ssyncset.done $0x0  }
0x2fc: {  	[sflag:s28] =	ssyncadd.s32 $0xFFFFE000  }
0x2fd: {  	[spmem:s2] =	stream.indirect.scatter.add.f32 [tilespmem:s22], [sflag:$0x8], $0x80, s12, s20, $0xb8;
	[tilespmem:$0x1F800] =	vst v63  }
0x2fe: {  	_ =	swait.ge [sflag:s30], $0x2000  }
0x2ff: {  	[sflag:s30] =	ssyncset.done $0x0  }
0x300: {  	[sflag:s30] =	ssyncadd.s32 $0xFFFFE000  }
0x301: {  	[spmem:s2] =	stream.indirect.scatter.add.f32 [tilespmem:s23], [sflag:$0x9], $0x80, s13, s20, $0xb8;
	[tilespmem:$0x1F800] =	vst v63  }
0x302: {  	_ =	swait.ge [sflag:s7], $0x2000  }
0x303: {  	[sflag:s7] =	ssyncset.done $0x0  }
0x304: {  	[sflag:s7] =	ssyncadd.s32 $0xFFFFE000  }
0x305: {  	_ =	swait.ge [sflag:s29], $0x2000  }
0x306: {  	[sflag:s29] =	ssyncset.done $0x0  }
0x307: {  	[sflag:s29] =	ssyncadd.s32 $0xFFFFE000  }
0x308: {  	_ =	swait.ge [sflag:s31], $0x2000  }
0x309: {  	[sflag:s31] =	ssyncset.done $0x0  }
0x30a: {  	[sflag:s31] =	ssyncadd.s32 $0xFFFFE000  }
0x30b: {  	_ =	swait.ge [sflag:s0], $0x2000  }
0x30c: {  	[sflag:s0] =	ssyncset.done $0x0  }
0x30d: {  	[sflag:s0] =	ssyncadd.s32 $0xFFFFE000  }
0x30e: {  	_ =	swait.ge [sflag:s6], $0x2000  }
0x30f: {  	[sflag:s6] =	ssyncset.done $0x0  }
0x310: {  	[sflag:s6] =	ssyncadd.s32 $0xFFFFE000  }
0x311: {  	[bflag:$0x0] =	sbarrier.arrive $0xFFFF  }
0x312: {  	s15 =	sld [smem:$0x7EE]  }
0x313: {  	s14 =	stileid.u32;
	s16 =	sld [smem:$0x7F1]  }
0x314: {  	s5 =	sshll.u32 s14, $0x6  }
0x315: {  	s5 =	sor.u32 $0x1C0B, s5;
	s14 =	sshrl.u32 s15, $0x3  }
0x316: {  	[hbm:s16], [sflag:s5] =	dma.local [spmem:s14], $0x2800  }
0x317: {  	_ =	swait.ge [sflag:s18], $0x2800  }
0x318: {  	s15 =	sld [smem:$0x7E3]  }
0x319: {  	s16 =	sld [smem:$0x7F3];
	_ =	sdelay $0x1  }
0x31a: {  	s14 =	sadd.s32 $0x1, s15  }
0x31b: {  	p0 =	sne.s32 s14, s16  }
.Ltmp2:
0x31c: {  	_ = 	snop;
	(pc) =	sbr.rel @p0 .LBB2_1-.Ltmp2, $3  }
0x31d: {  	_ =	sdelay $0x1  }
0x31e: {  	[sflag:s18] =	ssyncset.done $0x0  }
0x31f: {  	[sflag:s18] =	ssyncadd.s32 $0xFFFFD800  }
0x320: {  	_ =	sfence.sel $0x180000  }
0x321: {  	[bflag:$0x0] =	sbarrier.arrive $0xFFFF  }
0x322: {  	_ =	strace $0x9000004A  }
0x323: {  	s0 =	stileid.u32;
	[bflag:$0x2] =	sbarrier.arrive $0xFFFF  }
0x324: {  	p0 =	sne.s32 s0, $0x0;
	s0 =	rddreg [dreg:$0x3]  }
0x325: {  	s0 =	sadd.s32 @!p0 $0x100000, s0  }
0x326: {  	[sflag:s0] =	ssyncadd.tile.s32 @!p0 $0x1;
	_ =	shalt  }
.Lfunc_end2:
_tile_overlayer_lowered:
.L_overlay_start_2:
0x327: {  	(tag) =	ssettag $0x2  }
0x328: {  	s0 =	rddreg [dreg:$0x0];
	s2 =	stileid.u32  }
0x329: {  	s1 =	rddreg [dreg:$0x1];
	p0 =	sne.s32 s2, $0x0  }
0x32a: {  	s3 =	rddreg [dreg:$0x2];
	[bflag:$0x3] =	sbarrier.arrive $0xFFFF;
	s2 =	simm.s32 @!p0 $0x1C0B  }
0x32b: {  	[timem:s3], [sflag:s2] =	dma.local @!p0 [hbm:s0], s1  }
0x32c: {  	s0 =	simm.s32 @!p0 $0xB  }
0x32d: {  	_ =	swait.ge @!p0 [sflag:s0], s1  }
0x32e: {  	s1 =	ssub.s32 @!p0 $0x0, s1;
	[sflag:s0] =	ssyncset.done @!p0 $0x0  }
0x32f: {  	[sflag:s0] =	ssyncadd.s32 @!p0 s1  }
0x330: {  	[bflag:$0x3] =	sbarrier.arrive $0xFFFF  }
0x331: {  	_ =	shalt  }

</sc_bundles>
